<compile_context>
chip_gen: v7x
topology: tpu7x:2x2x1
jax: 0.10.2.dev20260603
libtpu: 0.0.44.dev20260713+nightly
codegen_flags: <defaults>
</compile_context>

<pallas_src>
import functools

import jax
import jax.numpy as jnp
from jax.experimental import pallas as pl
from jax.experimental.pallas import tpu as pltpu
from jax.experimental.pallas import tpu_sc as plsc

_GATHER_WINDOW = 128
_BLK = 1024
_CHUNKS = 2


def _sc_gather4(refs, idx2d, chunk, bc):
    d = refs.shape[1]
    mesh = plsc.VectorSubcoreMesh(core_axis_name="core", subcore_axis_name="subcore")
    k = bc // _GATHER_WINDOW
    base = chunk * k

    @functools.partial(
        pl.kernel,
        out_type=jax.ShapeDtypeStruct((4 * bc, d), refs.dtype),
        mesh=mesh,
    )
    def gather_kernel(x_hbm, i_hbm, o_hbm):
        def body(i_vmem, o_vmem):
            pltpu.sync_copy(x_hbm.at[i_vmem.at[0]], o_vmem)

        pltpu.emit_pipeline(
            body,
            grid=(4 * k,),
            in_specs=[pl.BlockSpec((1, _GATHER_WINDOW),
                                   index_map=lambda i: (i // k, i % k + base))],
            out_specs=[pl.BlockSpec((_GATHER_WINDOW, d),
                                    index_map=lambda i: (i, 0))],
            core_axis_name=("core", "subcore"),
            dimension_semantics=(pltpu.PARALLEL,),
        )(i_hbm, o_hbm)

    return gather_kernel(refs, idx2d)


def _loss_kernel(gi, go, gn, gm, win, wout, *rest, inv_scale, has_acc):
    if has_acc:
        acc, out_ref = rest
    else:
        (out_ref,) = rest
    i = pl.program_id(0)
    nsteps = pl.num_programs(0)

    f32 = jnp.float32
    iv = jnp.dot(gi[...], win[...], preferred_element_type=f32, precision=jax.lax.Precision.DEFAULT)
    ov = jnp.dot(go[...], wout[...], preferred_element_type=f32, precision=jax.lax.Precision.DEFAULT)
    nv = jnp.dot(gn[...], win[...], preferred_element_type=f32, precision=jax.lax.Precision.DEFAULT)
    mv = jnp.dot(gm[...], wout[...], preferred_element_type=f32, precision=jax.lax.Precision.DEFAULT)

    eps = 1e-6
    margin = 1.0 - 0.05
    inv_pi = 1.0 / jnp.pi

    n2_i = jnp.sum(iv * iv, axis=1)
    n2_o = jnp.sum(ov * ov, axis=1)
    n2_n = jnp.sum(nv * nv, axis=1)
    n2_m = jnp.sum(mv * mv, axis=1)

    dp_pos = jnp.sum(iv * ov, axis=1)
    dp_neg = jnp.sum(nv * mv, axis=1)

    eps2 = eps * eps
    cos_pos = dp_pos * jax.lax.rsqrt(jnp.maximum(n2_i, eps2) * jnp.maximum(n2_o, eps2))
    cos_neg = dp_neg * jax.lax.rsqrt(jnp.maximum(n2_n, eps2) * jnp.maximum(n2_m, eps2))
    rad_pos = jnp.sqrt(n2_i * n2_o)
    rad_neg = jnp.sqrt(n2_n * n2_m)

    def _arccos(x):
        y = jnp.abs(x)
        p = jnp.float32(-0.0012624911)
        p = p * y + jnp.float32(0.0066700901)
        p = p * y + jnp.float32(-0.0170881256)
        p = p * y + jnp.float32(0.0308918810)
        p = p * y + jnp.float32(-0.0501743046)
        p = p * y + jnp.float32(0.0889789874)
        p = p * y + jnp.float32(-0.2145988016)
        p = p * y + jnp.float32(1.5707963050)
        r = jnp.sqrt(1.0 - y) * p
        return jnp.where(x >= 0, r, jnp.float32(jnp.pi) - r)

    ang_pos = _arccos(margin * cos_pos)
    ang_neg = _arccos(margin * cos_neg)

    z_pos = ang_pos * rad_pos * inv_pi
    z_neg = ang_neg * rad_neg * inv_pi

    u = jnp.exp(-z_pos)
    v = jnp.exp(-z_neg)
    blk_sum = jnp.sum(z_pos + jnp.log((1.0 + u) * (1.0 + v)))

    @pl.when(i == 0)
    def _():
        out_ref[0, 0] = acc[0, 0] if has_acc else 0.0

    out_ref[0, 0] += blk_sum

    if inv_scale is not None:
        @pl.when(i == nsteps - 1)
        def _():
            out_ref[0, 0] = out_ref[0, 0] * inv_scale


def _loss_tc(g, w_in, w_out, batch, acc, inv_scale):
    k = batch // _BLK
    d = g.shape[1]
    row_spec = lambda off: pl.BlockSpec((_BLK, d), lambda i, off=off: (i + off, 0))
    w_spec = pl.BlockSpec((d, w_in.shape[1]), lambda i: (0, 0))
    has_acc = acc is not None
    in_specs = [row_spec(0), row_spec(k), row_spec(2 * k), row_spec(3 * k),
                w_spec, w_spec]
    args = [g, g, g, g, w_in, w_out]
    if has_acc:
        in_specs.append(pl.BlockSpec(memory_space=pltpu.MemorySpace.SMEM))
        args.append(acc)
    return pl.pallas_call(
        functools.partial(_loss_kernel, inv_scale=inv_scale, has_acc=has_acc),
        grid=(k,),
        in_specs=in_specs,
        out_specs=pl.BlockSpec(memory_space=pltpu.MemorySpace.SMEM),
        out_shape=jax.ShapeDtypeStruct((1, 1), jnp.float32),
        compiler_params=pltpu.CompilerParams(
            dimension_semantics=("arbitrary",),
        ),
    )(*args)


def kernel(iword, oword, inword, onword, refs, W_in, W_out):
    batch = iword.shape[0]
    bc = batch // _CHUNKS
    idx2d = jnp.stack([iword, oword, inword, onword]).astype(jnp.int32)
    acc = None
    for c in range(_CHUNKS):
        g = _sc_gather4(refs, idx2d, c, bc)
        acc = _loss_tc(g, W_in, W_out, bc, acc,
                       inv_scale=(1.0 / batch) if c == _CHUNKS - 1 else None)
    return acc.reshape(())

# --- scband reference (transcript-rebuilt; emitter-appended) ---
"""Pipeline reference for scband-ref2-vec-quadlet-angular-loss-19679540150974 (READ-ONLY COPY).

The authoritative reference and input builder live on the scoring server;
editing this copy changes nothing except your own understanding.
"""

import jax, jax.numpy as jnp
import numpy as np

VOCAB = 100000
N_REFS = 256
DIM = 128
B = 16384


def setup_inputs(seed: int = 0) -> dict:
    key = jax.random.key(seed)
    k1, k2, k3, k4, k5, k6, k7 = jax.random.split(key, 7)
    return {
        "iword": jax.random.randint(k1, (B,), 0, VOCAB, dtype=jnp.int64 if jax.config.jax_enable_x64 else jnp.int32),
        "oword": jax.random.randint(k2, (B,), 0, VOCAB, dtype=jnp.int64 if jax.config.jax_enable_x64 else jnp.int32),
        "inword": jax.random.randint(k3, (B,), 0, VOCAB, dtype=jnp.int64 if jax.config.jax_enable_x64 else jnp.int32),
        "onword": jax.random.randint(k4, (B,), 0, VOCAB, dtype=jnp.int64 if jax.config.jax_enable_x64 else jnp.int32),
        "refs": jax.random.normal(k5, (VOCAB, N_REFS), dtype=jnp.float32) * 0.1,
        "W_in": jax.random.normal(k6, (N_REFS, DIM), dtype=jnp.float32) * 0.1,
        "W_out": jax.random.normal(k7, (N_REFS, DIM), dtype=jnp.float32) * 0.1,
    }


def _cosine_sim(a, b, eps=1e-6):
    na = jnp.maximum(jnp.linalg.norm(a, axis=1), eps)
    nb = jnp.maximum(jnp.linalg.norm(b, axis=1), eps)
    return jnp.sum(a * b, axis=1) / (na * nb)


def reference(iword, oword, inword, onword, refs, W_in, W_out):
    margin = 1.0 - 0.05
    # embedding.forward(refs[word,:], inner=True/False) modeled as linear projection
    ivectors = jnp.take(refs, iword, axis=0) @ W_in
    ovectors = jnp.take(refs, oword, axis=0) @ W_out
    invectors = jnp.take(refs, inword, axis=0) @ W_in
    onvectors = jnp.take(refs, onword, axis=0) @ W_out
    # normalize == False branch
    pos_angle = jnp.arccos(margin * _cosine_sim(ivectors, ovectors))
    neg_angle = jnp.arccos(margin * _cosine_sim(invectors, onvectors))
    pos_rad = jnp.linalg.norm(ivectors, axis=1) * jnp.linalg.norm(ovectors, axis=1)
    neg_rad = jnp.linalg.norm(invectors, axis=1) * jnp.linalg.norm(onvectors, axis=1)
    oloss = jax.nn.log_sigmoid(-pos_angle * pos_rad / np.pi)
    nloss = jax.nn.log_sigmoid(neg_angle * neg_rad / np.pi)
    return -(oloss + nloss).mean()

if __name__ == "__main__":
    import jax
    _d = setup_inputs()
    print(jax.jit(kernel)(*tuple(_d.values())))

</pallas_src>

<mosaic_0001>
#map = affine_map<(d0, d1) -> (0, 0)>
module attributes {stable_mosaic.version = 14 : i64} {
  func.func @gather_kernel(%arg0: i32, %arg1: i32, %arg2: memref<100000x256xf32, #tpu.memory_space<hbm>>, %arg3: memref<4x16384xi32, #tpu.memory_space<hbm>>, %arg4: memref<32768x256xf32, #tpu.memory_space<hbm>>) attributes {dimension_semantics = [#tpu.dimension_semantics<core_parallel>, #tpu.dimension_semantics<subcore_parallel>], iteration_bounds = array<i64: 2, 16>, scalar_prefetch = 0 : i64, scratch_operands = 0 : i64, tpu.core_type = #tpu.core_type<sc_vector_subcore>, window_params = [{transform_indices = #map}, {transform_indices = #map}, {transform_indices = #map}]} {
    %mul3A = arith.constant 1 : i32
    %mul3A_0 = arith.muli %arg1, %mul3A : i32
    %add3A = arith.constant 0 : i32
    %add3A_1 = arith.addi %add3A, %mul3A_0 : i32
    %mul3A_2 = arith.constant 16 : i32
    %mul3A_3 = arith.muli %arg0, %mul3A_2 : i32
    %add3A_4 = arith.addi %add3A_1, %mul3A_3 : i32
    %mul3A_5 = arith.constant 8 : i32
    %mul3A_6 = arith.muli %add3A_4, %mul3A_5 : i32
    "tpu.region"() ({
      %run_scoped3A = memref.alloca() : memref<2x1x128xi32, #tpu.memory_space<vmem>>
      %run_scoped3A_7 = tpu.sem_alloc : memref<2x!tpu.dma_semaphore, #tpu.memory_space<semaphore_mem>>
      %run_scoped3A_8 = memref.alloca() : memref<2x128x256xf32, #tpu.memory_space<vmem>>
      %run_scoped3A_9 = tpu.sem_alloc : memref<2x!tpu.dma_semaphore, #tpu.memory_space<semaphore_mem>>
      %add3A_10 = arith.constant 0 : i32
      %add3A_11 = arith.addi %add3A_10, %mul3A_6 : i32
      %select_n3A = arith.constant true
      %select_n3A_12 = arith.constant 0 : i32
      %select_n3A_13 = arith.constant -1 : i32
      %select_n3A_14 = arith.select %select_n3A, %select_n3A_13, %select_n3A_12 : i32
      %eq3A = arith.constant -1 : i32
      %eq3A_15 = arith.cmpi eq, %select_n3A_14, %eq3A : i32
      %select_n3A_16 = arith.constant 7 : i32
      %select_n3A_17 = arith.select %eq3A_15, %select_n3A_16, %select_n3A_14 : i32
      %add3A_18 = arith.addi %select_n3A_17, %mul3A_6 : i32
      %select_n3A_19 = arith.constant true
      %select_n3A_20 = arith.constant 0 : i32
      %select_n3A_21 = arith.constant 1 : i32
      %select_n3A_22 = arith.select %select_n3A_19, %select_n3A_21, %select_n3A_20 : i32
      %eq3A_23 = arith.constant 8 : i32
      %eq3A_24 = arith.cmpi eq, %select_n3A_22, %eq3A_23 : i32
      %select_n3A_25 = arith.constant 0 : i32
      %select_n3A_26 = arith.select %eq3A_24, %select_n3A_25, %select_n3A_22 : i32
      %add3A_27 = arith.addi %select_n3A_26, %mul3A_6 : i32
      %add3A_28 = arith.constant 1 : i32
      %add3A_29 = arith.addi %select_n3A_26, %add3A_28 : i32
      %select_n3A_30 = arith.constant true
      %select_n3A_31 = arith.select %select_n3A_30, %add3A_29, %select_n3A_26 : i32
      %eq3A_32 = arith.constant 8 : i32
      %eq3A_33 = arith.cmpi eq, %select_n3A_31, %eq3A_32 : i32
      %select_n3A_34 = arith.constant 0 : i32
      %select_n3A_35 = arith.select %eq3A_33, %select_n3A_34, %select_n3A_31 : i32
      %add3A_36 = arith.addi %select_n3A_35, %mul3A_6 : i32
      "tpu.trace_start"() <{level = 10 : i32, message = "ep_initialize_0"}> : () -> ()
      %rem3A = arith.constant 0 : i32
      %rem3A_37 = arith.constant 2 : i32
      %rem3A_38 = arith.remui %rem3A, %rem3A_37 : i32
      %jit3A = arith.constant 64 : i32
      %div3A = arith.divsi %add3A_11, %jit3A : i32
      %sign3A = arith.constant 0 : i32
      %sign3A_39 = arith.cmpi sgt, %add3A_11, %sign3A : i32
      %sign3A_40 = arith.extui %sign3A_39 : i1 to i32
      %sign3A_41 = arith.constant 0 : i32
      %sign3A_42 = arith.cmpi slt, %add3A_11, %sign3A_41 : i32
      %sign3A_43 = arith.extui %sign3A_42 : i1 to i32
      %sign3A_44 = arith.subi %sign3A_40, %sign3A_43 : i32
      %sign3A_45 = arith.constant 0 : i32
      %sign3A_46 = arith.cmpi sgt, %jit3A, %sign3A_45 : i32
      %sign3A_47 = arith.extui %sign3A_46 : i1 to i32
      %sign3A_48 = arith.constant 0 : i32
      %sign3A_49 = arith.cmpi slt, %jit3A, %sign3A_48 : i32
      %sign3A_50 = arith.extui %sign3A_49 : i1 to i32
      %sign3A_51 = arith.subi %sign3A_47, %sign3A_50 : i32
      %ne3A = arith.cmpi ne, %sign3A_44, %sign3A_51 : i32
      %rem3A_52 = arith.remsi %add3A_11, %jit3A : i32
      %ne3A_53 = arith.constant 0 : i32
      %ne3A_54 = arith.cmpi ne, %rem3A_52, %ne3A_53 : i32
      %and3A = arith.andi %ne3A, %ne3A_54 : i1
      %sub3A = arith.constant 1 : i32
      %sub3A_55 = arith.subi %div3A, %sub3A : i32
      %select_n3A_56 = arith.select %and3A, %sub3A_55, %div3A : i32
      %jit3A_57 = arith.constant 64 : i32
      %eq3A_58 = arith.constant 0 : i32
      %eq3A_59 = arith.cmpi eq, %jit3A_57, %eq3A_58 : i32
      %jit3A_60 = arith.constant 1 : i32
      %select_n3A_61 = arith.select %eq3A_59, %jit3A_60, %jit3A_57 : i32
      %rem3A_62 = arith.remsi %add3A_11, %select_n3A_61 : i32
      %ne3A_63 = arith.constant 0 : i32
      %ne3A_64 = arith.cmpi ne, %rem3A_62, %ne3A_63 : i32
      %lt3A = arith.constant 0 : i32
      %lt3A_65 = arith.cmpi slt, %rem3A_62, %lt3A : i32
      %lt3A_66 = arith.constant 0 : i32
      %lt3A_67 = arith.cmpi slt, %select_n3A_61, %lt3A_66 : i32
      %ne3A_68 = arith.xori %lt3A_65, %lt3A_67 : i1
      %and3A_69 = arith.andi %ne3A_68, %ne3A_64 : i1
      %add3A_70 = arith.addi %rem3A_62, %select_n3A_61 : i32
      %select_n3A_71 = arith.select %and3A_69, %add3A_70, %rem3A_62 : i32
      %add3A_72 = arith.constant 64 : i32
      %add3A_73 = arith.addi %select_n3A_71, %add3A_72 : i32
      %mul3A_74 = arith.constant 1 : i32
      %mul3A_75 = arith.muli %mul3A_74, %select_n3A_56 : i32
      %mul3A_76 = arith.constant 128 : i32
      %mul3A_77 = arith.muli %mul3A_76, %add3A_73 : i32
      %dma_start3A = arith.constant 0 : i32
      %dma_start3A_78 = arith.constant 0 : i32
      %dma_start3A_79 = tpu.memref_slice %run_scoped3A[%rem3A_38, %dma_start3A, %dma_start3A_78] : memref<2x1x128xi32, #tpu.memory_space<vmem>> -> memref<1x1x128xi32, #tpu.memory_space<vmem>>
      %dma_start3A_80 = tpu.memref_squeeze %dma_start3A_79 : memref<1x1x128xi32, #tpu.memory_space<vmem>> -> memref<1x128xi32, #tpu.memory_space<vmem>>
      %dma_start3A_81 = tpu.memref_slice %arg3[%mul3A_75, %mul3A_77] : memref<4x16384xi32, #tpu.memory_space<hbm>> -> memref<1x128xi32, #tpu.memory_space<hbm>>
      %dma_start3A_82 = tpu.memref_slice %run_scoped3A_7[%rem3A_38] : memref<2x!tpu.dma_semaphore, #tpu.memory_space<semaphore_mem>> -> memref<1x!tpu.dma_semaphore, #tpu.memory_space<semaphore_mem>>
      %dma_start3A_83 = tpu.memref_squeeze %dma_start3A_82 : memref<1x!tpu.dma_semaphore, #tpu.memory_space<semaphore_mem>> -> memref<!tpu.dma_semaphore, #tpu.memory_space<semaphore_mem>>
      %dma_start3A_84 = arith.constant 0 : i32
      %dma_start3A_85 = arith.constant 0 : i32
      %dma_start3A_86 = tpu.memref_slice %run_scoped3A[%rem3A_38, %dma_start3A_84, %dma_start3A_85] : memref<2x1x128xi32, #tpu.memory_space<vmem>> -> memref<1x1x128xi32, #tpu.memory_space<vmem>>
      %dma_start3A_87 = tpu.memref_squeeze %dma_start3A_86 : memref<1x1x128xi32, #tpu.memory_space<vmem>> -> memref<1x128xi32, #tpu.memory_space<vmem>>
      %dma_start3A_88 = tpu.memref_slice %arg3[%mul3A_75, %mul3A_77] : memref<4x16384xi32, #tpu.memory_space<hbm>> -> memref<1x128xi32, #tpu.memory_space<hbm>>
      tpu.enqueue_dma source(%dma_start3A_88 : memref<1x128xi32, #tpu.memory_space<hbm>>) target(%dma_start3A_87 : memref<1x128xi32, #tpu.memory_space<vmem>>) target_semaphore(%dma_start3A_83 : memref<!tpu.dma_semaphore, #tpu.memory_space<semaphore_mem>>)
      %add3A_89 = arith.constant 0 : i32
      %add3A_90 = arith.constant 1 : i32
      %add3A_91 = arith.addi %add3A_89, %add3A_90 : i32
      %select_n3A_92 = arith.constant true
      %select_n3A_93 = arith.constant 0 : i32
      %select_n3A_94 = arith.select %select_n3A_92, %add3A_91, %select_n3A_93 : i32
      "tpu.trace_stop"() : () -> ()
      %scan3A = arith.constant 0 : i32
      %scan3A_95 = arith.constant 0 : i32
      %scan3A_96 = arith.constant 0 : i32
      %scan3A_97 = arith.constant 0 : i32
      %scan3A_98 = arith.constant 0 : i32
      %scan3A_99 = arith.constant 8 : i32
      %scan3A_100 = arith.addi %scan3A_98, %scan3A_99 : i32
      %scan3A_101 = arith.constant 1 : i32
      %scan3A_102:5 = scf.for %scan3A_157 = %scan3A_98 to %scan3A_100 step %scan3A_101 iter_args(%scan3A_158 = %select_n3A_94, %scan3A_159 = %scan3A, %scan3A_160 = %scan3A_95, %scan3A_161 = %scan3A_96, %scan3A_162 = %scan3A_97) -> (i32, i32, i32, i32, i32)  : i32 {
        %eq3A_163 = arith.constant 0 : i32
        %eq3A_164 = arith.cmpi eq, %scan3A_157, %eq3A_163 : i32
        %eq3A_165 = arith.constant 7 : i32
        %eq3A_166 = arith.cmpi eq, %scan3A_157, %eq3A_165 : i32
        %add3A_167 = arith.addi %scan3A_162, %mul3A_6 : i32
        %sub3A_168 = arith.constant 1 : i32
        %sub3A_169 = arith.subi %scan3A_162, %sub3A_168 : i32
        %select_n3A_170 = arith.constant true
        %select_n3A_171 = arith.select %select_n3A_170, %sub3A_169, %scan3A_162 : i32
        %eq3A_172 = arith.constant -1 : i32
        %eq3A_173 = arith.cmpi eq, %select_n3A_171, %eq3A_172 : i32
        %select_n3A_174 = arith.constant 7 : i32
        %select_n3A_175 = arith.select %eq3A_173, %select_n3A_174, %select_n3A_171 : i32
        %add3A_176 = arith.addi %select_n3A_175, %mul3A_6 : i32
        %add3A_177 = arith.constant 1 : i32
        %add3A_178 = arith.addi %scan3A_162, %add3A_177 : i32
        %select_n3A_179 = arith.constant true
        %select_n3A_180 = arith.select %select_n3A_179, %add3A_178, %scan3A_162 : i32
        %eq3A_181 = arith.constant 8 : i32
        %eq3A_182 = arith.cmpi eq, %select_n3A_180, %eq3A_181 : i32
        %select_n3A_183 = arith.constant 0 : i32
        %select_n3A_184 = arith.select %eq3A_182, %select_n3A_183, %select_n3A_180 : i32
        %add3A_185 = arith.addi %select_n3A_184, %mul3A_6 : i32
        %add3A_186 = arith.constant 1 : i32
        %add3A_187 = arith.addi %select_n3A_184, %add3A_186 : i32
        %select_n3A_188 = arith.constant true
        %select_n3A_189 = arith.select %select_n3A_188, %add3A_187, %select_n3A_184 : i32
        %eq3A_190 = arith.constant 8 : i32
        %eq3A_191 = arith.cmpi eq, %select_n3A_189, %eq3A_190 : i32
        %select_n3A_192 = arith.constant 0 : i32
        %select_n3A_193 = arith.select %eq3A_191, %select_n3A_192, %select_n3A_189 : i32
        %add3A_194 = arith.addi %select_n3A_193, %mul3A_6 : i32
        %jit3A_195 = arith.constant 64 : i32
        %div3A_196 = arith.divsi %add3A_167, %jit3A_195 : i32
        %sign3A_197 = arith.constant 0 : i32
        %sign3A_198 = arith.cmpi sgt, %add3A_167, %sign3A_197 : i32
        %sign3A_199 = arith.extui %sign3A_198 : i1 to i32
        %sign3A_200 = arith.constant 0 : i32
        %sign3A_201 = arith.cmpi slt, %add3A_167, %sign3A_200 : i32
        %sign3A_202 = arith.extui %sign3A_201 : i1 to i32
        %sign3A_203 = arith.subi %sign3A_199, %sign3A_202 : i32
        %sign3A_204 = arith.constant 0 : i32
        %sign3A_205 = arith.cmpi sgt, %jit3A_195, %sign3A_204 : i32
        %sign3A_206 = arith.extui %sign3A_205 : i1 to i32
        %sign3A_207 = arith.constant 0 : i32
        %sign3A_208 = arith.cmpi slt, %jit3A_195, %sign3A_207 : i32
        %sign3A_209 = arith.extui %sign3A_208 : i1 to i32
        %sign3A_210 = arith.subi %sign3A_206, %sign3A_209 : i32
        %ne3A_211 = arith.cmpi ne, %sign3A_203, %sign3A_210 : i32
        %rem3A_212 = arith.remsi %add3A_167, %jit3A_195 : i32
        %ne3A_213 = arith.constant 0 : i32
        %ne3A_214 = arith.cmpi ne, %rem3A_212, %ne3A_213 : i32
        %and3A_215 = arith.andi %ne3A_211, %ne3A_214 : i1
        %sub3A_216 = arith.constant 1 : i32
        %sub3A_217 = arith.subi %div3A_196, %sub3A_216 : i32
        %select_n3A_218 = arith.select %and3A_215, %sub3A_217, %div3A_196 : i32
        %jit3A_219 = arith.constant 64 : i32
        %eq3A_220 = arith.constant 0 : i32
        %eq3A_221 = arith.cmpi eq, %jit3A_219, %eq3A_220 : i32
        %jit3A_222 = arith.constant 1 : i32
        %select_n3A_223 = arith.select %eq3A_221, %jit3A_222, %jit3A_219 : i32
        %rem3A_224 = arith.remsi %add3A_167, %select_n3A_223 : i32
        %ne3A_225 = arith.constant 0 : i32
        %ne3A_226 = arith.cmpi ne, %rem3A_224, %ne3A_225 : i32
        %lt3A_227 = arith.constant 0 : i32
        %lt3A_228 = arith.cmpi slt, %rem3A_224, %lt3A_227 : i32
        %lt3A_229 = arith.constant 0 : i32
        %lt3A_230 = arith.cmpi slt, %select_n3A_223, %lt3A_229 : i32
        %ne3A_231 = arith.xori %lt3A_228, %lt3A_230 : i1
        %and3A_232 = arith.andi %ne3A_231, %ne3A_226 : i1
        %add3A_233 = arith.addi %rem3A_224, %select_n3A_223 : i32
        %select_n3A_234 = arith.select %and3A_232, %add3A_233, %rem3A_224 : i32
        %add3A_235 = arith.constant 64 : i32
        %add3A_236 = arith.addi %select_n3A_234, %add3A_235 : i32
        %jit3A_237 = arith.constant 64 : i32
        %div3A_238 = arith.divsi %add3A_185, %jit3A_237 : i32
        %sign3A_239 = arith.constant 0 : i32
        %sign3A_240 = arith.cmpi sgt, %add3A_185, %sign3A_239 : i32
        %sign3A_241 = arith.extui %sign3A_240 : i1 to i32
        %sign3A_242 = arith.constant 0 : i32
        %sign3A_243 = arith.cmpi slt, %add3A_185, %sign3A_242 : i32
        %sign3A_244 = arith.extui %sign3A_243 : i1 to i32
        %sign3A_245 = arith.subi %sign3A_241, %sign3A_244 : i32
        %sign3A_246 = arith.constant 0 : i32
        %sign3A_247 = arith.cmpi sgt, %jit3A_237, %sign3A_246 : i32
        %sign3A_248 = arith.extui %sign3A_247 : i1 to i32
        %sign3A_249 = arith.constant 0 : i32
        %sign3A_250 = arith.cmpi slt, %jit3A_237, %sign3A_249 : i32
        %sign3A_251 = arith.extui %sign3A_250 : i1 to i32
        %sign3A_252 = arith.subi %sign3A_248, %sign3A_251 : i32
        %ne3A_253 = arith.cmpi ne, %sign3A_245, %sign3A_252 : i32
        %rem3A_254 = arith.remsi %add3A_185, %jit3A_237 : i32
        %ne3A_255 = arith.constant 0 : i32
        %ne3A_256 = arith.cmpi ne, %rem3A_254, %ne3A_255 : i32
        %and3A_257 = arith.andi %ne3A_253, %ne3A_256 : i1
        %sub3A_258 = arith.constant 1 : i32
        %sub3A_259 = arith.subi %div3A_238, %sub3A_258 : i32
        %select_n3A_260 = arith.select %and3A_257, %sub3A_259, %div3A_238 : i32
        %jit3A_261 = arith.constant 64 : i32
        %eq3A_262 = arith.constant 0 : i32
        %eq3A_263 = arith.cmpi eq, %jit3A_261, %eq3A_262 : i32
        %jit3A_264 = arith.constant 1 : i32
        %select_n3A_265 = arith.select %eq3A_263, %jit3A_264, %jit3A_261 : i32
        %rem3A_266 = arith.remsi %add3A_185, %select_n3A_265 : i32
        %ne3A_267 = arith.constant 0 : i32
        %ne3A_268 = arith.cmpi ne, %rem3A_266, %ne3A_267 : i32
        %lt3A_269 = arith.constant 0 : i32
        %lt3A_270 = arith.cmpi slt, %rem3A_266, %lt3A_269 : i32
        %lt3A_271 = arith.constant 0 : i32
        %lt3A_272 = arith.cmpi slt, %select_n3A_265, %lt3A_271 : i32
        %ne3A_273 = arith.xori %lt3A_270, %lt3A_272 : i1
        %and3A_274 = arith.andi %ne3A_273, %ne3A_268 : i1
        %add3A_275 = arith.addi %rem3A_266, %select_n3A_265 : i32
        %select_n3A_276 = arith.select %and3A_274, %add3A_275, %rem3A_266 : i32
        %add3A_277 = arith.constant 64 : i32
        %add3A_278 = arith.addi %select_n3A_276, %add3A_277 : i32
        %ne3A_279 = arith.cmpi ne, %select_n3A_218, %select_n3A_260 : i32
        %ne3A_280 = arith.cmpi ne, %add3A_236, %add3A_278 : i32
        %or3A = arith.constant false
        %or3A_281 = arith.ori %or3A, %ne3A_279 : i1
        %or3A_282 = arith.ori %or3A_281, %ne3A_280 : i1
        %ge3A = arith.constant 7 : i32
        %ge3A_283 = arith.cmpi sge, %scan3A_157, %ge3A : i32
        %not3A = arith.constant true
        %not3A_284 = arith.xori %ge3A_283, %not3A : i1
        %and3A_285 = arith.andi %or3A_282, %not3A_284 : i1
        %convert_element_type3A = arith.extui %and3A_285 : i1 to i32
        %cond3A = arith.constant 0 : i32
        %cond3A_286 = arith.cmpi ne, %convert_element_type3A, %cond3A : i32
        scf.if %cond3A_286 {
          "tpu.trace_start"() <{level = 10 : i32, message = "ep_copy_in"}> : () -> ()
          %rem3A_732 = arith.constant 2 : i32
          %rem3A_733 = arith.remui %scan3A_158, %rem3A_732 : i32
          %jit3A_734 = arith.constant 64 : i32
          %div3A_735 = arith.divsi %add3A_185, %jit3A_734 : i32
          %sign3A_736 = arith.constant 0 : i32
          %sign3A_737 = arith.cmpi sgt, %add3A_185, %sign3A_736 : i32
          %sign3A_738 = arith.extui %sign3A_737 : i1 to i32
          %sign3A_739 = arith.constant 0 : i32
          %sign3A_740 = arith.cmpi slt, %add3A_185, %sign3A_739 : i32
          %sign3A_741 = arith.extui %sign3A_740 : i1 to i32
          %sign3A_742 = arith.subi %sign3A_738, %sign3A_741 : i32
          %sign3A_743 = arith.constant 0 : i32
          %sign3A_744 = arith.cmpi sgt, %jit3A_734, %sign3A_743 : i32
          %sign3A_745 = arith.extui %sign3A_744 : i1 to i32
          %sign3A_746 = arith.constant 0 : i32
          %sign3A_747 = arith.cmpi slt, %jit3A_734, %sign3A_746 : i32
          %sign3A_748 = arith.extui %sign3A_747 : i1 to i32
          %sign3A_749 = arith.subi %sign3A_745, %sign3A_748 : i32
          %ne3A_750 = arith.cmpi ne, %sign3A_742, %sign3A_749 : i32
          %rem3A_751 = arith.remsi %add3A_185, %jit3A_734 : i32
          %ne3A_752 = arith.constant 0 : i32
          %ne3A_753 = arith.cmpi ne, %rem3A_751, %ne3A_752 : i32
          %and3A_754 = arith.andi %ne3A_750, %ne3A_753 : i1
          %sub3A_755 = arith.constant 1 : i32
          %sub3A_756 = arith.subi %div3A_735, %sub3A_755 : i32
          %select_n3A_757 = arith.select %and3A_754, %sub3A_756, %div3A_735 : i32
          %jit3A_758 = arith.constant 64 : i32
          %eq3A_759 = arith.constant 0 : i32
          %eq3A_760 = arith.cmpi eq, %jit3A_758, %eq3A_759 : i32
          %jit3A_761 = arith.constant 1 : i32
          %select_n3A_762 = arith.select %eq3A_760, %jit3A_761, %jit3A_758 : i32
          %rem3A_763 = arith.remsi %add3A_185, %select_n3A_762 : i32
          %ne3A_764 = arith.constant 0 : i32
          %ne3A_765 = arith.cmpi ne, %rem3A_763, %ne3A_764 : i32
          %lt3A_766 = arith.constant 0 : i32
          %lt3A_767 = arith.cmpi slt, %rem3A_763, %lt3A_766 : i32
          %lt3A_768 = arith.constant 0 : i32
          %lt3A_769 = arith.cmpi slt, %select_n3A_762, %lt3A_768 : i32
          %ne3A_770 = arith.xori %lt3A_767, %lt3A_769 : i1
          %and3A_771 = arith.andi %ne3A_770, %ne3A_765 : i1
          %add3A_772 = arith.addi %rem3A_763, %select_n3A_762 : i32
          %select_n3A_773 = arith.select %and3A_771, %add3A_772, %rem3A_763 : i32
          %add3A_774 = arith.constant 64 : i32
          %add3A_775 = arith.addi %select_n3A_773, %add3A_774 : i32
          %mul3A_776 = arith.constant 1 : i32
          %mul3A_777 = arith.muli %mul3A_776, %select_n3A_757 : i32
          %mul3A_778 = arith.constant 128 : i32
          %mul3A_779 = arith.muli %mul3A_778, %add3A_775 : i32
          %dma_start3A_780 = arith.constant 0 : i32
          %dma_start3A_781 = arith.constant 0 : i32
          %dma_start3A_782 = tpu.memref_slice %run_scoped3A[%rem3A_733, %dma_start3A_780, %dma_start3A_781] : memref<2x1x128xi32, #tpu.memory_space<vmem>> -> memref<1x1x128xi32, #tpu.memory_space<vmem>>
          %dma_start3A_783 = tpu.memref_squeeze %dma_start3A_782 : memref<1x1x128xi32, #tpu.memory_space<vmem>> -> memref<1x128xi32, #tpu.memory_space<vmem>>
          %dma_start3A_784 = tpu.memref_slice %arg3[%mul3A_777, %mul3A_779] : memref<4x16384xi32, #tpu.memory_space<hbm>> -> memref<1x128xi32, #tpu.memory_space<hbm>>
          %dma_start3A_785 = tpu.memref_slice %run_scoped3A_7[%rem3A_733] : memref<2x!tpu.dma_semaphore, #tpu.memory_space<semaphore_mem>> -> memref<1x!tpu.dma_semaphore, #tpu.memory_space<semaphore_mem>>
          %dma_start3A_786 = tpu.memref_squeeze %dma_start3A_785 : memref<1x!tpu.dma_semaphore, #tpu.memory_space<semaphore_mem>> -> memref<!tpu.dma_semaphore, #tpu.memory_space<semaphore_mem>>
          %dma_start3A_787 = arith.constant 0 : i32
          %dma_start3A_788 = arith.constant 0 : i32
          %dma_start3A_789 = tpu.memref_slice %run_scoped3A[%rem3A_733, %dma_start3A_787, %dma_start3A_788] : memref<2x1x128xi32, #tpu.memory_space<vmem>> -> memref<1x1x128xi32, #tpu.memory_space<vmem>>
          %dma_start3A_790 = tpu.memref_squeeze %dma_start3A_789 : memref<1x1x128xi32, #tpu.memory_space<vmem>> -> memref<1x128xi32, #tpu.memory_space<vmem>>
          %dma_start3A_791 = tpu.memref_slice %arg3[%mul3A_777, %mul3A_779] : memref<4x16384xi32, #tpu.memory_space<hbm>> -> memref<1x128xi32, #tpu.memory_space<hbm>>
          tpu.enqueue_dma source(%dma_start3A_791 : memref<1x128xi32, #tpu.memory_space<hbm>>) target(%dma_start3A_790 : memref<1x128xi32, #tpu.memory_space<vmem>>) target_semaphore(%dma_start3A_786 : memref<!tpu.dma_semaphore, #tpu.memory_space<semaphore_mem>>)
          "tpu.trace_stop"() : () -> ()
        } else {
        }
        %and3A_287 = arith.constant true
        %and3A_288 = arith.andi %and3A_285, %and3A_287 : i1
        %add3A_289 = arith.constant 1 : i32
        %add3A_290 = arith.addi %scan3A_158, %add3A_289 : i32
        %select_n3A_291 = arith.select %and3A_288, %add3A_290, %scan3A_158 : i32
        %ne3A_292 = arith.cmpi ne, %add3A_167, %add3A_185 : i32
        %or3A_293 = arith.constant false
        %or3A_294 = arith.ori %or3A_293, %ne3A_292 : i1
        %or3A_295 = arith.constant false
        %or3A_296 = arith.ori %or3A_294, %or3A_295 : i1
        %ge3A_297 = arith.constant 7 : i32
        %ge3A_298 = arith.cmpi sge, %scan3A_157, %ge3A_297 : i32
        %not3A_299 = arith.constant true
        %not3A_300 = arith.xori %ge3A_298, %not3A_299 : i1
        %and3A_301 = arith.andi %or3A_296, %not3A_300 : i1
        %jit3A_302 = arith.constant 64 : i32
        %div3A_303 = arith.divsi %add3A_167, %jit3A_302 : i32
        %sign3A_304 = arith.constant 0 : i32
        %sign3A_305 = arith.cmpi sgt, %add3A_167, %sign3A_304 : i32
        %sign3A_306 = arith.extui %sign3A_305 : i1 to i32
        %sign3A_307 = arith.constant 0 : i32
        %sign3A_308 = arith.cmpi slt, %add3A_167, %sign3A_307 : i32
        %sign3A_309 = arith.extui %sign3A_308 : i1 to i32
        %sign3A_310 = arith.subi %sign3A_306, %sign3A_309 : i32
        %sign3A_311 = arith.constant 0 : i32
        %sign3A_312 = arith.cmpi sgt, %jit3A_302, %sign3A_311 : i32
        %sign3A_313 = arith.extui %sign3A_312 : i1 to i32
        %sign3A_314 = arith.constant 0 : i32
        %sign3A_315 = arith.cmpi slt, %jit3A_302, %sign3A_314 : i32
        %sign3A_316 = arith.extui %sign3A_315 : i1 to i32
        %sign3A_317 = arith.subi %sign3A_313, %sign3A_316 : i32
        %ne3A_318 = arith.cmpi ne, %sign3A_310, %sign3A_317 : i32
        %rem3A_319 = arith.remsi %add3A_167, %jit3A_302 : i32
        %ne3A_320 = arith.constant 0 : i32
        %ne3A_321 = arith.cmpi ne, %rem3A_319, %ne3A_320 : i32
        %and3A_322 = arith.andi %ne3A_318, %ne3A_321 : i1
        %sub3A_323 = arith.constant 1 : i32
        %sub3A_324 = arith.subi %div3A_303, %sub3A_323 : i32
        %select_n3A_325 = arith.select %and3A_322, %sub3A_324, %div3A_303 : i32
        %jit3A_326 = arith.constant 64 : i32
        %eq3A_327 = arith.constant 0 : i32
        %eq3A_328 = arith.cmpi eq, %jit3A_326, %eq3A_327 : i32
        %jit3A_329 = arith.constant 1 : i32
        %select_n3A_330 = arith.select %eq3A_328, %jit3A_329, %jit3A_326 : i32
        %rem3A_331 = arith.remsi %add3A_167, %select_n3A_330 : i32
        %ne3A_332 = arith.constant 0 : i32
        %ne3A_333 = arith.cmpi ne, %rem3A_331, %ne3A_332 : i32
        %lt3A_334 = arith.constant 0 : i32
        %lt3A_335 = arith.cmpi slt, %rem3A_331, %lt3A_334 : i32
        %lt3A_336 = arith.constant 0 : i32
        %lt3A_337 = arith.cmpi slt, %select_n3A_330, %lt3A_336 : i32
        %ne3A_338 = arith.xori %lt3A_335, %lt3A_337 : i1
        %and3A_339 = arith.andi %ne3A_338, %ne3A_333 : i1
        %add3A_340 = arith.addi %rem3A_331, %select_n3A_330 : i32
        %select_n3A_341 = arith.select %and3A_339, %add3A_340, %rem3A_331 : i32
        %add3A_342 = arith.constant 64 : i32
        %add3A_343 = arith.addi %select_n3A_341, %add3A_342 : i32
        %jit3A_344 = arith.constant 64 : i32
        %div3A_345 = arith.divsi %add3A_176, %jit3A_344 : i32
        %sign3A_346 = arith.constant 0 : i32
        %sign3A_347 = arith.cmpi sgt, %add3A_176, %sign3A_346 : i32
        %sign3A_348 = arith.extui %sign3A_347 : i1 to i32
        %sign3A_349 = arith.constant 0 : i32
        %sign3A_350 = arith.cmpi slt, %add3A_176, %sign3A_349 : i32
        %sign3A_351 = arith.extui %sign3A_350 : i1 to i32
        %sign3A_352 = arith.subi %sign3A_348, %sign3A_351 : i32
        %sign3A_353 = arith.constant 0 : i32
        %sign3A_354 = arith.cmpi sgt, %jit3A_344, %sign3A_353 : i32
        %sign3A_355 = arith.extui %sign3A_354 : i1 to i32
        %sign3A_356 = arith.constant 0 : i32
        %sign3A_357 = arith.cmpi slt, %jit3A_344, %sign3A_356 : i32
        %sign3A_358 = arith.extui %sign3A_357 : i1 to i32
        %sign3A_359 = arith.subi %sign3A_355, %sign3A_358 : i32
        %ne3A_360 = arith.cmpi ne, %sign3A_352, %sign3A_359 : i32
        %rem3A_361 = arith.remsi %add3A_176, %jit3A_344 : i32
        %ne3A_362 = arith.constant 0 : i32
        %ne3A_363 = arith.cmpi ne, %rem3A_361, %ne3A_362 : i32
        %and3A_364 = arith.andi %ne3A_360, %ne3A_363 : i1
        %sub3A_365 = arith.constant 1 : i32
        %sub3A_366 = arith.subi %div3A_345, %sub3A_365 : i32
        %select_n3A_367 = arith.select %and3A_364, %sub3A_366, %div3A_345 : i32
        %jit3A_368 = arith.constant 64 : i32
        %eq3A_369 = arith.constant 0 : i32
        %eq3A_370 = arith.cmpi eq, %jit3A_368, %eq3A_369 : i32
        %jit3A_371 = arith.constant 1 : i32
        %select_n3A_372 = arith.select %eq3A_370, %jit3A_371, %jit3A_368 : i32
        %rem3A_373 = arith.remsi %add3A_176, %select_n3A_372 : i32
        %ne3A_374 = arith.constant 0 : i32
        %ne3A_375 = arith.cmpi ne, %rem3A_373, %ne3A_374 : i32
        %lt3A_376 = arith.constant 0 : i32
        %lt3A_377 = arith.cmpi slt, %rem3A_373, %lt3A_376 : i32
        %lt3A_378 = arith.constant 0 : i32
        %lt3A_379 = arith.cmpi slt, %select_n3A_372, %lt3A_378 : i32
        %ne3A_380 = arith.xori %lt3A_377, %lt3A_379 : i1
        %and3A_381 = arith.andi %ne3A_380, %ne3A_375 : i1
        %add3A_382 = arith.addi %rem3A_373, %select_n3A_372 : i32
        %select_n3A_383 = arith.select %and3A_381, %add3A_382, %rem3A_373 : i32
        %add3A_384 = arith.constant 64 : i32
        %add3A_385 = arith.addi %select_n3A_383, %add3A_384 : i32
        %ne3A_386 = arith.cmpi ne, %select_n3A_325, %select_n3A_367 : i32
        %ne3A_387 = arith.cmpi ne, %add3A_343, %add3A_385 : i32
        %or3A_388 = arith.constant false
        %or3A_389 = arith.ori %or3A_388, %ne3A_386 : i1
        %or3A_390 = arith.ori %or3A_389, %ne3A_387 : i1
        %or3A_391 = arith.ori %or3A_390, %eq3A_164 : i1
        %convert_element_type3A_392 = arith.extui %or3A_391 : i1 to i32
        %cond3A_393 = arith.constant 0 : i32
        %cond3A_394 = arith.cmpi ne, %convert_element_type3A_392, %cond3A_393 : i32
        scf.if %cond3A_394 {
          %jit3A_732 = arith.constant 64 : i32
          "tpu.trace_start"() <{level = 10 : i32, message = "ep_wait_in"}> : () -> ()
          %div3A_733 = arith.divsi %add3A_167, %jit3A_732 : i32
          %sign3A_734 = arith.constant 0 : i32
          %sign3A_735 = arith.cmpi sgt, %add3A_167, %sign3A_734 : i32
          %sign3A_736 = arith.extui %sign3A_735 : i1 to i32
          %sign3A_737 = arith.constant 0 : i32
          %sign3A_738 = arith.cmpi slt, %add3A_167, %sign3A_737 : i32
          %sign3A_739 = arith.extui %sign3A_738 : i1 to i32
          %sign3A_740 = arith.subi %sign3A_736, %sign3A_739 : i32
          %sign3A_741 = arith.constant 0 : i32
          %sign3A_742 = arith.cmpi sgt, %jit3A_732, %sign3A_741 : i32
          %sign3A_743 = arith.extui %sign3A_742 : i1 to i32
          %sign3A_744 = arith.constant 0 : i32
          %sign3A_745 = arith.cmpi slt, %jit3A_732, %sign3A_744 : i32
          %sign3A_746 = arith.extui %sign3A_745 : i1 to i32
          %sign3A_747 = arith.subi %sign3A_743, %sign3A_746 : i32
          %ne3A_748 = arith.cmpi ne, %sign3A_740, %sign3A_747 : i32
          %rem3A_749 = arith.remsi %add3A_167, %jit3A_732 : i32
          %ne3A_750 = arith.constant 0 : i32
          %ne3A_751 = arith.cmpi ne, %rem3A_749, %ne3A_750 : i32
          %and3A_752 = arith.andi %ne3A_748, %ne3A_751 : i1
          %sub3A_753 = arith.constant 1 : i32
          %sub3A_754 = arith.subi %div3A_733, %sub3A_753 : i32
          %select_n3A_755 = arith.select %and3A_752, %sub3A_754, %div3A_733 : i32
          %jit3A_756 = arith.constant 64 : i32
          %eq3A_757 = arith.constant 0 : i32
          %eq3A_758 = arith.cmpi eq, %jit3A_756, %eq3A_757 : i32
          %jit3A_759 = arith.constant 1 : i32
          %select_n3A_760 = arith.select %eq3A_758, %jit3A_759, %jit3A_756 : i32
          %rem3A_761 = arith.remsi %add3A_167, %select_n3A_760 : i32
          %ne3A_762 = arith.constant 0 : i32
          %ne3A_763 = arith.cmpi ne, %rem3A_761, %ne3A_762 : i32
          %lt3A_764 = arith.constant 0 : i32
          %lt3A_765 = arith.cmpi slt, %rem3A_761, %lt3A_764 : i32
          %lt3A_766 = arith.constant 0 : i32
          %lt3A_767 = arith.cmpi slt, %select_n3A_760, %lt3A_766 : i32
          %ne3A_768 = arith.xori %lt3A_765, %lt3A_767 : i1
          %and3A_769 = arith.andi %ne3A_768, %ne3A_763 : i1
          %add3A_770 = arith.addi %rem3A_761, %select_n3A_760 : i32
          %select_n3A_771 = arith.select %and3A_769, %add3A_770, %rem3A_761 : i32
          %add3A_772 = arith.constant 64 : i32
          %add3A_773 = arith.addi %select_n3A_771, %add3A_772 : i32
          %mul3A_774 = arith.constant 1 : i32
          %mul3A_775 = arith.muli %mul3A_774, %select_n3A_755 : i32
          %mul3A_776 = arith.constant 128 : i32
          %mul3A_777 = arith.muli %mul3A_776, %add3A_773 : i32
          %rem3A_778 = arith.constant 2 : i32
          %rem3A_779 = arith.remui %scan3A_159, %rem3A_778 : i32
          %dma_wait3A_780 = arith.constant 0 : i32
          %dma_wait3A_781 = arith.constant 0 : i32
          %dma_wait3A_782 = tpu.memref_slice %run_scoped3A[%rem3A_779, %dma_wait3A_780, %dma_wait3A_781] : memref<2x1x128xi32, #tpu.memory_space<vmem>> -> memref<1x1x128xi32, #tpu.memory_space<vmem>>
          %dma_wait3A_783 = tpu.memref_squeeze %dma_wait3A_782 : memref<1x1x128xi32, #tpu.memory_space<vmem>> -> memref<1x128xi32, #tpu.memory_space<vmem>>
          %dma_wait3A_784 = tpu.memref_slice %arg3[%mul3A_775, %mul3A_777] : memref<4x16384xi32, #tpu.memory_space<hbm>> -> memref<1x128xi32, #tpu.memory_space<hbm>>
          %dma_wait3A_785 = tpu.memref_slice %run_scoped3A_7[%rem3A_779] : memref<2x!tpu.dma_semaphore, #tpu.memory_space<semaphore_mem>> -> memref<1x!tpu.dma_semaphore, #tpu.memory_space<semaphore_mem>>
          %dma_wait3A_786 = tpu.memref_squeeze %dma_wait3A_785 : memref<1x!tpu.dma_semaphore, #tpu.memory_space<semaphore_mem>> -> memref<!tpu.dma_semaphore, #tpu.memory_space<semaphore_mem>>
          %dma_wait3A_787 = arith.constant 0 : i32
          %dma_wait3A_788 = arith.constant 0 : i32
          %dma_wait3A_789 = tpu.memref_slice %run_scoped3A[%rem3A_779, %dma_wait3A_787, %dma_wait3A_788] : memref<2x1x128xi32, #tpu.memory_space<vmem>> -> memref<1x1x128xi32, #tpu.memory_space<vmem>>
          %dma_wait3A_790 = tpu.memref_squeeze %dma_wait3A_789 : memref<1x1x128xi32, #tpu.memory_space<vmem>> -> memref<1x128xi32, #tpu.memory_space<vmem>>
          %dma_wait3A_791 = tpu.memref_slice %arg3[%mul3A_775, %mul3A_777] : memref<4x16384xi32, #tpu.memory_space<hbm>> -> memref<1x128xi32, #tpu.memory_space<hbm>>
          tpu.wait_dma2 semaphore(%dma_wait3A_786 : memref<!tpu.dma_semaphore, #tpu.memory_space<semaphore_mem>>) src(%dma_wait3A_791 : memref<1x128xi32, #tpu.memory_space<hbm>>) dst(%dma_wait3A_790 : memref<1x128xi32, #tpu.memory_space<vmem>>)
          "tpu.trace_stop"() : () -> ()
        } else {
        }
        %ne3A_395 = arith.cmpi ne, %add3A_167, %add3A_176 : i32
        %or3A_396 = arith.constant false
        %or3A_397 = arith.ori %or3A_396, %ne3A_395 : i1
        %or3A_398 = arith.constant false
        %or3A_399 = arith.ori %or3A_397, %or3A_398 : i1
        %or3A_400 = arith.ori %or3A_399, %eq3A_164 : i1
        %convert_element_type3A_401 = arith.extui %or3A_400 : i1 to i32
        %cond3A_402 = arith.constant 0 : i32
        %cond3A_403 = arith.cmpi ne, %convert_element_type3A_401, %cond3A_402 : i32
        scf.if %cond3A_403 {
        } else {
        }
        %rem3A_404 = arith.constant 2 : i32
        %rem3A_405 = arith.remui %scan3A_159, %rem3A_404 : i32
        %rem3A_406 = arith.constant 2 : i32
        %rem3A_407 = arith.remui %scan3A_160, %rem3A_406 : i32
        %run_scoped3A_408 = arith.constant 0 : i32
        "tpu.trace_start"() <{level = 10 : i32, message = "ep_run_kernel"}> : () -> ()
        "tpu.region"() ({
          %run_scoped3A_732 = tpu.sem_alloc : memref<!tpu.dma_semaphore, #tpu.memory_space<semaphore_mem>>
          %dma_start3A_733 = arith.constant 0 : i32
          %dma_start3A_734 = arith.constant 0 : i32
          %dma_start3A_735 = tpu.memref_slice %run_scoped3A_8[%rem3A_407, %dma_start3A_733, %dma_start3A_734] : memref<2x128x256xf32, #tpu.memory_space<vmem>> -> memref<1x128x256xf32, #tpu.memory_space<vmem>>
          %dma_start3A_736 = tpu.memref_squeeze %dma_start3A_735 : memref<1x128x256xf32, #tpu.memory_space<vmem>> -> memref<128x256xf32, #tpu.memory_space<vmem>>
          %dma_start3A_737 = arith.constant 0 : i32
          %dma_start3A_738 = arith.constant 0 : i32
          %dma_start3A_739 = tpu.memref_slice %run_scoped3A[%rem3A_405, %dma_start3A_737, %dma_start3A_738] : memref<2x1x128xi32, #tpu.memory_space<vmem>> -> memref<1x1x128xi32, #tpu.memory_space<vmem>>
          %dma_start3A_740 = tpu.memref_squeeze %dma_start3A_739 : memref<1x1x128xi32, #tpu.memory_space<vmem>> -> memref<1x128xi32, #tpu.memory_space<vmem>>
          %dma_start3A_741 = arith.constant 0 : i32
          %dma_start3A_742 = tpu.memref_slice %dma_start3A_740[%run_scoped3A_408, %dma_start3A_741] : memref<1x128xi32, #tpu.memory_space<vmem>> -> memref<1x128xi32, #tpu.memory_space<vmem>>
          %dma_start3A_743 = tpu.memref_squeeze %dma_start3A_742 : memref<1x128xi32, #tpu.memory_space<vmem>> -> memref<128xi32, #tpu.memory_space<vmem>>
          %dma_start3A_744 = arith.constant 0 : i32
          %dma_start3A_745 = arith.constant 0 : i32
          %dma_start3A_746 = tpu.memref_slice %arg2[%dma_start3A_744, %dma_start3A_745] : memref<100000x256xf32, #tpu.memory_space<hbm>> -> memref<100000x256xf32, #tpu.memory_space<hbm>>
          tpu.enqueue_indirect_dma source(%dma_start3A_746 : memref<100000x256xf32, #tpu.memory_space<hbm>>) target(%dma_start3A_736 : memref<128x256xf32, #tpu.memory_space<vmem>>) offsets(%dma_start3A_743 : memref<128xi32, #tpu.memory_space<vmem>>) semaphore(%run_scoped3A_732 : memref<!tpu.dma_semaphore, #tpu.memory_space<semaphore_mem>>)
          %dma_wait3A_747 = arith.constant 0 : i32
          %dma_wait3A_748 = arith.constant 0 : i32
          %dma_wait3A_749 = tpu.memref_slice %run_scoped3A_8[%rem3A_407, %dma_wait3A_747, %dma_wait3A_748] : memref<2x128x256xf32, #tpu.memory_space<vmem>> -> memref<1x128x256xf32, #tpu.memory_space<vmem>>
          %dma_wait3A_750 = tpu.memref_squeeze %dma_wait3A_749 : memref<1x128x256xf32, #tpu.memory_space<vmem>> -> memref<128x256xf32, #tpu.memory_space<vmem>>
          %dma_wait3A_751 = arith.constant 0 : i32
          %dma_wait3A_752 = arith.constant 0 : i32
          %dma_wait3A_753 = tpu.memref_slice %run_scoped3A[%rem3A_405, %dma_wait3A_751, %dma_wait3A_752] : memref<2x1x128xi32, #tpu.memory_space<vmem>> -> memref<1x1x128xi32, #tpu.memory_space<vmem>>
          %dma_wait3A_754 = tpu.memref_squeeze %dma_wait3A_753 : memref<1x1x128xi32, #tpu.memory_space<vmem>> -> memref<1x128xi32, #tpu.memory_space<vmem>>
          %dma_wait3A_755 = arith.constant 0 : i32
          %dma_wait3A_756 = tpu.memref_slice %dma_wait3A_754[%run_scoped3A_408, %dma_wait3A_755] : memref<1x128xi32, #tpu.memory_space<vmem>> -> memref<1x128xi32, #tpu.memory_space<vmem>>
          %dma_wait3A_757 = tpu.memref_squeeze %dma_wait3A_756 : memref<1x128xi32, #tpu.memory_space<vmem>> -> memref<128xi32, #tpu.memory_space<vmem>>
          %dma_wait3A_758 = arith.constant 0 : i32
          %dma_wait3A_759 = arith.constant 0 : i32
          %dma_wait3A_760 = tpu.memref_slice %arg2[%dma_wait3A_758, %dma_wait3A_759] : memref<100000x256xf32, #tpu.memory_space<hbm>> -> memref<100000x256xf32, #tpu.memory_space<hbm>>
          tpu.wait_indirect_dma semaphore(%run_scoped3A_732 : memref<!tpu.dma_semaphore, #tpu.memory_space<semaphore_mem>>) src(%dma_wait3A_760 : memref<100000x256xf32, #tpu.memory_space<hbm>>) dst(%dma_wait3A_750 : memref<128x256xf32, #tpu.memory_space<vmem>>)
          tpu.yield
        }) : () -> ()
        %jit3A_409 = arith.constant 64 : i32
        "tpu.trace_stop"() : () -> ()
        %div3A_410 = arith.divsi %add3A_167, %jit3A_409 : i32
        %sign3A_411 = arith.constant 0 : i32
        %sign3A_412 = arith.cmpi sgt, %add3A_167, %sign3A_411 : i32
        %sign3A_413 = arith.extui %sign3A_412 : i1 to i32
        %sign3A_414 = arith.constant 0 : i32
        %sign3A_415 = arith.cmpi slt, %add3A_167, %sign3A_414 : i32
        %sign3A_416 = arith.extui %sign3A_415 : i1 to i32
        %sign3A_417 = arith.subi %sign3A_413, %sign3A_416 : i32
        %sign3A_418 = arith.constant 0 : i32
        %sign3A_419 = arith.cmpi sgt, %jit3A_409, %sign3A_418 : i32
        %sign3A_420 = arith.extui %sign3A_419 : i1 to i32
        %sign3A_421 = arith.constant 0 : i32
        %sign3A_422 = arith.cmpi slt, %jit3A_409, %sign3A_421 : i32
        %sign3A_423 = arith.extui %sign3A_422 : i1 to i32
        %sign3A_424 = arith.subi %sign3A_420, %sign3A_423 : i32
        %ne3A_425 = arith.cmpi ne, %sign3A_417, %sign3A_424 : i32
        %rem3A_426 = arith.remsi %add3A_167, %jit3A_409 : i32
        %ne3A_427 = arith.constant 0 : i32
        %ne3A_428 = arith.cmpi ne, %rem3A_426, %ne3A_427 : i32
        %and3A_429 = arith.andi %ne3A_425, %ne3A_428 : i1
        %sub3A_430 = arith.constant 1 : i32
        %sub3A_431 = arith.subi %div3A_410, %sub3A_430 : i32
        %select_n3A_432 = arith.select %and3A_429, %sub3A_431, %div3A_410 : i32
        %jit3A_433 = arith.constant 64 : i32
        %eq3A_434 = arith.constant 0 : i32
        %eq3A_435 = arith.cmpi eq, %jit3A_433, %eq3A_434 : i32
        %jit3A_436 = arith.constant 1 : i32
        %select_n3A_437 = arith.select %eq3A_435, %jit3A_436, %jit3A_433 : i32
        %rem3A_438 = arith.remsi %add3A_167, %select_n3A_437 : i32
        %ne3A_439 = arith.constant 0 : i32
        %ne3A_440 = arith.cmpi ne, %rem3A_438, %ne3A_439 : i32
        %lt3A_441 = arith.constant 0 : i32
        %lt3A_442 = arith.cmpi slt, %rem3A_438, %lt3A_441 : i32
        %lt3A_443 = arith.constant 0 : i32
        %lt3A_444 = arith.cmpi slt, %select_n3A_437, %lt3A_443 : i32
        %ne3A_445 = arith.xori %lt3A_442, %lt3A_444 : i1
        %and3A_446 = arith.andi %ne3A_445, %ne3A_440 : i1
        %add3A_447 = arith.addi %rem3A_438, %select_n3A_437 : i32
        %select_n3A_448 = arith.select %and3A_446, %add3A_447, %rem3A_438 : i32
        %add3A_449 = arith.constant 64 : i32
        %add3A_450 = arith.addi %select_n3A_448, %add3A_449 : i32
        %jit3A_451 = arith.constant 64 : i32
        %div3A_452 = arith.divsi %add3A_185, %jit3A_451 : i32
        %sign3A_453 = arith.constant 0 : i32
        %sign3A_454 = arith.cmpi sgt, %add3A_185, %sign3A_453 : i32
        %sign3A_455 = arith.extui %sign3A_454 : i1 to i32
        %sign3A_456 = arith.constant 0 : i32
        %sign3A_457 = arith.cmpi slt, %add3A_185, %sign3A_456 : i32
        %sign3A_458 = arith.extui %sign3A_457 : i1 to i32
        %sign3A_459 = arith.subi %sign3A_455, %sign3A_458 : i32
        %sign3A_460 = arith.constant 0 : i32
        %sign3A_461 = arith.cmpi sgt, %jit3A_451, %sign3A_460 : i32
        %sign3A_462 = arith.extui %sign3A_461 : i1 to i32
        %sign3A_463 = arith.constant 0 : i32
        %sign3A_464 = arith.cmpi slt, %jit3A_451, %sign3A_463 : i32
        %sign3A_465 = arith.extui %sign3A_464 : i1 to i32
        %sign3A_466 = arith.subi %sign3A_462, %sign3A_465 : i32
        %ne3A_467 = arith.cmpi ne, %sign3A_459, %sign3A_466 : i32
        %rem3A_468 = arith.remsi %add3A_185, %jit3A_451 : i32
        %ne3A_469 = arith.constant 0 : i32
        %ne3A_470 = arith.cmpi ne, %rem3A_468, %ne3A_469 : i32
        %and3A_471 = arith.andi %ne3A_467, %ne3A_470 : i1
        %sub3A_472 = arith.constant 1 : i32
        %sub3A_473 = arith.subi %div3A_452, %sub3A_472 : i32
        %select_n3A_474 = arith.select %and3A_471, %sub3A_473, %div3A_452 : i32
        %jit3A_475 = arith.constant 64 : i32
        %eq3A_476 = arith.constant 0 : i32
        %eq3A_477 = arith.cmpi eq, %jit3A_475, %eq3A_476 : i32
        %jit3A_478 = arith.constant 1 : i32
        %select_n3A_479 = arith.select %eq3A_477, %jit3A_478, %jit3A_475 : i32
        %rem3A_480 = arith.remsi %add3A_185, %select_n3A_479 : i32
        %ne3A_481 = arith.constant 0 : i32
        %ne3A_482 = arith.cmpi ne, %rem3A_480, %ne3A_481 : i32
        %lt3A_483 = arith.constant 0 : i32
        %lt3A_484 = arith.cmpi slt, %rem3A_480, %lt3A_483 : i32
        %lt3A_485 = arith.constant 0 : i32
        %lt3A_486 = arith.cmpi slt, %select_n3A_479, %lt3A_485 : i32
        %ne3A_487 = arith.xori %lt3A_484, %lt3A_486 : i1
        %and3A_488 = arith.andi %ne3A_487, %ne3A_482 : i1
        %add3A_489 = arith.addi %rem3A_480, %select_n3A_479 : i32
        %select_n3A_490 = arith.select %and3A_488, %add3A_489, %rem3A_480 : i32
        %add3A_491 = arith.constant 64 : i32
        %add3A_492 = arith.addi %select_n3A_490, %add3A_491 : i32
        %ne3A_493 = arith.cmpi ne, %select_n3A_432, %select_n3A_474 : i32
        %ne3A_494 = arith.cmpi ne, %add3A_450, %add3A_492 : i32
        %or3A_495 = arith.constant false
        %or3A_496 = arith.ori %or3A_495, %ne3A_493 : i1
        %or3A_497 = arith.ori %or3A_496, %ne3A_494 : i1
        %or3A_498 = arith.ori %or3A_497, %eq3A_166 : i1
        %convert_element_type3A_499 = arith.extui %or3A_498 : i1 to i32
        %cond3A_500 = arith.constant 0 : i32
        %cond3A_501 = arith.cmpi ne, %convert_element_type3A_499, %cond3A_500 : i32
        scf.if %cond3A_501 {
        } else {
        }
        %and3A_502 = arith.constant false
        %and3A_503 = arith.andi %or3A_498, %and3A_502 : i1
        %ne3A_504 = arith.cmpi ne, %add3A_167, %add3A_185 : i32
        %or3A_505 = arith.constant false
        %or3A_506 = arith.ori %or3A_505, %ne3A_504 : i1
        %or3A_507 = arith.constant false
        %or3A_508 = arith.ori %or3A_506, %or3A_507 : i1
        %or3A_509 = arith.ori %or3A_508, %eq3A_166 : i1
        %convert_element_type3A_510 = arith.extui %or3A_509 : i1 to i32
        %cond3A_511 = arith.constant 0 : i32
        %cond3A_512 = arith.cmpi ne, %convert_element_type3A_510, %cond3A_511 : i32
        scf.if %cond3A_512 {
          "tpu.trace_start"() <{level = 10 : i32, message = "ep_copy_out"}> : () -> ()
          %rem3A_732 = arith.constant 2 : i32
          %rem3A_733 = arith.remui %scan3A_160, %rem3A_732 : i32
          %mul3A_734 = arith.constant 128 : i32
          %mul3A_735 = arith.muli %mul3A_734, %add3A_167 : i32
          %dma_start3A_736 = arith.constant 0 : i32
          %dma_start3A_737 = arith.constant 0 : i32
          %dma_start3A_738 = tpu.memref_slice %run_scoped3A_8[%rem3A_733, %dma_start3A_736, %dma_start3A_737] : memref<2x128x256xf32, #tpu.memory_space<vmem>> -> memref<1x128x256xf32, #tpu.memory_space<vmem>>
          %dma_start3A_739 = tpu.memref_squeeze %dma_start3A_738 : memref<1x128x256xf32, #tpu.memory_space<vmem>> -> memref<128x256xf32, #tpu.memory_space<vmem>>
          %dma_start3A_740 = arith.constant 0 : i32
          %dma_start3A_741 = tpu.memref_slice %arg4[%mul3A_735, %dma_start3A_740] : memref<32768x256xf32, #tpu.memory_space<hbm>> -> memref<128x256xf32, #tpu.memory_space<hbm>>
          %dma_start3A_742 = tpu.memref_slice %run_scoped3A_9[%rem3A_733] : memref<2x!tpu.dma_semaphore, #tpu.memory_space<semaphore_mem>> -> memref<1x!tpu.dma_semaphore, #tpu.memory_space<semaphore_mem>>
          %dma_start3A_743 = tpu.memref_squeeze %dma_start3A_742 : memref<1x!tpu.dma_semaphore, #tpu.memory_space<semaphore_mem>> -> memref<!tpu.dma_semaphore, #tpu.memory_space<semaphore_mem>>
          %dma_start3A_744 = arith.constant 0 : i32
          %dma_start3A_745 = tpu.memref_slice %arg4[%mul3A_735, %dma_start3A_744] : memref<32768x256xf32, #tpu.memory_space<hbm>> -> memref<128x256xf32, #tpu.memory_space<hbm>>
          %dma_start3A_746 = arith.constant 0 : i32
          %dma_start3A_747 = arith.constant 0 : i32
          %dma_start3A_748 = tpu.memref_slice %run_scoped3A_8[%rem3A_733, %dma_start3A_746, %dma_start3A_747] : memref<2x128x256xf32, #tpu.memory_space<vmem>> -> memref<1x128x256xf32, #tpu.memory_space<vmem>>
          %dma_start3A_749 = tpu.memref_squeeze %dma_start3A_748 : memref<1x128x256xf32, #tpu.memory_space<vmem>> -> memref<128x256xf32, #tpu.memory_space<vmem>>
          tpu.enqueue_dma source(%dma_start3A_749 : memref<128x256xf32, #tpu.memory_space<vmem>>) target(%dma_start3A_745 : memref<128x256xf32, #tpu.memory_space<hbm>>) target_semaphore(%dma_start3A_743 : memref<!tpu.dma_semaphore, #tpu.memory_space<semaphore_mem>>)
          "tpu.trace_stop"() : () -> ()
        } else {
        }
        %and3A_513 = arith.constant true
        %and3A_514 = arith.andi %or3A_509, %and3A_513 : i1
        %add3A_515 = arith.constant 1 : i32
        %add3A_516 = arith.addi %scan3A_160, %add3A_515 : i32
        %select_n3A_517 = arith.select %and3A_514, %add3A_516, %scan3A_160 : i32
        %jit3A_518 = arith.constant 64 : i32
        %div3A_519 = arith.divsi %add3A_167, %jit3A_518 : i32
        %sign3A_520 = arith.constant 0 : i32
        %sign3A_521 = arith.cmpi sgt, %add3A_167, %sign3A_520 : i32
        %sign3A_522 = arith.extui %sign3A_521 : i1 to i32
        %sign3A_523 = arith.constant 0 : i32
        %sign3A_524 = arith.cmpi slt, %add3A_167, %sign3A_523 : i32
        %sign3A_525 = arith.extui %sign3A_524 : i1 to i32
        %sign3A_526 = arith.subi %sign3A_522, %sign3A_525 : i32
        %sign3A_527 = arith.constant 0 : i32
        %sign3A_528 = arith.cmpi sgt, %jit3A_518, %sign3A_527 : i32
        %sign3A_529 = arith.extui %sign3A_528 : i1 to i32
        %sign3A_530 = arith.constant 0 : i32
        %sign3A_531 = arith.cmpi slt, %jit3A_518, %sign3A_530 : i32
        %sign3A_532 = arith.extui %sign3A_531 : i1 to i32
        %sign3A_533 = arith.subi %sign3A_529, %sign3A_532 : i32
        %ne3A_534 = arith.cmpi ne, %sign3A_526, %sign3A_533 : i32
        %rem3A_535 = arith.remsi %add3A_167, %jit3A_518 : i32
        %ne3A_536 = arith.constant 0 : i32
        %ne3A_537 = arith.cmpi ne, %rem3A_535, %ne3A_536 : i32
        %and3A_538 = arith.andi %ne3A_534, %ne3A_537 : i1
        %sub3A_539 = arith.constant 1 : i32
        %sub3A_540 = arith.subi %div3A_519, %sub3A_539 : i32
        %select_n3A_541 = arith.select %and3A_538, %sub3A_540, %div3A_519 : i32
        %jit3A_542 = arith.constant 64 : i32
        %eq3A_543 = arith.constant 0 : i32
        %eq3A_544 = arith.cmpi eq, %jit3A_542, %eq3A_543 : i32
        %jit3A_545 = arith.constant 1 : i32
        %select_n3A_546 = arith.select %eq3A_544, %jit3A_545, %jit3A_542 : i32
        %rem3A_547 = arith.remsi %add3A_167, %select_n3A_546 : i32
        %ne3A_548 = arith.constant 0 : i32
        %ne3A_549 = arith.cmpi ne, %rem3A_547, %ne3A_548 : i32
        %lt3A_550 = arith.constant 0 : i32
        %lt3A_551 = arith.cmpi slt, %rem3A_547, %lt3A_550 : i32
        %lt3A_552 = arith.constant 0 : i32
        %lt3A_553 = arith.cmpi slt, %select_n3A_546, %lt3A_552 : i32
        %ne3A_554 = arith.xori %lt3A_551, %lt3A_553 : i1
        %and3A_555 = arith.andi %ne3A_554, %ne3A_549 : i1
        %add3A_556 = arith.addi %rem3A_547, %select_n3A_546 : i32
        %select_n3A_557 = arith.select %and3A_555, %add3A_556, %rem3A_547 : i32
        %add3A_558 = arith.constant 64 : i32
        %add3A_559 = arith.addi %select_n3A_557, %add3A_558 : i32
        %jit3A_560 = arith.constant 64 : i32
        %div3A_561 = arith.divsi %add3A_176, %jit3A_560 : i32
        %sign3A_562 = arith.constant 0 : i32
        %sign3A_563 = arith.cmpi sgt, %add3A_176, %sign3A_562 : i32
        %sign3A_564 = arith.extui %sign3A_563 : i1 to i32
        %sign3A_565 = arith.constant 0 : i32
        %sign3A_566 = arith.cmpi slt, %add3A_176, %sign3A_565 : i32
        %sign3A_567 = arith.extui %sign3A_566 : i1 to i32
        %sign3A_568 = arith.subi %sign3A_564, %sign3A_567 : i32
        %sign3A_569 = arith.constant 0 : i32
        %sign3A_570 = arith.cmpi sgt, %jit3A_560, %sign3A_569 : i32
        %sign3A_571 = arith.extui %sign3A_570 : i1 to i32
        %sign3A_572 = arith.constant 0 : i32
        %sign3A_573 = arith.cmpi slt, %jit3A_560, %sign3A_572 : i32
        %sign3A_574 = arith.extui %sign3A_573 : i1 to i32
        %sign3A_575 = arith.subi %sign3A_571, %sign3A_574 : i32
        %ne3A_576 = arith.cmpi ne, %sign3A_568, %sign3A_575 : i32
        %rem3A_577 = arith.remsi %add3A_176, %jit3A_560 : i32
        %ne3A_578 = arith.constant 0 : i32
        %ne3A_579 = arith.cmpi ne, %rem3A_577, %ne3A_578 : i32
        %and3A_580 = arith.andi %ne3A_576, %ne3A_579 : i1
        %sub3A_581 = arith.constant 1 : i32
        %sub3A_582 = arith.subi %div3A_561, %sub3A_581 : i32
        %select_n3A_583 = arith.select %and3A_580, %sub3A_582, %div3A_561 : i32
        %jit3A_584 = arith.constant 64 : i32
        %eq3A_585 = arith.constant 0 : i32
        %eq3A_586 = arith.cmpi eq, %jit3A_584, %eq3A_585 : i32
        %jit3A_587 = arith.constant 1 : i32
        %select_n3A_588 = arith.select %eq3A_586, %jit3A_587, %jit3A_584 : i32
        %rem3A_589 = arith.remsi %add3A_176, %select_n3A_588 : i32
        %ne3A_590 = arith.constant 0 : i32
        %ne3A_591 = arith.cmpi ne, %rem3A_589, %ne3A_590 : i32
        %lt3A_592 = arith.constant 0 : i32
        %lt3A_593 = arith.cmpi slt, %rem3A_589, %lt3A_592 : i32
        %lt3A_594 = arith.constant 0 : i32
        %lt3A_595 = arith.cmpi slt, %select_n3A_588, %lt3A_594 : i32
        %ne3A_596 = arith.xori %lt3A_593, %lt3A_595 : i1
        %and3A_597 = arith.andi %ne3A_596, %ne3A_591 : i1
        %add3A_598 = arith.addi %rem3A_589, %select_n3A_588 : i32
        %select_n3A_599 = arith.select %and3A_597, %add3A_598, %rem3A_589 : i32
        %add3A_600 = arith.constant 64 : i32
        %add3A_601 = arith.addi %select_n3A_599, %add3A_600 : i32
        %ne3A_602 = arith.cmpi ne, %select_n3A_541, %select_n3A_583 : i32
        %ne3A_603 = arith.cmpi ne, %add3A_559, %add3A_601 : i32
        %or3A_604 = arith.constant false
        %or3A_605 = arith.ori %or3A_604, %ne3A_602 : i1
        %or3A_606 = arith.ori %or3A_605, %ne3A_603 : i1
        %not3A_607 = arith.constant true
        %not3A_608 = arith.xori %eq3A_164, %not3A_607 : i1
        %and3A_609 = arith.andi %or3A_606, %not3A_608 : i1
        %convert_element_type3A_610 = arith.extui %and3A_609 : i1 to i32
        %cond3A_611 = arith.constant 0 : i32
        %cond3A_612 = arith.cmpi ne, %convert_element_type3A_610, %cond3A_611 : i32
        scf.if %cond3A_612 {
        } else {
        }
        %and3A_613 = arith.constant false
        %and3A_614 = arith.andi %and3A_609, %and3A_613 : i1
        %ne3A_615 = arith.cmpi ne, %add3A_167, %add3A_176 : i32
        %or3A_616 = arith.constant false
        %or3A_617 = arith.ori %or3A_616, %ne3A_615 : i1
        %or3A_618 = arith.constant false
        %or3A_619 = arith.ori %or3A_617, %or3A_618 : i1
        %not3A_620 = arith.constant true
        %not3A_621 = arith.xori %eq3A_164, %not3A_620 : i1
        %and3A_622 = arith.andi %or3A_619, %not3A_621 : i1
        %convert_element_type3A_623 = arith.extui %and3A_622 : i1 to i32
        %cond3A_624 = arith.constant 0 : i32
        %cond3A_625 = arith.cmpi ne, %convert_element_type3A_623, %cond3A_624 : i32
        scf.if %cond3A_625 {
          "tpu.trace_start"() <{level = 10 : i32, message = "ep_wait_out"}> : () -> ()
          %rem3A_732 = arith.constant 2 : i32
          %rem3A_733 = arith.remui %scan3A_161, %rem3A_732 : i32
          %mul3A_734 = arith.constant 128 : i32
          %mul3A_735 = arith.muli %mul3A_734, %add3A_176 : i32
          %dma_wait3A_736 = arith.constant 0 : i32
          %dma_wait3A_737 = arith.constant 0 : i32
          %dma_wait3A_738 = tpu.memref_slice %run_scoped3A_8[%rem3A_733, %dma_wait3A_736, %dma_wait3A_737] : memref<2x128x256xf32, #tpu.memory_space<vmem>> -> memref<1x128x256xf32, #tpu.memory_space<vmem>>
          %dma_wait3A_739 = tpu.memref_squeeze %dma_wait3A_738 : memref<1x128x256xf32, #tpu.memory_space<vmem>> -> memref<128x256xf32, #tpu.memory_space<vmem>>
          %dma_wait3A_740 = arith.constant 0 : i32
          %dma_wait3A_741 = tpu.memref_slice %arg4[%mul3A_735, %dma_wait3A_740] : memref<32768x256xf32, #tpu.memory_space<hbm>> -> memref<128x256xf32, #tpu.memory_space<hbm>>
          %dma_wait3A_742 = tpu.memref_slice %run_scoped3A_9[%rem3A_733] : memref<2x!tpu.dma_semaphore, #tpu.memory_space<semaphore_mem>> -> memref<1x!tpu.dma_semaphore, #tpu.memory_space<semaphore_mem>>
          %dma_wait3A_743 = tpu.memref_squeeze %dma_wait3A_742 : memref<1x!tpu.dma_semaphore, #tpu.memory_space<semaphore_mem>> -> memref<!tpu.dma_semaphore, #tpu.memory_space<semaphore_mem>>
          %dma_wait3A_744 = arith.constant 0 : i32
          %dma_wait3A_745 = tpu.memref_slice %arg4[%mul3A_735, %dma_wait3A_744] : memref<32768x256xf32, #tpu.memory_space<hbm>> -> memref<128x256xf32, #tpu.memory_space<hbm>>
          %dma_wait3A_746 = arith.constant 0 : i32
          %dma_wait3A_747 = arith.constant 0 : i32
          %dma_wait3A_748 = tpu.memref_slice %run_scoped3A_8[%rem3A_733, %dma_wait3A_746, %dma_wait3A_747] : memref<2x128x256xf32, #tpu.memory_space<vmem>> -> memref<1x128x256xf32, #tpu.memory_space<vmem>>
          %dma_wait3A_749 = tpu.memref_squeeze %dma_wait3A_748 : memref<1x128x256xf32, #tpu.memory_space<vmem>> -> memref<128x256xf32, #tpu.memory_space<vmem>>
          tpu.wait_dma2 semaphore(%dma_wait3A_743 : memref<!tpu.dma_semaphore, #tpu.memory_space<semaphore_mem>>) src(%dma_wait3A_749 : memref<128x256xf32, #tpu.memory_space<vmem>>) dst(%dma_wait3A_745 : memref<128x256xf32, #tpu.memory_space<hbm>>)
          "tpu.trace_stop"() : () -> ()
        } else {
        }
        %and3A_626 = arith.constant true
        %and3A_627 = arith.andi %and3A_622, %and3A_626 : i1
        %add3A_628 = arith.constant 1 : i32
        %add3A_629 = arith.addi %scan3A_161, %add3A_628 : i32
        %select_n3A_630 = arith.select %and3A_627, %add3A_629, %scan3A_161 : i32
        %jit3A_631 = arith.constant 64 : i32
        %div3A_632 = arith.divsi %add3A_167, %jit3A_631 : i32
        %sign3A_633 = arith.constant 0 : i32
        %sign3A_634 = arith.cmpi sgt, %add3A_167, %sign3A_633 : i32
        %sign3A_635 = arith.extui %sign3A_634 : i1 to i32
        %sign3A_636 = arith.constant 0 : i32
        %sign3A_637 = arith.cmpi slt, %add3A_167, %sign3A_636 : i32
        %sign3A_638 = arith.extui %sign3A_637 : i1 to i32
        %sign3A_639 = arith.subi %sign3A_635, %sign3A_638 : i32
        %sign3A_640 = arith.constant 0 : i32
        %sign3A_641 = arith.cmpi sgt, %jit3A_631, %sign3A_640 : i32
        %sign3A_642 = arith.extui %sign3A_641 : i1 to i32
        %sign3A_643 = arith.constant 0 : i32
        %sign3A_644 = arith.cmpi slt, %jit3A_631, %sign3A_643 : i32
        %sign3A_645 = arith.extui %sign3A_644 : i1 to i32
        %sign3A_646 = arith.subi %sign3A_642, %sign3A_645 : i32
        %ne3A_647 = arith.cmpi ne, %sign3A_639, %sign3A_646 : i32
        %rem3A_648 = arith.remsi %add3A_167, %jit3A_631 : i32
        %ne3A_649 = arith.constant 0 : i32
        %ne3A_650 = arith.cmpi ne, %rem3A_648, %ne3A_649 : i32
        %and3A_651 = arith.andi %ne3A_647, %ne3A_650 : i1
        %sub3A_652 = arith.constant 1 : i32
        %sub3A_653 = arith.subi %div3A_632, %sub3A_652 : i32
        %select_n3A_654 = arith.select %and3A_651, %sub3A_653, %div3A_632 : i32
        %jit3A_655 = arith.constant 64 : i32
        %eq3A_656 = arith.constant 0 : i32
        %eq3A_657 = arith.cmpi eq, %jit3A_655, %eq3A_656 : i32
        %jit3A_658 = arith.constant 1 : i32
        %select_n3A_659 = arith.select %eq3A_657, %jit3A_658, %jit3A_655 : i32
        %rem3A_660 = arith.remsi %add3A_167, %select_n3A_659 : i32
        %ne3A_661 = arith.constant 0 : i32
        %ne3A_662 = arith.cmpi ne, %rem3A_660, %ne3A_661 : i32
        %lt3A_663 = arith.constant 0 : i32
        %lt3A_664 = arith.cmpi slt, %rem3A_660, %lt3A_663 : i32
        %lt3A_665 = arith.constant 0 : i32
        %lt3A_666 = arith.cmpi slt, %select_n3A_659, %lt3A_665 : i32
        %ne3A_667 = arith.xori %lt3A_664, %lt3A_666 : i1
        %and3A_668 = arith.andi %ne3A_667, %ne3A_662 : i1
        %add3A_669 = arith.addi %rem3A_660, %select_n3A_659 : i32
        %select_n3A_670 = arith.select %and3A_668, %add3A_669, %rem3A_660 : i32
        %add3A_671 = arith.constant 64 : i32
        %add3A_672 = arith.addi %select_n3A_670, %add3A_671 : i32
        %jit3A_673 = arith.constant 64 : i32
        %div3A_674 = arith.divsi %add3A_185, %jit3A_673 : i32
        %sign3A_675 = arith.constant 0 : i32
        %sign3A_676 = arith.cmpi sgt, %add3A_185, %sign3A_675 : i32
        %sign3A_677 = arith.extui %sign3A_676 : i1 to i32
        %sign3A_678 = arith.constant 0 : i32
        %sign3A_679 = arith.cmpi slt, %add3A_185, %sign3A_678 : i32
        %sign3A_680 = arith.extui %sign3A_679 : i1 to i32
        %sign3A_681 = arith.subi %sign3A_677, %sign3A_680 : i32
        %sign3A_682 = arith.constant 0 : i32
        %sign3A_683 = arith.cmpi sgt, %jit3A_673, %sign3A_682 : i32
        %sign3A_684 = arith.extui %sign3A_683 : i1 to i32
        %sign3A_685 = arith.constant 0 : i32
        %sign3A_686 = arith.cmpi slt, %jit3A_673, %sign3A_685 : i32
        %sign3A_687 = arith.extui %sign3A_686 : i1 to i32
        %sign3A_688 = arith.subi %sign3A_684, %sign3A_687 : i32
        %ne3A_689 = arith.cmpi ne, %sign3A_681, %sign3A_688 : i32
        %rem3A_690 = arith.remsi %add3A_185, %jit3A_673 : i32
        %ne3A_691 = arith.constant 0 : i32
        %ne3A_692 = arith.cmpi ne, %rem3A_690, %ne3A_691 : i32
        %and3A_693 = arith.andi %ne3A_689, %ne3A_692 : i1
        %sub3A_694 = arith.constant 1 : i32
        %sub3A_695 = arith.subi %div3A_674, %sub3A_694 : i32
        %select_n3A_696 = arith.select %and3A_693, %sub3A_695, %div3A_674 : i32
        %jit3A_697 = arith.constant 64 : i32
        %eq3A_698 = arith.constant 0 : i32
        %eq3A_699 = arith.cmpi eq, %jit3A_697, %eq3A_698 : i32
        %jit3A_700 = arith.constant 1 : i32
        %select_n3A_701 = arith.select %eq3A_699, %jit3A_700, %jit3A_697 : i32
        %rem3A_702 = arith.remsi %add3A_185, %select_n3A_701 : i32
        %ne3A_703 = arith.constant 0 : i32
        %ne3A_704 = arith.cmpi ne, %rem3A_702, %ne3A_703 : i32
        %lt3A_705 = arith.constant 0 : i32
        %lt3A_706 = arith.cmpi slt, %rem3A_702, %lt3A_705 : i32
        %lt3A_707 = arith.constant 0 : i32
        %lt3A_708 = arith.cmpi slt, %select_n3A_701, %lt3A_707 : i32
        %ne3A_709 = arith.xori %lt3A_706, %lt3A_708 : i1
        %and3A_710 = arith.andi %ne3A_709, %ne3A_704 : i1
        %add3A_711 = arith.addi %rem3A_702, %select_n3A_701 : i32
        %select_n3A_712 = arith.select %and3A_710, %add3A_711, %rem3A_702 : i32
        %add3A_713 = arith.constant 64 : i32
        %add3A_714 = arith.addi %select_n3A_712, %add3A_713 : i32
        %ne3A_715 = arith.cmpi ne, %select_n3A_654, %select_n3A_696 : i32
        %ne3A_716 = arith.cmpi ne, %add3A_672, %add3A_714 : i32
        %or3A_717 = arith.constant false
        %or3A_718 = arith.ori %or3A_717, %ne3A_715 : i1
        %or3A_719 = arith.ori %or3A_718, %ne3A_716 : i1
        %or3A_720 = arith.ori %or3A_719, %eq3A_166 : i1
        %add3A_721 = arith.constant 1 : i32
        %add3A_722 = arith.addi %scan3A_159, %add3A_721 : i32
        %select_n3A_723 = arith.select %or3A_720, %add3A_722, %scan3A_159 : i32
        %add3A_724 = arith.constant 1 : i32
        %add3A_725 = arith.addi %scan3A_162, %add3A_724 : i32
        %select_n3A_726 = arith.constant true
        %select_n3A_727 = arith.select %select_n3A_726, %add3A_725, %scan3A_162 : i32
        %eq3A_728 = arith.constant 8 : i32
        %eq3A_729 = arith.cmpi eq, %select_n3A_727, %eq3A_728 : i32
        %select_n3A_730 = arith.constant 0 : i32
        %select_n3A_731 = arith.select %eq3A_729, %select_n3A_730, %select_n3A_727 : i32
        scf.yield %select_n3A_291, %select_n3A_723, %select_n3A_517, %select_n3A_630, %select_n3A_731 : i32, i32, i32, i32, i32
      }
      %scan3A_103 = arith.constant 8 : i32
      %sub3A_104 = arith.constant 1 : i32
      %sub3A_105 = arith.subi %scan3A_102#4, %sub3A_104 : i32
      %select_n3A_106 = arith.constant true
      %select_n3A_107 = arith.select %select_n3A_106, %sub3A_105, %scan3A_102#4 : i32
      %eq3A_108 = arith.constant -1 : i32
      %eq3A_109 = arith.cmpi eq, %select_n3A_107, %eq3A_108 : i32
      %select_n3A_110 = arith.constant 7 : i32
      %select_n3A_111 = arith.select %eq3A_109, %select_n3A_110, %select_n3A_107 : i32
      %add3A_112 = arith.addi %select_n3A_111, %mul3A_6 : i32
      %sub3A_113 = arith.constant 1 : i32
      %sub3A_114 = arith.subi %select_n3A_111, %sub3A_113 : i32
      %select_n3A_115 = arith.constant true
      %select_n3A_116 = arith.select %select_n3A_115, %sub3A_114, %select_n3A_111 : i32
      %eq3A_117 = arith.constant -1 : i32
      %eq3A_118 = arith.cmpi eq, %select_n3A_116, %eq3A_117 : i32
      %select_n3A_119 = arith.constant 7 : i32
      %select_n3A_120 = arith.select %eq3A_118, %select_n3A_119, %select_n3A_116 : i32
      %add3A_121 = arith.addi %select_n3A_120, %mul3A_6 : i32
      %add3A_122 = arith.constant 1 : i32
      %add3A_123 = arith.addi %select_n3A_111, %add3A_122 : i32
      %select_n3A_124 = arith.constant true
      %select_n3A_125 = arith.select %select_n3A_124, %add3A_123, %select_n3A_111 : i32
      %eq3A_126 = arith.constant 8 : i32
      %eq3A_127 = arith.cmpi eq, %select_n3A_125, %eq3A_126 : i32
      %select_n3A_128 = arith.constant 0 : i32
      %select_n3A_129 = arith.select %eq3A_127, %select_n3A_128, %select_n3A_125 : i32
      %add3A_130 = arith.addi %select_n3A_129, %mul3A_6 : i32
      %add3A_131 = arith.constant 1 : i32
      %add3A_132 = arith.addi %select_n3A_129, %add3A_131 : i32
      %select_n3A_133 = arith.constant true
      %select_n3A_134 = arith.select %select_n3A_133, %add3A_132, %select_n3A_129 : i32
      %eq3A_135 = arith.constant 8 : i32
      %eq3A_136 = arith.cmpi eq, %select_n3A_134, %eq3A_135 : i32
      %select_n3A_137 = arith.constant 0 : i32
      %select_n3A_138 = arith.select %eq3A_136, %select_n3A_137, %select_n3A_134 : i32
      %add3A_139 = arith.addi %select_n3A_138, %mul3A_6 : i32
      "tpu.trace_start"() <{level = 10 : i32, message = "ep_finalize"}> : () -> ()
      %rem3A_140 = arith.constant 2 : i32
      %rem3A_141 = arith.remui %scan3A_102#3, %rem3A_140 : i32
      %mul3A_142 = arith.constant 128 : i32
      %mul3A_143 = arith.muli %mul3A_142, %add3A_112 : i32
      %dma_wait3A = arith.constant 0 : i32
      %dma_wait3A_144 = arith.constant 0 : i32
      %dma_wait3A_145 = tpu.memref_slice %run_scoped3A_8[%rem3A_141, %dma_wait3A, %dma_wait3A_144] : memref<2x128x256xf32, #tpu.memory_space<vmem>> -> memref<1x128x256xf32, #tpu.memory_space<vmem>>
      %dma_wait3A_146 = tpu.memref_squeeze %dma_wait3A_145 : memref<1x128x256xf32, #tpu.memory_space<vmem>> -> memref<128x256xf32, #tpu.memory_space<vmem>>
      %dma_wait3A_147 = arith.constant 0 : i32
      %dma_wait3A_148 = tpu.memref_slice %arg4[%mul3A_143, %dma_wait3A_147] : memref<32768x256xf32, #tpu.memory_space<hbm>> -> memref<128x256xf32, #tpu.memory_space<hbm>>
      %dma_wait3A_149 = tpu.memref_slice %run_scoped3A_9[%rem3A_141] : memref<2x!tpu.dma_semaphore, #tpu.memory_space<semaphore_mem>> -> memref<1x!tpu.dma_semaphore, #tpu.memory_space<semaphore_mem>>
      %dma_wait3A_150 = tpu.memref_squeeze %dma_wait3A_149 : memref<1x!tpu.dma_semaphore, #tpu.memory_space<semaphore_mem>> -> memref<!tpu.dma_semaphore, #tpu.memory_space<semaphore_mem>>
      %dma_wait3A_151 = arith.constant 0 : i32
      %dma_wait3A_152 = tpu.memref_slice %arg4[%mul3A_143, %dma_wait3A_151] : memref<32768x256xf32, #tpu.memory_space<hbm>> -> memref<128x256xf32, #tpu.memory_space<hbm>>
      %dma_wait3A_153 = arith.constant 0 : i32
      %dma_wait3A_154 = arith.constant 0 : i32
      %dma_wait3A_155 = tpu.memref_slice %run_scoped3A_8[%rem3A_141, %dma_wait3A_153, %dma_wait3A_154] : memref<2x128x256xf32, #tpu.memory_space<vmem>> -> memref<1x128x256xf32, #tpu.memory_space<vmem>>
      %dma_wait3A_156 = tpu.memref_squeeze %dma_wait3A_155 : memref<1x128x256xf32, #tpu.memory_space<vmem>> -> memref<128x256xf32, #tpu.memory_space<vmem>>
      tpu.wait_dma2 semaphore(%dma_wait3A_150 : memref<!tpu.dma_semaphore, #tpu.memory_space<semaphore_mem>>) src(%dma_wait3A_156 : memref<128x256xf32, #tpu.memory_space<vmem>>) dst(%dma_wait3A_152 : memref<128x256xf32, #tpu.memory_space<hbm>>)
      "tpu.trace_stop"() : () -> ()
      tpu.yield
    }) : () -> ()
    return
  }
}

#map = affine_map<(d0, d1) -> (0, 0)>
module attributes {stable_mosaic.version = 14 : i64} {
  func.func @gather_kernel(%arg0: i32, %arg1: i32, %arg2: memref<100000x256xf32, #tpu.memory_space<hbm>>, %arg3: memref<4x16384xi32, #tpu.memory_space<hbm>>, %arg4: memref<32768x256xf32, #tpu.memory_space<hbm>>) attributes {dimension_semantics = [#tpu.dimension_semantics<core_parallel>, #tpu.dimension_semantics<subcore_parallel>], iteration_bounds = array<i64: 2, 16>, scalar_prefetch = 0 : i64, scratch_operands = 0 : i64, tpu.core_type = #tpu.core_type<sc_vector_subcore>, window_params = [{transform_indices = #map}, {transform_indices = #map}, {transform_indices = #map}]} {
    %mul3A = arith.constant 1 : i32
    %mul3A_0 = arith.muli %arg1, %mul3A : i32
    %add3A = arith.constant 0 : i32
    %add3A_1 = arith.addi %add3A, %mul3A_0 : i32
    %mul3A_2 = arith.constant 16 : i32
    %mul3A_3 = arith.muli %arg0, %mul3A_2 : i32
    %add3A_4 = arith.addi %add3A_1, %mul3A_3 : i32
    %mul3A_5 = arith.constant 8 : i32
    %mul3A_6 = arith.muli %add3A_4, %mul3A_5 : i32
    "tpu.region"() ({
      %run_scoped3A = memref.alloca() : memref<2x1x128xi32, #tpu.memory_space<vmem>>
      %run_scoped3A_7 = tpu.sem_alloc : memref<2x!tpu.dma_semaphore, #tpu.memory_space<semaphore_mem>>
      %run_scoped3A_8 = memref.alloca() : memref<2x128x256xf32, #tpu.memory_space<vmem>>
      %run_scoped3A_9 = tpu.sem_alloc : memref<2x!tpu.dma_semaphore, #tpu.memory_space<semaphore_mem>>
      %add3A_10 = arith.constant 0 : i32
      %add3A_11 = arith.addi %add3A_10, %mul3A_6 : i32
      %select_n3A = arith.constant true
      %select_n3A_12 = arith.constant 0 : i32
      %select_n3A_13 = arith.constant -1 : i32
      %select_n3A_14 = arith.select %select_n3A, %select_n3A_13, %select_n3A_12 : i32
      %eq3A = arith.constant -1 : i32
      %eq3A_15 = arith.cmpi eq, %select_n3A_14, %eq3A : i32
      %select_n3A_16 = arith.constant 7 : i32
      %select_n3A_17 = arith.select %eq3A_15, %select_n3A_16, %select_n3A_14 : i32
      %add3A_18 = arith.addi %select_n3A_17, %mul3A_6 : i32
      %select_n3A_19 = arith.constant true
      %select_n3A_20 = arith.constant 0 : i32
      %select_n3A_21 = arith.constant 1 : i32
      %select_n3A_22 = arith.select %select_n3A_19, %select_n3A_21, %select_n3A_20 : i32
      %eq3A_23 = arith.constant 8 : i32
      %eq3A_24 = arith.cmpi eq, %select_n3A_22, %eq3A_23 : i32
      %select_n3A_25 = arith.constant 0 : i32
      %select_n3A_26 = arith.select %eq3A_24, %select_n3A_25, %select_n3A_22 : i32
      %add3A_27 = arith.addi %select_n3A_26, %mul3A_6 : i32
      %add3A_28 = arith.constant 1 : i32
      %add3A_29 = arith.addi %select_n3A_26, %add3A_28 : i32
      %select_n3A_30 = arith.constant true
      %select_n3A_31 = arith.select %select_n3A_30, %add3A_29, %select_n3A_26 : i32
      %eq3A_32 = arith.constant 8 : i32
      %eq3A_33 = arith.cmpi eq, %select_n3A_31, %eq3A_32 : i32
      %select_n3A_34 = arith.constant 0 : i32
      %select_n3A_35 = arith.select %eq3A_33, %select_n3A_34, %select_n3A_31 : i32
      %add3A_36 = arith.addi %select_n3A_35, %mul3A_6 : i32
      "tpu.trace_start"() <{level = 10 : i32, message = "ep_initialize_0"}> : () -> ()
      %rem3A = arith.constant 0 : i32
      %rem3A_37 = arith.constant 2 : i32
      %rem3A_38 = arith.remui %rem3A, %rem3A_37 : i32
      %jit3A = arith.constant 64 : i32
      %div3A = arith.divsi %add3A_11, %jit3A : i32
      %sign3A = arith.constant 0 : i32
      %sign3A_39 = arith.cmpi sgt, %add3A_11, %sign3A : i32
      %sign3A_40 = arith.extui %sign3A_39 : i1 to i32
      %sign3A_41 = arith.constant 0 : i32
      %sign3A_42 = arith.cmpi slt, %add3A_11, %sign3A_41 : i32
      %sign3A_43 = arith.extui %sign3A_42 : i1 to i32
      %sign3A_44 = arith.subi %sign3A_40, %sign3A_43 : i32
      %sign3A_45 = arith.constant 0 : i32
      %sign3A_46 = arith.cmpi sgt, %jit3A, %sign3A_45 : i32
      %sign3A_47 = arith.extui %sign3A_46 : i1 to i32
      %sign3A_48 = arith.constant 0 : i32
      %sign3A_49 = arith.cmpi slt, %jit3A, %sign3A_48 : i32
      %sign3A_50 = arith.extui %sign3A_49 : i1 to i32
      %sign3A_51 = arith.subi %sign3A_47, %sign3A_50 : i32
      %ne3A = arith.cmpi ne, %sign3A_44, %sign3A_51 : i32
      %rem3A_52 = arith.remsi %add3A_11, %jit3A : i32
      %ne3A_53 = arith.constant 0 : i32
      %ne3A_54 = arith.cmpi ne, %rem3A_52, %ne3A_53 : i32
      %and3A = arith.andi %ne3A, %ne3A_54 : i1
      %sub3A = arith.constant 1 : i32
      %sub3A_55 = arith.subi %div3A, %sub3A : i32
      %select_n3A_56 = arith.select %and3A, %sub3A_55, %div3A : i32
      %jit3A_57 = arith.constant 64 : i32
      %eq3A_58 = arith.constant 0 : i32
      %eq3A_59 = arith.cmpi eq, %jit3A_57, %eq3A_58 : i32
      %jit3A_60 = arith.constant 1 : i32
      %select_n3A_61 = arith.select %eq3A_59, %jit3A_60, %jit3A_57 : i32
      %rem3A_62 = arith.remsi %add3A_11, %select_n3A_61 : i32
      %ne3A_63 = arith.constant 0 : i32
      %ne3A_64 = arith.cmpi ne, %rem3A_62, %ne3A_63 : i32
      %lt3A = arith.constant 0 : i32
      %lt3A_65 = arith.cmpi slt, %rem3A_62, %lt3A : i32
      %lt3A_66 = arith.constant 0 : i32
      %lt3A_67 = arith.cmpi slt, %select_n3A_61, %lt3A_66 : i32
      %ne3A_68 = arith.xori %lt3A_65, %lt3A_67 : i1
      %and3A_69 = arith.andi %ne3A_68, %ne3A_64 : i1
      %add3A_70 = arith.addi %rem3A_62, %select_n3A_61 : i32
      %select_n3A_71 = arith.select %and3A_69, %add3A_70, %rem3A_62 : i32
      %add3A_72 = arith.constant 0 : i32
      %add3A_73 = arith.addi %select_n3A_71, %add3A_72 : i32
      %mul3A_74 = arith.constant 1 : i32
      %mul3A_75 = arith.muli %mul3A_74, %select_n3A_56 : i32
      %mul3A_76 = arith.constant 128 : i32
      %mul3A_77 = arith.muli %mul3A_76, %add3A_73 : i32
      %dma_start3A = arith.constant 0 : i32
      %dma_start3A_78 = arith.constant 0 : i32
      %dma_start3A_79 = tpu.memref_slice %run_scoped3A[%rem3A_38, %dma_start3A, %dma_start3A_78] : memref<2x1x128xi32, #tpu.memory_space<vmem>> -> memref<1x1x128xi32, #tpu.memory_space<vmem>>
      %dma_start3A_80 = tpu.memref_squeeze %dma_start3A_79 : memref<1x1x128xi32, #tpu.memory_space<vmem>> -> memref<1x128xi32, #tpu.memory_space<vmem>>
      %dma_start3A_81 = tpu.memref_slice %arg3[%mul3A_75, %mul3A_77] : memref<4x16384xi32, #tpu.memory_space<hbm>> -> memref<1x128xi32, #tpu.memory_space<hbm>>
      %dma_start3A_82 = tpu.memref_slice %run_scoped3A_7[%rem3A_38] : memref<2x!tpu.dma_semaphore, #tpu.memory_space<semaphore_mem>> -> memref<1x!tpu.dma_semaphore, #tpu.memory_space<semaphore_mem>>
      %dma_start3A_83 = tpu.memref_squeeze %dma_start3A_82 : memref<1x!tpu.dma_semaphore, #tpu.memory_space<semaphore_mem>> -> memref<!tpu.dma_semaphore, #tpu.memory_space<semaphore_mem>>
      %dma_start3A_84 = arith.constant 0 : i32
      %dma_start3A_85 = arith.constant 0 : i32
      %dma_start3A_86 = tpu.memref_slice %run_scoped3A[%rem3A_38, %dma_start3A_84, %dma_start3A_85] : memref<2x1x128xi32, #tpu.memory_space<vmem>> -> memref<1x1x128xi32, #tpu.memory_space<vmem>>
      %dma_start3A_87 = tpu.memref_squeeze %dma_start3A_86 : memref<1x1x128xi32, #tpu.memory_space<vmem>> -> memref<1x128xi32, #tpu.memory_space<vmem>>
      %dma_start3A_88 = tpu.memref_slice %arg3[%mul3A_75, %mul3A_77] : memref<4x16384xi32, #tpu.memory_space<hbm>> -> memref<1x128xi32, #tpu.memory_space<hbm>>
      tpu.enqueue_dma source(%dma_start3A_88 : memref<1x128xi32, #tpu.memory_space<hbm>>) target(%dma_start3A_87 : memref<1x128xi32, #tpu.memory_space<vmem>>) target_semaphore(%dma_start3A_83 : memref<!tpu.dma_semaphore, #tpu.memory_space<semaphore_mem>>)
      %add3A_89 = arith.constant 0 : i32
      %add3A_90 = arith.constant 1 : i32
      %add3A_91 = arith.addi %add3A_89, %add3A_90 : i32
      %select_n3A_92 = arith.constant true
      %select_n3A_93 = arith.constant 0 : i32
      %select_n3A_94 = arith.select %select_n3A_92, %add3A_91, %select_n3A_93 : i32
      "tpu.trace_stop"() : () -> ()
      %scan3A = arith.constant 0 : i32
      %scan3A_95 = arith.constant 0 : i32
      %scan3A_96 = arith.constant 0 : i32
      %scan3A_97 = arith.constant 0 : i32
      %scan3A_98 = arith.constant 0 : i32
      %scan3A_99 = arith.constant 8 : i32
      %scan3A_100 = arith.addi %scan3A_98, %scan3A_99 : i32
      %scan3A_101 = arith.constant 1 : i32
      %scan3A_102:5 = scf.for %scan3A_157 = %scan3A_98 to %scan3A_100 step %scan3A_101 iter_args(%scan3A_158 = %select_n3A_94, %scan3A_159 = %scan3A, %scan3A_160 = %scan3A_95, %scan3A_161 = %scan3A_96, %scan3A_162 = %scan3A_97) -> (i32, i32, i32, i32, i32)  : i32 {
        %eq3A_163 = arith.constant 0 : i32
        %eq3A_164 = arith.cmpi eq, %scan3A_157, %eq3A_163 : i32
        %eq3A_165 = arith.constant 7 : i32
        %eq3A_166 = arith.cmpi eq, %scan3A_157, %eq3A_165 : i32
        %add3A_167 = arith.addi %scan3A_162, %mul3A_6 : i32
        %sub3A_168 = arith.constant 1 : i32
        %sub3A_169 = arith.subi %scan3A_162, %sub3A_168 : i32
        %select_n3A_170 = arith.constant true
        %select_n3A_171 = arith.select %select_n3A_170, %sub3A_169, %scan3A_162 : i32
        %eq3A_172 = arith.constant -1 : i32
        %eq3A_173 = arith.cmpi eq, %select_n3A_171, %eq3A_172 : i32
        %select_n3A_174 = arith.constant 7 : i32
        %select_n3A_175 = arith.select %eq3A_173, %select_n3A_174, %select_n3A_171 : i32
        %add3A_176 = arith.addi %select_n3A_175, %mul3A_6 : i32
        %add3A_177 = arith.constant 1 : i32
        %add3A_178 = arith.addi %scan3A_162, %add3A_177 : i32
        %select_n3A_179 = arith.constant true
        %select_n3A_180 = arith.select %select_n3A_179, %add3A_178, %scan3A_162 : i32
        %eq3A_181 = arith.constant 8 : i32
        %eq3A_182 = arith.cmpi eq, %select_n3A_180, %eq3A_181 : i32
        %select_n3A_183 = arith.constant 0 : i32
        %select_n3A_184 = arith.select %eq3A_182, %select_n3A_183, %select_n3A_180 : i32
        %add3A_185 = arith.addi %select_n3A_184, %mul3A_6 : i32
        %add3A_186 = arith.constant 1 : i32
        %add3A_187 = arith.addi %select_n3A_184, %add3A_186 : i32
        %select_n3A_188 = arith.constant true
        %select_n3A_189 = arith.select %select_n3A_188, %add3A_187, %select_n3A_184 : i32
        %eq3A_190 = arith.constant 8 : i32
        %eq3A_191 = arith.cmpi eq, %select_n3A_189, %eq3A_190 : i32
        %select_n3A_192 = arith.constant 0 : i32
        %select_n3A_193 = arith.select %eq3A_191, %select_n3A_192, %select_n3A_189 : i32
        %add3A_194 = arith.addi %select_n3A_193, %mul3A_6 : i32
        %jit3A_195 = arith.constant 64 : i32
        %div3A_196 = arith.divsi %add3A_167, %jit3A_195 : i32
        %sign3A_197 = arith.constant 0 : i32
        %sign3A_198 = arith.cmpi sgt, %add3A_167, %sign3A_197 : i32
        %sign3A_199 = arith.extui %sign3A_198 : i1 to i32
        %sign3A_200 = arith.constant 0 : i32
        %sign3A_201 = arith.cmpi slt, %add3A_167, %sign3A_200 : i32
        %sign3A_202 = arith.extui %sign3A_201 : i1 to i32
        %sign3A_203 = arith.subi %sign3A_199, %sign3A_202 : i32
        %sign3A_204 = arith.constant 0 : i32
        %sign3A_205 = arith.cmpi sgt, %jit3A_195, %sign3A_204 : i32
        %sign3A_206 = arith.extui %sign3A_205 : i1 to i32
        %sign3A_207 = arith.constant 0 : i32
        %sign3A_208 = arith.cmpi slt, %jit3A_195, %sign3A_207 : i32
        %sign3A_209 = arith.extui %sign3A_208 : i1 to i32
        %sign3A_210 = arith.subi %sign3A_206, %sign3A_209 : i32
        %ne3A_211 = arith.cmpi ne, %sign3A_203, %sign3A_210 : i32
        %rem3A_212 = arith.remsi %add3A_167, %jit3A_195 : i32
        %ne3A_213 = arith.constant 0 : i32
        %ne3A_214 = arith.cmpi ne, %rem3A_212, %ne3A_213 : i32
        %and3A_215 = arith.andi %ne3A_211, %ne3A_214 : i1
        %sub3A_216 = arith.constant 1 : i32
        %sub3A_217 = arith.subi %div3A_196, %sub3A_216 : i32
        %select_n3A_218 = arith.select %and3A_215, %sub3A_217, %div3A_196 : i32
        %jit3A_219 = arith.constant 64 : i32
        %eq3A_220 = arith.constant 0 : i32
        %eq3A_221 = arith.cmpi eq, %jit3A_219, %eq3A_220 : i32
        %jit3A_222 = arith.constant 1 : i32
        %select_n3A_223 = arith.select %eq3A_221, %jit3A_222, %jit3A_219 : i32
        %rem3A_224 = arith.remsi %add3A_167, %select_n3A_223 : i32
        %ne3A_225 = arith.constant 0 : i32
        %ne3A_226 = arith.cmpi ne, %rem3A_224, %ne3A_225 : i32
        %lt3A_227 = arith.constant 0 : i32
        %lt3A_228 = arith.cmpi slt, %rem3A_224, %lt3A_227 : i32
        %lt3A_229 = arith.constant 0 : i32
        %lt3A_230 = arith.cmpi slt, %select_n3A_223, %lt3A_229 : i32
        %ne3A_231 = arith.xori %lt3A_228, %lt3A_230 : i1
        %and3A_232 = arith.andi %ne3A_231, %ne3A_226 : i1
        %add3A_233 = arith.addi %rem3A_224, %select_n3A_223 : i32
        %select_n3A_234 = arith.select %and3A_232, %add3A_233, %rem3A_224 : i32
        %add3A_235 = arith.constant 0 : i32
        %add3A_236 = arith.addi %select_n3A_234, %add3A_235 : i32
        %jit3A_237 = arith.constant 64 : i32
        %div3A_238 = arith.divsi %add3A_185, %jit3A_237 : i32
        %sign3A_239 = arith.constant 0 : i32
        %sign3A_240 = arith.cmpi sgt, %add3A_185, %sign3A_239 : i32
        %sign3A_241 = arith.extui %sign3A_240 : i1 to i32
        %sign3A_242 = arith.constant 0 : i32
        %sign3A_243 = arith.cmpi slt, %add3A_185, %sign3A_242 : i32
        %sign3A_244 = arith.extui %sign3A_243 : i1 to i32
        %sign3A_245 = arith.subi %sign3A_241, %sign3A_244 : i32
        %sign3A_246 = arith.constant 0 : i32
        %sign3A_247 = arith.cmpi sgt, %jit3A_237, %sign3A_246 : i32
        %sign3A_248 = arith.extui %sign3A_247 : i1 to i32
        %sign3A_249 = arith.constant 0 : i32
        %sign3A_250 = arith.cmpi slt, %jit3A_237, %sign3A_249 : i32
        %sign3A_251 = arith.extui %sign3A_250 : i1 to i32
        %sign3A_252 = arith.subi %sign3A_248, %sign3A_251 : i32
        %ne3A_253 = arith.cmpi ne, %sign3A_245, %sign3A_252 : i32
        %rem3A_254 = arith.remsi %add3A_185, %jit3A_237 : i32
        %ne3A_255 = arith.constant 0 : i32
        %ne3A_256 = arith.cmpi ne, %rem3A_254, %ne3A_255 : i32
        %and3A_257 = arith.andi %ne3A_253, %ne3A_256 : i1
        %sub3A_258 = arith.constant 1 : i32
        %sub3A_259 = arith.subi %div3A_238, %sub3A_258 : i32
        %select_n3A_260 = arith.select %and3A_257, %sub3A_259, %div3A_238 : i32
        %jit3A_261 = arith.constant 64 : i32
        %eq3A_262 = arith.constant 0 : i32
        %eq3A_263 = arith.cmpi eq, %jit3A_261, %eq3A_262 : i32
        %jit3A_264 = arith.constant 1 : i32
        %select_n3A_265 = arith.select %eq3A_263, %jit3A_264, %jit3A_261 : i32
        %rem3A_266 = arith.remsi %add3A_185, %select_n3A_265 : i32
        %ne3A_267 = arith.constant 0 : i32
        %ne3A_268 = arith.cmpi ne, %rem3A_266, %ne3A_267 : i32
        %lt3A_269 = arith.constant 0 : i32
        %lt3A_270 = arith.cmpi slt, %rem3A_266, %lt3A_269 : i32
        %lt3A_271 = arith.constant 0 : i32
        %lt3A_272 = arith.cmpi slt, %select_n3A_265, %lt3A_271 : i32
        %ne3A_273 = arith.xori %lt3A_270, %lt3A_272 : i1
        %and3A_274 = arith.andi %ne3A_273, %ne3A_268 : i1
        %add3A_275 = arith.addi %rem3A_266, %select_n3A_265 : i32
        %select_n3A_276 = arith.select %and3A_274, %add3A_275, %rem3A_266 : i32
        %add3A_277 = arith.constant 0 : i32
        %add3A_278 = arith.addi %select_n3A_276, %add3A_277 : i32
        %ne3A_279 = arith.cmpi ne, %select_n3A_218, %select_n3A_260 : i32
        %ne3A_280 = arith.cmpi ne, %add3A_236, %add3A_278 : i32
        %or3A = arith.constant false
        %or3A_281 = arith.ori %or3A, %ne3A_279 : i1
        %or3A_282 = arith.ori %or3A_281, %ne3A_280 : i1
        %ge3A = arith.constant 7 : i32
        %ge3A_283 = arith.cmpi sge, %scan3A_157, %ge3A : i32
        %not3A = arith.constant true
        %not3A_284 = arith.xori %ge3A_283, %not3A : i1
        %and3A_285 = arith.andi %or3A_282, %not3A_284 : i1
        %convert_element_type3A = arith.extui %and3A_285 : i1 to i32
        %cond3A = arith.constant 0 : i32
        %cond3A_286 = arith.cmpi ne, %convert_element_type3A, %cond3A : i32
        scf.if %cond3A_286 {
          "tpu.trace_start"() <{level = 10 : i32, message = "ep_copy_in"}> : () -> ()
          %rem3A_732 = arith.constant 2 : i32
          %rem3A_733 = arith.remui %scan3A_158, %rem3A_732 : i32
          %jit3A_734 = arith.constant 64 : i32
          %div3A_735 = arith.divsi %add3A_185, %jit3A_734 : i32
          %sign3A_736 = arith.constant 0 : i32
          %sign3A_737 = arith.cmpi sgt, %add3A_185, %sign3A_736 : i32
          %sign3A_738 = arith.extui %sign3A_737 : i1 to i32
          %sign3A_739 = arith.constant 0 : i32
          %sign3A_740 = arith.cmpi slt, %add3A_185, %sign3A_739 : i32
          %sign3A_741 = arith.extui %sign3A_740 : i1 to i32
          %sign3A_742 = arith.subi %sign3A_738, %sign3A_741 : i32
          %sign3A_743 = arith.constant 0 : i32
          %sign3A_744 = arith.cmpi sgt, %jit3A_734, %sign3A_743 : i32
          %sign3A_745 = arith.extui %sign3A_744 : i1 to i32
          %sign3A_746 = arith.constant 0 : i32
          %sign3A_747 = arith.cmpi slt, %jit3A_734, %sign3A_746 : i32
          %sign3A_748 = arith.extui %sign3A_747 : i1 to i32
          %sign3A_749 = arith.subi %sign3A_745, %sign3A_748 : i32
          %ne3A_750 = arith.cmpi ne, %sign3A_742, %sign3A_749 : i32
          %rem3A_751 = arith.remsi %add3A_185, %jit3A_734 : i32
          %ne3A_752 = arith.constant 0 : i32
          %ne3A_753 = arith.cmpi ne, %rem3A_751, %ne3A_752 : i32
          %and3A_754 = arith.andi %ne3A_750, %ne3A_753 : i1
          %sub3A_755 = arith.constant 1 : i32
          %sub3A_756 = arith.subi %div3A_735, %sub3A_755 : i32
          %select_n3A_757 = arith.select %and3A_754, %sub3A_756, %div3A_735 : i32
          %jit3A_758 = arith.constant 64 : i32
          %eq3A_759 = arith.constant 0 : i32
          %eq3A_760 = arith.cmpi eq, %jit3A_758, %eq3A_759 : i32
          %jit3A_761 = arith.constant 1 : i32
          %select_n3A_762 = arith.select %eq3A_760, %jit3A_761, %jit3A_758 : i32
          %rem3A_763 = arith.remsi %add3A_185, %select_n3A_762 : i32
          %ne3A_764 = arith.constant 0 : i32
          %ne3A_765 = arith.cmpi ne, %rem3A_763, %ne3A_764 : i32
          %lt3A_766 = arith.constant 0 : i32
          %lt3A_767 = arith.cmpi slt, %rem3A_763, %lt3A_766 : i32
          %lt3A_768 = arith.constant 0 : i32
          %lt3A_769 = arith.cmpi slt, %select_n3A_762, %lt3A_768 : i32
          %ne3A_770 = arith.xori %lt3A_767, %lt3A_769 : i1
          %and3A_771 = arith.andi %ne3A_770, %ne3A_765 : i1
          %add3A_772 = arith.addi %rem3A_763, %select_n3A_762 : i32
          %select_n3A_773 = arith.select %and3A_771, %add3A_772, %rem3A_763 : i32
          %add3A_774 = arith.constant 0 : i32
          %add3A_775 = arith.addi %select_n3A_773, %add3A_774 : i32
          %mul3A_776 = arith.constant 1 : i32
          %mul3A_777 = arith.muli %mul3A_776, %select_n3A_757 : i32
          %mul3A_778 = arith.constant 128 : i32
          %mul3A_779 = arith.muli %mul3A_778, %add3A_775 : i32
          %dma_start3A_780 = arith.constant 0 : i32
          %dma_start3A_781 = arith.constant 0 : i32
          %dma_start3A_782 = tpu.memref_slice %run_scoped3A[%rem3A_733, %dma_start3A_780, %dma_start3A_781] : memref<2x1x128xi32, #tpu.memory_space<vmem>> -> memref<1x1x128xi32, #tpu.memory_space<vmem>>
          %dma_start3A_783 = tpu.memref_squeeze %dma_start3A_782 : memref<1x1x128xi32, #tpu.memory_space<vmem>> -> memref<1x128xi32, #tpu.memory_space<vmem>>
          %dma_start3A_784 = tpu.memref_slice %arg3[%mul3A_777, %mul3A_779] : memref<4x16384xi32, #tpu.memory_space<hbm>> -> memref<1x128xi32, #tpu.memory_space<hbm>>
          %dma_start3A_785 = tpu.memref_slice %run_scoped3A_7[%rem3A_733] : memref<2x!tpu.dma_semaphore, #tpu.memory_space<semaphore_mem>> -> memref<1x!tpu.dma_semaphore, #tpu.memory_space<semaphore_mem>>
          %dma_start3A_786 = tpu.memref_squeeze %dma_start3A_785 : memref<1x!tpu.dma_semaphore, #tpu.memory_space<semaphore_mem>> -> memref<!tpu.dma_semaphore, #tpu.memory_space<semaphore_mem>>
          %dma_start3A_787 = arith.constant 0 : i32
          %dma_start3A_788 = arith.constant 0 : i32
          %dma_start3A_789 = tpu.memref_slice %run_scoped3A[%rem3A_733, %dma_start3A_787, %dma_start3A_788] : memref<2x1x128xi32, #tpu.memory_space<vmem>> -> memref<1x1x128xi32, #tpu.memory_space<vmem>>
          %dma_start3A_790 = tpu.memref_squeeze %dma_start3A_789 : memref<1x1x128xi32, #tpu.memory_space<vmem>> -> memref<1x128xi32, #tpu.memory_space<vmem>>
          %dma_start3A_791 = tpu.memref_slice %arg3[%mul3A_777, %mul3A_779] : memref<4x16384xi32, #tpu.memory_space<hbm>> -> memref<1x128xi32, #tpu.memory_space<hbm>>
          tpu.enqueue_dma source(%dma_start3A_791 : memref<1x128xi32, #tpu.memory_space<hbm>>) target(%dma_start3A_790 : memref<1x128xi32, #tpu.memory_space<vmem>>) target_semaphore(%dma_start3A_786 : memref<!tpu.dma_semaphore, #tpu.memory_space<semaphore_mem>>)
          "tpu.trace_stop"() : () -> ()
        } else {
        }
        %and3A_287 = arith.constant true
        %and3A_288 = arith.andi %and3A_285, %and3A_287 : i1
        %add3A_289 = arith.constant 1 : i32
        %add3A_290 = arith.addi %scan3A_158, %add3A_289 : i32
        %select_n3A_291 = arith.select %and3A_288, %add3A_290, %scan3A_158 : i32
        %ne3A_292 = arith.cmpi ne, %add3A_167, %add3A_185 : i32
        %or3A_293 = arith.constant false
        %or3A_294 = arith.ori %or3A_293, %ne3A_292 : i1
        %or3A_295 = arith.constant false
        %or3A_296 = arith.ori %or3A_294, %or3A_295 : i1
        %ge3A_297 = arith.constant 7 : i32
        %ge3A_298 = arith.cmpi sge, %scan3A_157, %ge3A_297 : i32
        %not3A_299 = arith.constant true
        %not3A_300 = arith.xori %ge3A_298, %not3A_299 : i1
        %and3A_301 = arith.andi %or3A_296, %not3A_300 : i1
        %jit3A_302 = arith.constant 64 : i32
        %div3A_303 = arith.divsi %add3A_167, %jit3A_302 : i32
        %sign3A_304 = arith.constant 0 : i32
        %sign3A_305 = arith.cmpi sgt, %add3A_167, %sign3A_304 : i32
        %sign3A_306 = arith.extui %sign3A_305 : i1 to i32
        %sign3A_307 = arith.constant 0 : i32
        %sign3A_308 = arith.cmpi slt, %add3A_167, %sign3A_307 : i32
        %sign3A_309 = arith.extui %sign3A_308 : i1 to i32
        %sign3A_310 = arith.subi %sign3A_306, %sign3A_309 : i32
        %sign3A_311 = arith.constant 0 : i32
        %sign3A_312 = arith.cmpi sgt, %jit3A_302, %sign3A_311 : i32
        %sign3A_313 = arith.extui %sign3A_312 : i1 to i32
        %sign3A_314 = arith.constant 0 : i32
        %sign3A_315 = arith.cmpi slt, %jit3A_302, %sign3A_314 : i32
        %sign3A_316 = arith.extui %sign3A_315 : i1 to i32
        %sign3A_317 = arith.subi %sign3A_313, %sign3A_316 : i32
        %ne3A_318 = arith.cmpi ne, %sign3A_310, %sign3A_317 : i32
        %rem3A_319 = arith.remsi %add3A_167, %jit3A_302 : i32
        %ne3A_320 = arith.constant 0 : i32
        %ne3A_321 = arith.cmpi ne, %rem3A_319, %ne3A_320 : i32
        %and3A_322 = arith.andi %ne3A_318, %ne3A_321 : i1
        %sub3A_323 = arith.constant 1 : i32
        %sub3A_324 = arith.subi %div3A_303, %sub3A_323 : i32
        %select_n3A_325 = arith.select %and3A_322, %sub3A_324, %div3A_303 : i32
        %jit3A_326 = arith.constant 64 : i32
        %eq3A_327 = arith.constant 0 : i32
        %eq3A_328 = arith.cmpi eq, %jit3A_326, %eq3A_327 : i32
        %jit3A_329 = arith.constant 1 : i32
        %select_n3A_330 = arith.select %eq3A_328, %jit3A_329, %jit3A_326 : i32
        %rem3A_331 = arith.remsi %add3A_167, %select_n3A_330 : i32
        %ne3A_332 = arith.constant 0 : i32
        %ne3A_333 = arith.cmpi ne, %rem3A_331, %ne3A_332 : i32
        %lt3A_334 = arith.constant 0 : i32
        %lt3A_335 = arith.cmpi slt, %rem3A_331, %lt3A_334 : i32
        %lt3A_336 = arith.constant 0 : i32
        %lt3A_337 = arith.cmpi slt, %select_n3A_330, %lt3A_336 : i32
        %ne3A_338 = arith.xori %lt3A_335, %lt3A_337 : i1
        %and3A_339 = arith.andi %ne3A_338, %ne3A_333 : i1
        %add3A_340 = arith.addi %rem3A_331, %select_n3A_330 : i32
        %select_n3A_341 = arith.select %and3A_339, %add3A_340, %rem3A_331 : i32
        %add3A_342 = arith.constant 0 : i32
        %add3A_343 = arith.addi %select_n3A_341, %add3A_342 : i32
        %jit3A_344 = arith.constant 64 : i32
        %div3A_345 = arith.divsi %add3A_176, %jit3A_344 : i32
        %sign3A_346 = arith.constant 0 : i32
        %sign3A_347 = arith.cmpi sgt, %add3A_176, %sign3A_346 : i32
        %sign3A_348 = arith.extui %sign3A_347 : i1 to i32
        %sign3A_349 = arith.constant 0 : i32
        %sign3A_350 = arith.cmpi slt, %add3A_176, %sign3A_349 : i32
        %sign3A_351 = arith.extui %sign3A_350 : i1 to i32
        %sign3A_352 = arith.subi %sign3A_348, %sign3A_351 : i32
        %sign3A_353 = arith.constant 0 : i32
        %sign3A_354 = arith.cmpi sgt, %jit3A_344, %sign3A_353 : i32
        %sign3A_355 = arith.extui %sign3A_354 : i1 to i32
        %sign3A_356 = arith.constant 0 : i32
        %sign3A_357 = arith.cmpi slt, %jit3A_344, %sign3A_356 : i32
        %sign3A_358 = arith.extui %sign3A_357 : i1 to i32
        %sign3A_359 = arith.subi %sign3A_355, %sign3A_358 : i32
        %ne3A_360 = arith.cmpi ne, %sign3A_352, %sign3A_359 : i32
        %rem3A_361 = arith.remsi %add3A_176, %jit3A_344 : i32
        %ne3A_362 = arith.constant 0 : i32
        %ne3A_363 = arith.cmpi ne, %rem3A_361, %ne3A_362 : i32
        %and3A_364 = arith.andi %ne3A_360, %ne3A_363 : i1
        %sub3A_365 = arith.constant 1 : i32
        %sub3A_366 = arith.subi %div3A_345, %sub3A_365 : i32
        %select_n3A_367 = arith.select %and3A_364, %sub3A_366, %div3A_345 : i32
        %jit3A_368 = arith.constant 64 : i32
        %eq3A_369 = arith.constant 0 : i32
        %eq3A_370 = arith.cmpi eq, %jit3A_368, %eq3A_369 : i32
        %jit3A_371 = arith.constant 1 : i32
        %select_n3A_372 = arith.select %eq3A_370, %jit3A_371, %jit3A_368 : i32
        %rem3A_373 = arith.remsi %add3A_176, %select_n3A_372 : i32
        %ne3A_374 = arith.constant 0 : i32
        %ne3A_375 = arith.cmpi ne, %rem3A_373, %ne3A_374 : i32
        %lt3A_376 = arith.constant 0 : i32
        %lt3A_377 = arith.cmpi slt, %rem3A_373, %lt3A_376 : i32
        %lt3A_378 = arith.constant 0 : i32
        %lt3A_379 = arith.cmpi slt, %select_n3A_372, %lt3A_378 : i32
        %ne3A_380 = arith.xori %lt3A_377, %lt3A_379 : i1
        %and3A_381 = arith.andi %ne3A_380, %ne3A_375 : i1
        %add3A_382 = arith.addi %rem3A_373, %select_n3A_372 : i32
        %select_n3A_383 = arith.select %and3A_381, %add3A_382, %rem3A_373 : i32
        %add3A_384 = arith.constant 0 : i32
        %add3A_385 = arith.addi %select_n3A_383, %add3A_384 : i32
        %ne3A_386 = arith.cmpi ne, %select_n3A_325, %select_n3A_367 : i32
        %ne3A_387 = arith.cmpi ne, %add3A_343, %add3A_385 : i32
        %or3A_388 = arith.constant false
        %or3A_389 = arith.ori %or3A_388, %ne3A_386 : i1
        %or3A_390 = arith.ori %or3A_389, %ne3A_387 : i1
        %or3A_391 = arith.ori %or3A_390, %eq3A_164 : i1
        %convert_element_type3A_392 = arith.extui %or3A_391 : i1 to i32
        %cond3A_393 = arith.constant 0 : i32
        %cond3A_394 = arith.cmpi ne, %convert_element_type3A_392, %cond3A_393 : i32
        scf.if %cond3A_394 {
          %jit3A_732 = arith.constant 64 : i32
          "tpu.trace_start"() <{level = 10 : i32, message = "ep_wait_in"}> : () -> ()
          %div3A_733 = arith.divsi %add3A_167, %jit3A_732 : i32
          %sign3A_734 = arith.constant 0 : i32
          %sign3A_735 = arith.cmpi sgt, %add3A_167, %sign3A_734 : i32
          %sign3A_736 = arith.extui %sign3A_735 : i1 to i32
          %sign3A_737 = arith.constant 0 : i32
          %sign3A_738 = arith.cmpi slt, %add3A_167, %sign3A_737 : i32
          %sign3A_739 = arith.extui %sign3A_738 : i1 to i32
          %sign3A_740 = arith.subi %sign3A_736, %sign3A_739 : i32
          %sign3A_741 = arith.constant 0 : i32
          %sign3A_742 = arith.cmpi sgt, %jit3A_732, %sign3A_741 : i32
          %sign3A_743 = arith.extui %sign3A_742 : i1 to i32
          %sign3A_744 = arith.constant 0 : i32
          %sign3A_745 = arith.cmpi slt, %jit3A_732, %sign3A_744 : i32
          %sign3A_746 = arith.extui %sign3A_745 : i1 to i32
          %sign3A_747 = arith.subi %sign3A_743, %sign3A_746 : i32
          %ne3A_748 = arith.cmpi ne, %sign3A_740, %sign3A_747 : i32
          %rem3A_749 = arith.remsi %add3A_167, %jit3A_732 : i32
          %ne3A_750 = arith.constant 0 : i32
          %ne3A_751 = arith.cmpi ne, %rem3A_749, %ne3A_750 : i32
          %and3A_752 = arith.andi %ne3A_748, %ne3A_751 : i1
          %sub3A_753 = arith.constant 1 : i32
          %sub3A_754 = arith.subi %div3A_733, %sub3A_753 : i32
          %select_n3A_755 = arith.select %and3A_752, %sub3A_754, %div3A_733 : i32
          %jit3A_756 = arith.constant 64 : i32
          %eq3A_757 = arith.constant 0 : i32
          %eq3A_758 = arith.cmpi eq, %jit3A_756, %eq3A_757 : i32
          %jit3A_759 = arith.constant 1 : i32
          %select_n3A_760 = arith.select %eq3A_758, %jit3A_759, %jit3A_756 : i32
          %rem3A_761 = arith.remsi %add3A_167, %select_n3A_760 : i32
          %ne3A_762 = arith.constant 0 : i32
          %ne3A_763 = arith.cmpi ne, %rem3A_761, %ne3A_762 : i32
          %lt3A_764 = arith.constant 0 : i32
          %lt3A_765 = arith.cmpi slt, %rem3A_761, %lt3A_764 : i32
          %lt3A_766 = arith.constant 0 : i32
          %lt3A_767 = arith.cmpi slt, %select_n3A_760, %lt3A_766 : i32
          %ne3A_768 = arith.xori %lt3A_765, %lt3A_767 : i1
          %and3A_769 = arith.andi %ne3A_768, %ne3A_763 : i1
          %add3A_770 = arith.addi %rem3A_761, %select_n3A_760 : i32
          %select_n3A_771 = arith.select %and3A_769, %add3A_770, %rem3A_761 : i32
          %add3A_772 = arith.constant 0 : i32
          %add3A_773 = arith.addi %select_n3A_771, %add3A_772 : i32
          %mul3A_774 = arith.constant 1 : i32
          %mul3A_775 = arith.muli %mul3A_774, %select_n3A_755 : i32
          %mul3A_776 = arith.constant 128 : i32
          %mul3A_777 = arith.muli %mul3A_776, %add3A_773 : i32
          %rem3A_778 = arith.constant 2 : i32
          %rem3A_779 = arith.remui %scan3A_159, %rem3A_778 : i32
          %dma_wait3A_780 = arith.constant 0 : i32
          %dma_wait3A_781 = arith.constant 0 : i32
          %dma_wait3A_782 = tpu.memref_slice %run_scoped3A[%rem3A_779, %dma_wait3A_780, %dma_wait3A_781] : memref<2x1x128xi32, #tpu.memory_space<vmem>> -> memref<1x1x128xi32, #tpu.memory_space<vmem>>
          %dma_wait3A_783 = tpu.memref_squeeze %dma_wait3A_782 : memref<1x1x128xi32, #tpu.memory_space<vmem>> -> memref<1x128xi32, #tpu.memory_space<vmem>>
          %dma_wait3A_784 = tpu.memref_slice %arg3[%mul3A_775, %mul3A_777] : memref<4x16384xi32, #tpu.memory_space<hbm>> -> memref<1x128xi32, #tpu.memory_space<hbm>>
          %dma_wait3A_785 = tpu.memref_slice %run_scoped3A_7[%rem3A_779] : memref<2x!tpu.dma_semaphore, #tpu.memory_space<semaphore_mem>> -> memref<1x!tpu.dma_semaphore, #tpu.memory_space<semaphore_mem>>
          %dma_wait3A_786 = tpu.memref_squeeze %dma_wait3A_785 : memref<1x!tpu.dma_semaphore, #tpu.memory_space<semaphore_mem>> -> memref<!tpu.dma_semaphore, #tpu.memory_space<semaphore_mem>>
          %dma_wait3A_787 = arith.constant 0 : i32
          %dma_wait3A_788 = arith.constant 0 : i32
          %dma_wait3A_789 = tpu.memref_slice %run_scoped3A[%rem3A_779, %dma_wait3A_787, %dma_wait3A_788] : memref<2x1x128xi32, #tpu.memory_space<vmem>> -> memref<1x1x128xi32, #tpu.memory_space<vmem>>
          %dma_wait3A_790 = tpu.memref_squeeze %dma_wait3A_789 : memref<1x1x128xi32, #tpu.memory_space<vmem>> -> memref<1x128xi32, #tpu.memory_space<vmem>>
          %dma_wait3A_791 = tpu.memref_slice %arg3[%mul3A_775, %mul3A_777] : memref<4x16384xi32, #tpu.memory_space<hbm>> -> memref<1x128xi32, #tpu.memory_space<hbm>>
          tpu.wait_dma2 semaphore(%dma_wait3A_786 : memref<!tpu.dma_semaphore, #tpu.memory_space<semaphore_mem>>) src(%dma_wait3A_791 : memref<1x128xi32, #tpu.memory_space<hbm>>) dst(%dma_wait3A_790 : memref<1x128xi32, #tpu.memory_space<vmem>>)
          "tpu.trace_stop"() : () -> ()
        } else {
        }
        %ne3A_395 = arith.cmpi ne, %add3A_167, %add3A_176 : i32
        %or3A_396 = arith.constant false
        %or3A_397 = arith.ori %or3A_396, %ne3A_395 : i1
        %or3A_398 = arith.constant false
        %or3A_399 = arith.ori %or3A_397, %or3A_398 : i1
        %or3A_400 = arith.ori %or3A_399, %eq3A_164 : i1
        %convert_element_type3A_401 = arith.extui %or3A_400 : i1 to i32
        %cond3A_402 = arith.constant 0 : i32
        %cond3A_403 = arith.cmpi ne, %convert_element_type3A_401, %cond3A_402 : i32
        scf.if %cond3A_403 {
        } else {
        }
        %rem3A_404 = arith.constant 2 : i32
        %rem3A_405 = arith.remui %scan3A_159, %rem3A_404 : i32
        %rem3A_406 = arith.constant 2 : i32
        %rem3A_407 = arith.remui %scan3A_160, %rem3A_406 : i32
        %run_scoped3A_408 = arith.constant 0 : i32
        "tpu.trace_start"() <{level = 10 : i32, message = "ep_run_kernel"}> : () -> ()
        "tpu.region"() ({
          %run_scoped3A_732 = tpu.sem_alloc : memref<!tpu.dma_semaphore, #tpu.memory_space<semaphore_mem>>
          %dma_start3A_733 = arith.constant 0 : i32
          %dma_start3A_734 = arith.constant 0 : i32
          %dma_start3A_735 = tpu.memref_slice %run_scoped3A_8[%rem3A_407, %dma_start3A_733, %dma_start3A_734] : memref<2x128x256xf32, #tpu.memory_space<vmem>> -> memref<1x128x256xf32, #tpu.memory_space<vmem>>
          %dma_start3A_736 = tpu.memref_squeeze %dma_start3A_735 : memref<1x128x256xf32, #tpu.memory_space<vmem>> -> memref<128x256xf32, #tpu.memory_space<vmem>>
          %dma_start3A_737 = arith.constant 0 : i32
          %dma_start3A_738 = arith.constant 0 : i32
          %dma_start3A_739 = tpu.memref_slice %run_scoped3A[%rem3A_405, %dma_start3A_737, %dma_start3A_738] : memref<2x1x128xi32, #tpu.memory_space<vmem>> -> memref<1x1x128xi32, #tpu.memory_space<vmem>>
          %dma_start3A_740 = tpu.memref_squeeze %dma_start3A_739 : memref<1x1x128xi32, #tpu.memory_space<vmem>> -> memref<1x128xi32, #tpu.memory_space<vmem>>
          %dma_start3A_741 = arith.constant 0 : i32
          %dma_start3A_742 = tpu.memref_slice %dma_start3A_740[%run_scoped3A_408, %dma_start3A_741] : memref<1x128xi32, #tpu.memory_space<vmem>> -> memref<1x128xi32, #tpu.memory_space<vmem>>
          %dma_start3A_743 = tpu.memref_squeeze %dma_start3A_742 : memref<1x128xi32, #tpu.memory_space<vmem>> -> memref<128xi32, #tpu.memory_space<vmem>>
          %dma_start3A_744 = arith.constant 0 : i32
          %dma_start3A_745 = arith.constant 0 : i32
          %dma_start3A_746 = tpu.memref_slice %arg2[%dma_start3A_744, %dma_start3A_745] : memref<100000x256xf32, #tpu.memory_space<hbm>> -> memref<100000x256xf32, #tpu.memory_space<hbm>>
          tpu.enqueue_indirect_dma source(%dma_start3A_746 : memref<100000x256xf32, #tpu.memory_space<hbm>>) target(%dma_start3A_736 : memref<128x256xf32, #tpu.memory_space<vmem>>) offsets(%dma_start3A_743 : memref<128xi32, #tpu.memory_space<vmem>>) semaphore(%run_scoped3A_732 : memref<!tpu.dma_semaphore, #tpu.memory_space<semaphore_mem>>)
          %dma_wait3A_747 = arith.constant 0 : i32
          %dma_wait3A_748 = arith.constant 0 : i32
          %dma_wait3A_749 = tpu.memref_slice %run_scoped3A_8[%rem3A_407, %dma_wait3A_747, %dma_wait3A_748] : memref<2x128x256xf32, #tpu.memory_space<vmem>> -> memref<1x128x256xf32, #tpu.memory_space<vmem>>
          %dma_wait3A_750 = tpu.memref_squeeze %dma_wait3A_749 : memref<1x128x256xf32, #tpu.memory_space<vmem>> -> memref<128x256xf32, #tpu.memory_space<vmem>>
          %dma_wait3A_751 = arith.constant 0 : i32
          %dma_wait3A_752 = arith.constant 0 : i32
          %dma_wait3A_753 = tpu.memref_slice %run_scoped3A[%rem3A_405, %dma_wait3A_751, %dma_wait3A_752] : memref<2x1x128xi32, #tpu.memory_space<vmem>> -> memref<1x1x128xi32, #tpu.memory_space<vmem>>
          %dma_wait3A_754 = tpu.memref_squeeze %dma_wait3A_753 : memref<1x1x128xi32, #tpu.memory_space<vmem>> -> memref<1x128xi32, #tpu.memory_space<vmem>>
          %dma_wait3A_755 = arith.constant 0 : i32
          %dma_wait3A_756 = tpu.memref_slice %dma_wait3A_754[%run_scoped3A_408, %dma_wait3A_755] : memref<1x128xi32, #tpu.memory_space<vmem>> -> memref<1x128xi32, #tpu.memory_space<vmem>>
          %dma_wait3A_757 = tpu.memref_squeeze %dma_wait3A_756 : memref<1x128xi32, #tpu.memory_space<vmem>> -> memref<128xi32, #tpu.memory_space<vmem>>
          %dma_wait3A_758 = arith.constant 0 : i32
          %dma_wait3A_759 = arith.constant 0 : i32
          %dma_wait3A_760 = tpu.memref_slice %arg2[%dma_wait3A_758, %dma_wait3A_759] : memref<100000x256xf32, #tpu.memory_space<hbm>> -> memref<100000x256xf32, #tpu.memory_space<hbm>>
          tpu.wait_indirect_dma semaphore(%run_scoped3A_732 : memref<!tpu.dma_semaphore, #tpu.memory_space<semaphore_mem>>) src(%dma_wait3A_760 : memref<100000x256xf32, #tpu.memory_space<hbm>>) dst(%dma_wait3A_750 : memref<128x256xf32, #tpu.memory_space<vmem>>)
          tpu.yield
        }) : () -> ()
        %jit3A_409 = arith.constant 64 : i32
        "tpu.trace_stop"() : () -> ()
        %div3A_410 = arith.divsi %add3A_167, %jit3A_409 : i32
        %sign3A_411 = arith.constant 0 : i32
        %sign3A_412 = arith.cmpi sgt, %add3A_167, %sign3A_411 : i32
        %sign3A_413 = arith.extui %sign3A_412 : i1 to i32
        %sign3A_414 = arith.constant 0 : i32
        %sign3A_415 = arith.cmpi slt, %add3A_167, %sign3A_414 : i32
        %sign3A_416 = arith.extui %sign3A_415 : i1 to i32
        %sign3A_417 = arith.subi %sign3A_413, %sign3A_416 : i32
        %sign3A_418 = arith.constant 0 : i32
        %sign3A_419 = arith.cmpi sgt, %jit3A_409, %sign3A_418 : i32
        %sign3A_420 = arith.extui %sign3A_419 : i1 to i32
        %sign3A_421 = arith.constant 0 : i32
        %sign3A_422 = arith.cmpi slt, %jit3A_409, %sign3A_421 : i32
        %sign3A_423 = arith.extui %sign3A_422 : i1 to i32
        %sign3A_424 = arith.subi %sign3A_420, %sign3A_423 : i32
        %ne3A_425 = arith.cmpi ne, %sign3A_417, %sign3A_424 : i32
        %rem3A_426 = arith.remsi %add3A_167, %jit3A_409 : i32
        %ne3A_427 = arith.constant 0 : i32
        %ne3A_428 = arith.cmpi ne, %rem3A_426, %ne3A_427 : i32
        %and3A_429 = arith.andi %ne3A_425, %ne3A_428 : i1
        %sub3A_430 = arith.constant 1 : i32
        %sub3A_431 = arith.subi %div3A_410, %sub3A_430 : i32
        %select_n3A_432 = arith.select %and3A_429, %sub3A_431, %div3A_410 : i32
        %jit3A_433 = arith.constant 64 : i32
        %eq3A_434 = arith.constant 0 : i32
        %eq3A_435 = arith.cmpi eq, %jit3A_433, %eq3A_434 : i32
        %jit3A_436 = arith.constant 1 : i32
        %select_n3A_437 = arith.select %eq3A_435, %jit3A_436, %jit3A_433 : i32
        %rem3A_438 = arith.remsi %add3A_167, %select_n3A_437 : i32
        %ne3A_439 = arith.constant 0 : i32
        %ne3A_440 = arith.cmpi ne, %rem3A_438, %ne3A_439 : i32
        %lt3A_441 = arith.constant 0 : i32
        %lt3A_442 = arith.cmpi slt, %rem3A_438, %lt3A_441 : i32
        %lt3A_443 = arith.constant 0 : i32
        %lt3A_444 = arith.cmpi slt, %select_n3A_437, %lt3A_443 : i32
        %ne3A_445 = arith.xori %lt3A_442, %lt3A_444 : i1
        %and3A_446 = arith.andi %ne3A_445, %ne3A_440 : i1
        %add3A_447 = arith.addi %rem3A_438, %select_n3A_437 : i32
        %select_n3A_448 = arith.select %and3A_446, %add3A_447, %rem3A_438 : i32
        %add3A_449 = arith.constant 0 : i32
        %add3A_450 = arith.addi %select_n3A_448, %add3A_449 : i32
        %jit3A_451 = arith.constant 64 : i32
        %div3A_452 = arith.divsi %add3A_185, %jit3A_451 : i32
        %sign3A_453 = arith.constant 0 : i32
        %sign3A_454 = arith.cmpi sgt, %add3A_185, %sign3A_453 : i32
        %sign3A_455 = arith.extui %sign3A_454 : i1 to i32
        %sign3A_456 = arith.constant 0 : i32
        %sign3A_457 = arith.cmpi slt, %add3A_185, %sign3A_456 : i32
        %sign3A_458 = arith.extui %sign3A_457 : i1 to i32
        %sign3A_459 = arith.subi %sign3A_455, %sign3A_458 : i32
        %sign3A_460 = arith.constant 0 : i32
        %sign3A_461 = arith.cmpi sgt, %jit3A_451, %sign3A_460 : i32
        %sign3A_462 = arith.extui %sign3A_461 : i1 to i32
        %sign3A_463 = arith.constant 0 : i32
        %sign3A_464 = arith.cmpi slt, %jit3A_451, %sign3A_463 : i32
        %sign3A_465 = arith.extui %sign3A_464 : i1 to i32
        %sign3A_466 = arith.subi %sign3A_462, %sign3A_465 : i32
        %ne3A_467 = arith.cmpi ne, %sign3A_459, %sign3A_466 : i32
        %rem3A_468 = arith.remsi %add3A_185, %jit3A_451 : i32
        %ne3A_469 = arith.constant 0 : i32
        %ne3A_470 = arith.cmpi ne, %rem3A_468, %ne3A_469 : i32
        %and3A_471 = arith.andi %ne3A_467, %ne3A_470 : i1
        %sub3A_472 = arith.constant 1 : i32
        %sub3A_473 = arith.subi %div3A_452, %sub3A_472 : i32
        %select_n3A_474 = arith.select %and3A_471, %sub3A_473, %div3A_452 : i32
        %jit3A_475 = arith.constant 64 : i32
        %eq3A_476 = arith.constant 0 : i32
        %eq3A_477 = arith.cmpi eq, %jit3A_475, %eq3A_476 : i32
        %jit3A_478 = arith.constant 1 : i32
        %select_n3A_479 = arith.select %eq3A_477, %jit3A_478, %jit3A_475 : i32
        %rem3A_480 = arith.remsi %add3A_185, %select_n3A_479 : i32
        %ne3A_481 = arith.constant 0 : i32
        %ne3A_482 = arith.cmpi ne, %rem3A_480, %ne3A_481 : i32
        %lt3A_483 = arith.constant 0 : i32
        %lt3A_484 = arith.cmpi slt, %rem3A_480, %lt3A_483 : i32
        %lt3A_485 = arith.constant 0 : i32
        %lt3A_486 = arith.cmpi slt, %select_n3A_479, %lt3A_485 : i32
        %ne3A_487 = arith.xori %lt3A_484, %lt3A_486 : i1
        %and3A_488 = arith.andi %ne3A_487, %ne3A_482 : i1
        %add3A_489 = arith.addi %rem3A_480, %select_n3A_479 : i32
        %select_n3A_490 = arith.select %and3A_488, %add3A_489, %rem3A_480 : i32
        %add3A_491 = arith.constant 0 : i32
        %add3A_492 = arith.addi %select_n3A_490, %add3A_491 : i32
        %ne3A_493 = arith.cmpi ne, %select_n3A_432, %select_n3A_474 : i32
        %ne3A_494 = arith.cmpi ne, %add3A_450, %add3A_492 : i32
        %or3A_495 = arith.constant false
        %or3A_496 = arith.ori %or3A_495, %ne3A_493 : i1
        %or3A_497 = arith.ori %or3A_496, %ne3A_494 : i1
        %or3A_498 = arith.ori %or3A_497, %eq3A_166 : i1
        %convert_element_type3A_499 = arith.extui %or3A_498 : i1 to i32
        %cond3A_500 = arith.constant 0 : i32
        %cond3A_501 = arith.cmpi ne, %convert_element_type3A_499, %cond3A_500 : i32
        scf.if %cond3A_501 {
        } else {
        }
        %and3A_502 = arith.constant false
        %and3A_503 = arith.andi %or3A_498, %and3A_502 : i1
        %ne3A_504 = arith.cmpi ne, %add3A_167, %add3A_185 : i32
        %or3A_505 = arith.constant false
        %or3A_506 = arith.ori %or3A_505, %ne3A_504 : i1
        %or3A_507 = arith.constant false
        %or3A_508 = arith.ori %or3A_506, %or3A_507 : i1
        %or3A_509 = arith.ori %or3A_508, %eq3A_166 : i1
        %convert_element_type3A_510 = arith.extui %or3A_509 : i1 to i32
        %cond3A_511 = arith.constant 0 : i32
        %cond3A_512 = arith.cmpi ne, %convert_element_type3A_510, %cond3A_511 : i32
        scf.if %cond3A_512 {
          "tpu.trace_start"() <{level = 10 : i32, message = "ep_copy_out"}> : () -> ()
          %rem3A_732 = arith.constant 2 : i32
          %rem3A_733 = arith.remui %scan3A_160, %rem3A_732 : i32
          %mul3A_734 = arith.constant 128 : i32
          %mul3A_735 = arith.muli %mul3A_734, %add3A_167 : i32
          %dma_start3A_736 = arith.constant 0 : i32
          %dma_start3A_737 = arith.constant 0 : i32
          %dma_start3A_738 = tpu.memref_slice %run_scoped3A_8[%rem3A_733, %dma_start3A_736, %dma_start3A_737] : memref<2x128x256xf32, #tpu.memory_space<vmem>> -> memref<1x128x256xf32, #tpu.memory_space<vmem>>
          %dma_start3A_739 = tpu.memref_squeeze %dma_start3A_738 : memref<1x128x256xf32, #tpu.memory_space<vmem>> -> memref<128x256xf32, #tpu.memory_space<vmem>>
          %dma_start3A_740 = arith.constant 0 : i32
          %dma_start3A_741 = tpu.memref_slice %arg4[%mul3A_735, %dma_start3A_740] : memref<32768x256xf32, #tpu.memory_space<hbm>> -> memref<128x256xf32, #tpu.memory_space<hbm>>
          %dma_start3A_742 = tpu.memref_slice %run_scoped3A_9[%rem3A_733] : memref<2x!tpu.dma_semaphore, #tpu.memory_space<semaphore_mem>> -> memref<1x!tpu.dma_semaphore, #tpu.memory_space<semaphore_mem>>
          %dma_start3A_743 = tpu.memref_squeeze %dma_start3A_742 : memref<1x!tpu.dma_semaphore, #tpu.memory_space<semaphore_mem>> -> memref<!tpu.dma_semaphore, #tpu.memory_space<semaphore_mem>>
          %dma_start3A_744 = arith.constant 0 : i32
          %dma_start3A_745 = tpu.memref_slice %arg4[%mul3A_735, %dma_start3A_744] : memref<32768x256xf32, #tpu.memory_space<hbm>> -> memref<128x256xf32, #tpu.memory_space<hbm>>
          %dma_start3A_746 = arith.constant 0 : i32
          %dma_start3A_747 = arith.constant 0 : i32
          %dma_start3A_748 = tpu.memref_slice %run_scoped3A_8[%rem3A_733, %dma_start3A_746, %dma_start3A_747] : memref<2x128x256xf32, #tpu.memory_space<vmem>> -> memref<1x128x256xf32, #tpu.memory_space<vmem>>
          %dma_start3A_749 = tpu.memref_squeeze %dma_start3A_748 : memref<1x128x256xf32, #tpu.memory_space<vmem>> -> memref<128x256xf32, #tpu.memory_space<vmem>>
          tpu.enqueue_dma source(%dma_start3A_749 : memref<128x256xf32, #tpu.memory_space<vmem>>) target(%dma_start3A_745 : memref<128x256xf32, #tpu.memory_space<hbm>>) target_semaphore(%dma_start3A_743 : memref<!tpu.dma_semaphore, #tpu.memory_space<semaphore_mem>>)
          "tpu.trace_stop"() : () -> ()
        } else {
        }
        %and3A_513 = arith.constant true
        %and3A_514 = arith.andi %or3A_509, %and3A_513 : i1
        %add3A_515 = arith.constant 1 : i32
        %add3A_516 = arith.addi %scan3A_160, %add3A_515 : i32
        %select_n3A_517 = arith.select %and3A_514, %add3A_516, %scan3A_160 : i32
        %jit3A_518 = arith.constant 64 : i32
        %div3A_519 = arith.divsi %add3A_167, %jit3A_518 : i32
        %sign3A_520 = arith.constant 0 : i32
        %sign3A_521 = arith.cmpi sgt, %add3A_167, %sign3A_520 : i32
        %sign3A_522 = arith.extui %sign3A_521 : i1 to i32
        %sign3A_523 = arith.constant 0 : i32
        %sign3A_524 = arith.cmpi slt, %add3A_167, %sign3A_523 : i32
        %sign3A_525 = arith.extui %sign3A_524 : i1 to i32
        %sign3A_526 = arith.subi %sign3A_522, %sign3A_525 : i32
        %sign3A_527 = arith.constant 0 : i32
        %sign3A_528 = arith.cmpi sgt, %jit3A_518, %sign3A_527 : i32
        %sign3A_529 = arith.extui %sign3A_528 : i1 to i32
        %sign3A_530 = arith.constant 0 : i32
        %sign3A_531 = arith.cmpi slt, %jit3A_518, %sign3A_530 : i32
        %sign3A_532 = arith.extui %sign3A_531 : i1 to i32
        %sign3A_533 = arith.subi %sign3A_529, %sign3A_532 : i32
        %ne3A_534 = arith.cmpi ne, %sign3A_526, %sign3A_533 : i32
        %rem3A_535 = arith.remsi %add3A_167, %jit3A_518 : i32
        %ne3A_536 = arith.constant 0 : i32
        %ne3A_537 = arith.cmpi ne, %rem3A_535, %ne3A_536 : i32
        %and3A_538 = arith.andi %ne3A_534, %ne3A_537 : i1
        %sub3A_539 = arith.constant 1 : i32
        %sub3A_540 = arith.subi %div3A_519, %sub3A_539 : i32
        %select_n3A_541 = arith.select %and3A_538, %sub3A_540, %div3A_519 : i32
        %jit3A_542 = arith.constant 64 : i32
        %eq3A_543 = arith.constant 0 : i32
        %eq3A_544 = arith.cmpi eq, %jit3A_542, %eq3A_543 : i32
        %jit3A_545 = arith.constant 1 : i32
        %select_n3A_546 = arith.select %eq3A_544, %jit3A_545, %jit3A_542 : i32
        %rem3A_547 = arith.remsi %add3A_167, %select_n3A_546 : i32
        %ne3A_548 = arith.constant 0 : i32
        %ne3A_549 = arith.cmpi ne, %rem3A_547, %ne3A_548 : i32
        %lt3A_550 = arith.constant 0 : i32
        %lt3A_551 = arith.cmpi slt, %rem3A_547, %lt3A_550 : i32
        %lt3A_552 = arith.constant 0 : i32
        %lt3A_553 = arith.cmpi slt, %select_n3A_546, %lt3A_552 : i32
        %ne3A_554 = arith.xori %lt3A_551, %lt3A_553 : i1
        %and3A_555 = arith.andi %ne3A_554, %ne3A_549 : i1
        %add3A_556 = arith.addi %rem3A_547, %select_n3A_546 : i32
        %select_n3A_557 = arith.select %and3A_555, %add3A_556, %rem3A_547 : i32
        %add3A_558 = arith.constant 0 : i32
        %add3A_559 = arith.addi %select_n3A_557, %add3A_558 : i32
        %jit3A_560 = arith.constant 64 : i32
        %div3A_561 = arith.divsi %add3A_176, %jit3A_560 : i32
        %sign3A_562 = arith.constant 0 : i32
        %sign3A_563 = arith.cmpi sgt, %add3A_176, %sign3A_562 : i32
        %sign3A_564 = arith.extui %sign3A_563 : i1 to i32
        %sign3A_565 = arith.constant 0 : i32
        %sign3A_566 = arith.cmpi slt, %add3A_176, %sign3A_565 : i32
        %sign3A_567 = arith.extui %sign3A_566 : i1 to i32
        %sign3A_568 = arith.subi %sign3A_564, %sign3A_567 : i32
        %sign3A_569 = arith.constant 0 : i32
        %sign3A_570 = arith.cmpi sgt, %jit3A_560, %sign3A_569 : i32
        %sign3A_571 = arith.extui %sign3A_570 : i1 to i32
        %sign3A_572 = arith.constant 0 : i32
        %sign3A_573 = arith.cmpi slt, %jit3A_560, %sign3A_572 : i32
        %sign3A_574 = arith.extui %sign3A_573 : i1 to i32
        %sign3A_575 = arith.subi %sign3A_571, %sign3A_574 : i32
        %ne3A_576 = arith.cmpi ne, %sign3A_568, %sign3A_575 : i32
        %rem3A_577 = arith.remsi %add3A_176, %jit3A_560 : i32
        %ne3A_578 = arith.constant 0 : i32
        %ne3A_579 = arith.cmpi ne, %rem3A_577, %ne3A_578 : i32
        %and3A_580 = arith.andi %ne3A_576, %ne3A_579 : i1
        %sub3A_581 = arith.constant 1 : i32
        %sub3A_582 = arith.subi %div3A_561, %sub3A_581 : i32
        %select_n3A_583 = arith.select %and3A_580, %sub3A_582, %div3A_561 : i32
        %jit3A_584 = arith.constant 64 : i32
        %eq3A_585 = arith.constant 0 : i32
        %eq3A_586 = arith.cmpi eq, %jit3A_584, %eq3A_585 : i32
        %jit3A_587 = arith.constant 1 : i32
        %select_n3A_588 = arith.select %eq3A_586, %jit3A_587, %jit3A_584 : i32
        %rem3A_589 = arith.remsi %add3A_176, %select_n3A_588 : i32
        %ne3A_590 = arith.constant 0 : i32
        %ne3A_591 = arith.cmpi ne, %rem3A_589, %ne3A_590 : i32
        %lt3A_592 = arith.constant 0 : i32
        %lt3A_593 = arith.cmpi slt, %rem3A_589, %lt3A_592 : i32
        %lt3A_594 = arith.constant 0 : i32
        %lt3A_595 = arith.cmpi slt, %select_n3A_588, %lt3A_594 : i32
        %ne3A_596 = arith.xori %lt3A_593, %lt3A_595 : i1
        %and3A_597 = arith.andi %ne3A_596, %ne3A_591 : i1
        %add3A_598 = arith.addi %rem3A_589, %select_n3A_588 : i32
        %select_n3A_599 = arith.select %and3A_597, %add3A_598, %rem3A_589 : i32
        %add3A_600 = arith.constant 0 : i32
        %add3A_601 = arith.addi %select_n3A_599, %add3A_600 : i32
        %ne3A_602 = arith.cmpi ne, %select_n3A_541, %select_n3A_583 : i32
        %ne3A_603 = arith.cmpi ne, %add3A_559, %add3A_601 : i32
        %or3A_604 = arith.constant false
        %or3A_605 = arith.ori %or3A_604, %ne3A_602 : i1
        %or3A_606 = arith.ori %or3A_605, %ne3A_603 : i1
        %not3A_607 = arith.constant true
        %not3A_608 = arith.xori %eq3A_164, %not3A_607 : i1
        %and3A_609 = arith.andi %or3A_606, %not3A_608 : i1
        %convert_element_type3A_610 = arith.extui %and3A_609 : i1 to i32
        %cond3A_611 = arith.constant 0 : i32
        %cond3A_612 = arith.cmpi ne, %convert_element_type3A_610, %cond3A_611 : i32
        scf.if %cond3A_612 {
        } else {
        }
        %and3A_613 = arith.constant false
        %and3A_614 = arith.andi %and3A_609, %and3A_613 : i1
        %ne3A_615 = arith.cmpi ne, %add3A_167, %add3A_176 : i32
        %or3A_616 = arith.constant false
        %or3A_617 = arith.ori %or3A_616, %ne3A_615 : i1
        %or3A_618 = arith.constant false
        %or3A_619 = arith.ori %or3A_617, %or3A_618 : i1
        %not3A_620 = arith.constant true
        %not3A_621 = arith.xori %eq3A_164, %not3A_620 : i1
        %and3A_622 = arith.andi %or3A_619, %not3A_621 : i1
        %convert_element_type3A_623 = arith.extui %and3A_622 : i1 to i32
        %cond3A_624 = arith.constant 0 : i32
        %cond3A_625 = arith.cmpi ne, %convert_element_type3A_623, %cond3A_624 : i32
        scf.if %cond3A_625 {
          "tpu.trace_start"() <{level = 10 : i32, message = "ep_wait_out"}> : () -> ()
          %rem3A_732 = arith.constant 2 : i32
          %rem3A_733 = arith.remui %scan3A_161, %rem3A_732 : i32
          %mul3A_734 = arith.constant 128 : i32
          %mul3A_735 = arith.muli %mul3A_734, %add3A_176 : i32
          %dma_wait3A_736 = arith.constant 0 : i32
          %dma_wait3A_737 = arith.constant 0 : i32
          %dma_wait3A_738 = tpu.memref_slice %run_scoped3A_8[%rem3A_733, %dma_wait3A_736, %dma_wait3A_737] : memref<2x128x256xf32, #tpu.memory_space<vmem>> -> memref<1x128x256xf32, #tpu.memory_space<vmem>>
          %dma_wait3A_739 = tpu.memref_squeeze %dma_wait3A_738 : memref<1x128x256xf32, #tpu.memory_space<vmem>> -> memref<128x256xf32, #tpu.memory_space<vmem>>
          %dma_wait3A_740 = arith.constant 0 : i32
          %dma_wait3A_741 = tpu.memref_slice %arg4[%mul3A_735, %dma_wait3A_740] : memref<32768x256xf32, #tpu.memory_space<hbm>> -> memref<128x256xf32, #tpu.memory_space<hbm>>
          %dma_wait3A_742 = tpu.memref_slice %run_scoped3A_9[%rem3A_733] : memref<2x!tpu.dma_semaphore, #tpu.memory_space<semaphore_mem>> -> memref<1x!tpu.dma_semaphore, #tpu.memory_space<semaphore_mem>>
          %dma_wait3A_743 = tpu.memref_squeeze %dma_wait3A_742 : memref<1x!tpu.dma_semaphore, #tpu.memory_space<semaphore_mem>> -> memref<!tpu.dma_semaphore, #tpu.memory_space<semaphore_mem>>
          %dma_wait3A_744 = arith.constant 0 : i32
          %dma_wait3A_745 = tpu.memref_slice %arg4[%mul3A_735, %dma_wait3A_744] : memref<32768x256xf32, #tpu.memory_space<hbm>> -> memref<128x256xf32, #tpu.memory_space<hbm>>
          %dma_wait3A_746 = arith.constant 0 : i32
          %dma_wait3A_747 = arith.constant 0 : i32
          %dma_wait3A_748 = tpu.memref_slice %run_scoped3A_8[%rem3A_733, %dma_wait3A_746, %dma_wait3A_747] : memref<2x128x256xf32, #tpu.memory_space<vmem>> -> memref<1x128x256xf32, #tpu.memory_space<vmem>>
          %dma_wait3A_749 = tpu.memref_squeeze %dma_wait3A_748 : memref<1x128x256xf32, #tpu.memory_space<vmem>> -> memref<128x256xf32, #tpu.memory_space<vmem>>
          tpu.wait_dma2 semaphore(%dma_wait3A_743 : memref<!tpu.dma_semaphore, #tpu.memory_space<semaphore_mem>>) src(%dma_wait3A_749 : memref<128x256xf32, #tpu.memory_space<vmem>>) dst(%dma_wait3A_745 : memref<128x256xf32, #tpu.memory_space<hbm>>)
          "tpu.trace_stop"() : () -> ()
        } else {
        }
        %and3A_626 = arith.constant true
        %and3A_627 = arith.andi %and3A_622, %and3A_626 : i1
        %add3A_628 = arith.constant 1 : i32
        %add3A_629 = arith.addi %scan3A_161, %add3A_628 : i32
        %select_n3A_630 = arith.select %and3A_627, %add3A_629, %scan3A_161 : i32
        %jit3A_631 = arith.constant 64 : i32
        %div3A_632 = arith.divsi %add3A_167, %jit3A_631 : i32
        %sign3A_633 = arith.constant 0 : i32
        %sign3A_634 = arith.cmpi sgt, %add3A_167, %sign3A_633 : i32
        %sign3A_635 = arith.extui %sign3A_634 : i1 to i32
        %sign3A_636 = arith.constant 0 : i32
        %sign3A_637 = arith.cmpi slt, %add3A_167, %sign3A_636 : i32
        %sign3A_638 = arith.extui %sign3A_637 : i1 to i32
        %sign3A_639 = arith.subi %sign3A_635, %sign3A_638 : i32
        %sign3A_640 = arith.constant 0 : i32
        %sign3A_641 = arith.cmpi sgt, %jit3A_631, %sign3A_640 : i32
        %sign3A_642 = arith.extui %sign3A_641 : i1 to i32
        %sign3A_643 = arith.constant 0 : i32
        %sign3A_644 = arith.cmpi slt, %jit3A_631, %sign3A_643 : i32
        %sign3A_645 = arith.extui %sign3A_644 : i1 to i32
        %sign3A_646 = arith.subi %sign3A_642, %sign3A_645 : i32
        %ne3A_647 = arith.cmpi ne, %sign3A_639, %sign3A_646 : i32
        %rem3A_648 = arith.remsi %add3A_167, %jit3A_631 : i32
        %ne3A_649 = arith.constant 0 : i32
        %ne3A_650 = arith.cmpi ne, %rem3A_648, %ne3A_649 : i32
        %and3A_651 = arith.andi %ne3A_647, %ne3A_650 : i1
        %sub3A_652 = arith.constant 1 : i32
        %sub3A_653 = arith.subi %div3A_632, %sub3A_652 : i32
        %select_n3A_654 = arith.select %and3A_651, %sub3A_653, %div3A_632 : i32
        %jit3A_655 = arith.constant 64 : i32
        %eq3A_656 = arith.constant 0 : i32
        %eq3A_657 = arith.cmpi eq, %jit3A_655, %eq3A_656 : i32
        %jit3A_658 = arith.constant 1 : i32
        %select_n3A_659 = arith.select %eq3A_657, %jit3A_658, %jit3A_655 : i32
        %rem3A_660 = arith.remsi %add3A_167, %select_n3A_659 : i32
        %ne3A_661 = arith.constant 0 : i32
        %ne3A_662 = arith.cmpi ne, %rem3A_660, %ne3A_661 : i32
        %lt3A_663 = arith.constant 0 : i32
        %lt3A_664 = arith.cmpi slt, %rem3A_660, %lt3A_663 : i32
        %lt3A_665 = arith.constant 0 : i32
        %lt3A_666 = arith.cmpi slt, %select_n3A_659, %lt3A_665 : i32
        %ne3A_667 = arith.xori %lt3A_664, %lt3A_666 : i1
        %and3A_668 = arith.andi %ne3A_667, %ne3A_662 : i1
        %add3A_669 = arith.addi %rem3A_660, %select_n3A_659 : i32
        %select_n3A_670 = arith.select %and3A_668, %add3A_669, %rem3A_660 : i32
        %add3A_671 = arith.constant 0 : i32
        %add3A_672 = arith.addi %select_n3A_670, %add3A_671 : i32
        %jit3A_673 = arith.constant 64 : i32
        %div3A_674 = arith.divsi %add3A_185, %jit3A_673 : i32
        %sign3A_675 = arith.constant 0 : i32
        %sign3A_676 = arith.cmpi sgt, %add3A_185, %sign3A_675 : i32
        %sign3A_677 = arith.extui %sign3A_676 : i1 to i32
        %sign3A_678 = arith.constant 0 : i32
        %sign3A_679 = arith.cmpi slt, %add3A_185, %sign3A_678 : i32
        %sign3A_680 = arith.extui %sign3A_679 : i1 to i32
        %sign3A_681 = arith.subi %sign3A_677, %sign3A_680 : i32
        %sign3A_682 = arith.constant 0 : i32
        %sign3A_683 = arith.cmpi sgt, %jit3A_673, %sign3A_682 : i32
        %sign3A_684 = arith.extui %sign3A_683 : i1 to i32
        %sign3A_685 = arith.constant 0 : i32
        %sign3A_686 = arith.cmpi slt, %jit3A_673, %sign3A_685 : i32
        %sign3A_687 = arith.extui %sign3A_686 : i1 to i32
        %sign3A_688 = arith.subi %sign3A_684, %sign3A_687 : i32
        %ne3A_689 = arith.cmpi ne, %sign3A_681, %sign3A_688 : i32
        %rem3A_690 = arith.remsi %add3A_185, %jit3A_673 : i32
        %ne3A_691 = arith.constant 0 : i32
        %ne3A_692 = arith.cmpi ne, %rem3A_690, %ne3A_691 : i32
        %and3A_693 = arith.andi %ne3A_689, %ne3A_692 : i1
        %sub3A_694 = arith.constant 1 : i32
        %sub3A_695 = arith.subi %div3A_674, %sub3A_694 : i32
        %select_n3A_696 = arith.select %and3A_693, %sub3A_695, %div3A_674 : i32
        %jit3A_697 = arith.constant 64 : i32
        %eq3A_698 = arith.constant 0 : i32
        %eq3A_699 = arith.cmpi eq, %jit3A_697, %eq3A_698 : i32
        %jit3A_700 = arith.constant 1 : i32
        %select_n3A_701 = arith.select %eq3A_699, %jit3A_700, %jit3A_697 : i32
        %rem3A_702 = arith.remsi %add3A_185, %select_n3A_701 : i32
        %ne3A_703 = arith.constant 0 : i32
        %ne3A_704 = arith.cmpi ne, %rem3A_702, %ne3A_703 : i32
        %lt3A_705 = arith.constant 0 : i32
        %lt3A_706 = arith.cmpi slt, %rem3A_702, %lt3A_705 : i32
        %lt3A_707 = arith.constant 0 : i32
        %lt3A_708 = arith.cmpi slt, %select_n3A_701, %lt3A_707 : i32
        %ne3A_709 = arith.xori %lt3A_706, %lt3A_708 : i1
        %and3A_710 = arith.andi %ne3A_709, %ne3A_704 : i1
        %add3A_711 = arith.addi %rem3A_702, %select_n3A_701 : i32
        %select_n3A_712 = arith.select %and3A_710, %add3A_711, %rem3A_702 : i32
        %add3A_713 = arith.constant 0 : i32
        %add3A_714 = arith.addi %select_n3A_712, %add3A_713 : i32
        %ne3A_715 = arith.cmpi ne, %select_n3A_654, %select_n3A_696 : i32
        %ne3A_716 = arith.cmpi ne, %add3A_672, %add3A_714 : i32
        %or3A_717 = arith.constant false
        %or3A_718 = arith.ori %or3A_717, %ne3A_715 : i1
        %or3A_719 = arith.ori %or3A_718, %ne3A_716 : i1
        %or3A_720 = arith.ori %or3A_719, %eq3A_166 : i1
        %add3A_721 = arith.constant 1 : i32
        %add3A_722 = arith.addi %scan3A_159, %add3A_721 : i32
        %select_n3A_723 = arith.select %or3A_720, %add3A_722, %scan3A_159 : i32
        %add3A_724 = arith.constant 1 : i32
        %add3A_725 = arith.addi %scan3A_162, %add3A_724 : i32
        %select_n3A_726 = arith.constant true
        %select_n3A_727 = arith.select %select_n3A_726, %add3A_725, %scan3A_162 : i32
        %eq3A_728 = arith.constant 8 : i32
        %eq3A_729 = arith.cmpi eq, %select_n3A_727, %eq3A_728 : i32
        %select_n3A_730 = arith.constant 0 : i32
        %select_n3A_731 = arith.select %eq3A_729, %select_n3A_730, %select_n3A_727 : i32
        scf.yield %select_n3A_291, %select_n3A_723, %select_n3A_517, %select_n3A_630, %select_n3A_731 : i32, i32, i32, i32, i32
      }
      %scan3A_103 = arith.constant 8 : i32
      %sub3A_104 = arith.constant 1 : i32
      %sub3A_105 = arith.subi %scan3A_102#4, %sub3A_104 : i32
      %select_n3A_106 = arith.constant true
      %select_n3A_107 = arith.select %select_n3A_106, %sub3A_105, %scan3A_102#4 : i32
      %eq3A_108 = arith.constant -1 : i32
      %eq3A_109 = arith.cmpi eq, %select_n3A_107, %eq3A_108 : i32
      %select_n3A_110 = arith.constant 7 : i32
      %select_n3A_111 = arith.select %eq3A_109, %select_n3A_110, %select_n3A_107 : i32
      %add3A_112 = arith.addi %select_n3A_111, %mul3A_6 : i32
      %sub3A_113 = arith.constant 1 : i32
      %sub3A_114 = arith.subi %select_n3A_111, %sub3A_113 : i32
      %select_n3A_115 = arith.constant true
      %select_n3A_116 = arith.select %select_n3A_115, %sub3A_114, %select_n3A_111 : i32
      %eq3A_117 = arith.constant -1 : i32
      %eq3A_118 = arith.cmpi eq, %select_n3A_116, %eq3A_117 : i32
      %select_n3A_119 = arith.constant 7 : i32
      %select_n3A_120 = arith.select %eq3A_118, %select_n3A_119, %select_n3A_116 : i32
      %add3A_121 = arith.addi %select_n3A_120, %mul3A_6 : i32
      %add3A_122 = arith.constant 1 : i32
      %add3A_123 = arith.addi %select_n3A_111, %add3A_122 : i32
      %select_n3A_124 = arith.constant true
      %select_n3A_125 = arith.select %select_n3A_124, %add3A_123, %select_n3A_111 : i32
      %eq3A_126 = arith.constant 8 : i32
      %eq3A_127 = arith.cmpi eq, %select_n3A_125, %eq3A_126 : i32
      %select_n3A_128 = arith.constant 0 : i32
      %select_n3A_129 = arith.select %eq3A_127, %select_n3A_128, %select_n3A_125 : i32
      %add3A_130 = arith.addi %select_n3A_129, %mul3A_6 : i32
      %add3A_131 = arith.constant 1 : i32
      %add3A_132 = arith.addi %select_n3A_129, %add3A_131 : i32
      %select_n3A_133 = arith.constant true
      %select_n3A_134 = arith.select %select_n3A_133, %add3A_132, %select_n3A_129 : i32
      %eq3A_135 = arith.constant 8 : i32
      %eq3A_136 = arith.cmpi eq, %select_n3A_134, %eq3A_135 : i32
      %select_n3A_137 = arith.constant 0 : i32
      %select_n3A_138 = arith.select %eq3A_136, %select_n3A_137, %select_n3A_134 : i32
      %add3A_139 = arith.addi %select_n3A_138, %mul3A_6 : i32
      "tpu.trace_start"() <{level = 10 : i32, message = "ep_finalize"}> : () -> ()
      %rem3A_140 = arith.constant 2 : i32
      %rem3A_141 = arith.remui %scan3A_102#3, %rem3A_140 : i32
      %mul3A_142 = arith.constant 128 : i32
      %mul3A_143 = arith.muli %mul3A_142, %add3A_112 : i32
      %dma_wait3A = arith.constant 0 : i32
      %dma_wait3A_144 = arith.constant 0 : i32
      %dma_wait3A_145 = tpu.memref_slice %run_scoped3A_8[%rem3A_141, %dma_wait3A, %dma_wait3A_144] : memref<2x128x256xf32, #tpu.memory_space<vmem>> -> memref<1x128x256xf32, #tpu.memory_space<vmem>>
      %dma_wait3A_146 = tpu.memref_squeeze %dma_wait3A_145 : memref<1x128x256xf32, #tpu.memory_space<vmem>> -> memref<128x256xf32, #tpu.memory_space<vmem>>
      %dma_wait3A_147 = arith.constant 0 : i32
      %dma_wait3A_148 = tpu.memref_slice %arg4[%mul3A_143, %dma_wait3A_147] : memref<32768x256xf32, #tpu.memory_space<hbm>> -> memref<128x256xf32, #tpu.memory_space<hbm>>
      %dma_wait3A_149 = tpu.memref_slice %run_scoped3A_9[%rem3A_141] : memref<2x!tpu.dma_semaphore, #tpu.memory_space<semaphore_mem>> -> memref<1x!tpu.dma_semaphore, #tpu.memory_space<semaphore_mem>>
      %dma_wait3A_150 = tpu.memref_squeeze %dma_wait3A_149 : memref<1x!tpu.dma_semaphore, #tpu.memory_space<semaphore_mem>> -> memref<!tpu.dma_semaphore, #tpu.memory_space<semaphore_mem>>
      %dma_wait3A_151 = arith.constant 0 : i32
      %dma_wait3A_152 = tpu.memref_slice %arg4[%mul3A_143, %dma_wait3A_151] : memref<32768x256xf32, #tpu.memory_space<hbm>> -> memref<128x256xf32, #tpu.memory_space<hbm>>
      %dma_wait3A_153 = arith.constant 0 : i32
      %dma_wait3A_154 = arith.constant 0 : i32
      %dma_wait3A_155 = tpu.memref_slice %run_scoped3A_8[%rem3A_141, %dma_wait3A_153, %dma_wait3A_154] : memref<2x128x256xf32, #tpu.memory_space<vmem>> -> memref<1x128x256xf32, #tpu.memory_space<vmem>>
      %dma_wait3A_156 = tpu.memref_squeeze %dma_wait3A_155 : memref<1x128x256xf32, #tpu.memory_space<vmem>> -> memref<128x256xf32, #tpu.memory_space<vmem>>
      tpu.wait_dma2 semaphore(%dma_wait3A_150 : memref<!tpu.dma_semaphore, #tpu.memory_space<semaphore_mem>>) src(%dma_wait3A_156 : memref<128x256xf32, #tpu.memory_space<vmem>>) dst(%dma_wait3A_152 : memref<128x256xf32, #tpu.memory_space<hbm>>)
      "tpu.trace_stop"() : () -> ()
      tpu.yield
    }) : () -> ()
    return
  }
}

module attributes {stable_mosaic.version = 14 : i64} {
  func.func @_loss_kernel(%arg0: i32, %arg1: memref<1024x256xf32, #tpu.memory_space<vmem>>, %arg2: memref<1024x256xf32, #tpu.memory_space<vmem>>, %arg3: memref<1024x256xf32, #tpu.memory_space<vmem>>, %arg4: memref<1024x256xf32, #tpu.memory_space<vmem>>, %arg5: memref<256x128xf32, #tpu.memory_space<vmem>>, %arg6: memref<256x128xf32, #tpu.memory_space<vmem>>, %arg7: memref<1x1xf32, #tpu.memory_space<smem>>) attributes {dimension_semantics = [#tpu.dimension_semantics<arbitrary>], iteration_bounds = array<i64: 8>, scalar_prefetch = 0 : i64, scratch_operands = 0 : i64, tpu.core_type = #tpu.core_type<tc>, window_params = [{transform_indices = @transform_0, window_bounds = array<i64: 1024, 256>}, {transform_indices = @transform_1, window_bounds = array<i64: 1024, 256>}, {transform_indices = @transform_2, window_bounds = array<i64: 1024, 256>}, {transform_indices = @transform_3, window_bounds = array<i64: 1024, 256>}, {pipeline_mode = #tpu.pipeline_mode<synchronous>, transform_indices = @transform_4, window_bounds = array<i64: 256, 128>}, {pipeline_mode = #tpu.pipeline_mode<synchronous>, transform_indices = @transform_5, window_bounds = array<i64: 256, 128>}, {transform_indices = @transform_6, window_bounds = array<i64: 1, 1>}]} {
    %get3A = arith.constant 0 : index
    %get3A_0 = arith.constant 0 : index
    %get3A_1 = vector.load %arg1[%get3A, %get3A_0] : memref<1024x256xf32, #tpu.memory_space<vmem>>, vector<1024x256xf32>
    %get3A_2 = arith.constant 0 : index
    %get3A_3 = arith.constant 0 : index
    %get3A_4 = vector.load %arg5[%get3A_2, %get3A_3] : memref<256x128xf32, #tpu.memory_space<vmem>>, vector<256x128xf32>
    %dot_general3A = arith.constant dense<0.000000e+00> : vector<1024x128xf32>
    %dot_general3A_5 = tpu.matmul %get3A_1, %get3A_4, %dot_general3A {dimension_numbers = #tpu.dot_dimension_numbers<[1], [0], [0], [1], [0, 0, 1, 1], [], []>, transpose_lhs_hint = false} : vector<1024x256xf32>, vector<256x128xf32>, vector<1024x128xf32> -> vector<1024x128xf32>
    %get3A_6 = arith.constant 0 : index
    %get3A_7 = arith.constant 0 : index
    %get3A_8 = vector.load %arg2[%get3A_6, %get3A_7] : memref<1024x256xf32, #tpu.memory_space<vmem>>, vector<1024x256xf32>
    %get3A_9 = arith.constant 0 : index
    %get3A_10 = arith.constant 0 : index
    %get3A_11 = vector.load %arg6[%get3A_9, %get3A_10] : memref<256x128xf32, #tpu.memory_space<vmem>>, vector<256x128xf32>
    %dot_general3A_12 = arith.constant dense<0.000000e+00> : vector<1024x128xf32>
    %dot_general3A_13 = tpu.matmul %get3A_8, %get3A_11, %dot_general3A_12 {dimension_numbers = #tpu.dot_dimension_numbers<[1], [0], [0], [1], [0, 0, 1, 1], [], []>, transpose_lhs_hint = false} : vector<1024x256xf32>, vector<256x128xf32>, vector<1024x128xf32> -> vector<1024x128xf32>
    %get3A_14 = arith.constant 0 : index
    %get3A_15 = arith.constant 0 : index
    %get3A_16 = vector.load %arg3[%get3A_14, %get3A_15] : memref<1024x256xf32, #tpu.memory_space<vmem>>, vector<1024x256xf32>
    %get3A_17 = arith.constant 0 : index
    %get3A_18 = arith.constant 0 : index
    %get3A_19 = vector.load %arg5[%get3A_17, %get3A_18] : memref<256x128xf32, #tpu.memory_space<vmem>>, vector<256x128xf32>
    %dot_general3A_20 = arith.constant dense<0.000000e+00> : vector<1024x128xf32>
    %dot_general3A_21 = tpu.matmul %get3A_16, %get3A_19, %dot_general3A_20 {dimension_numbers = #tpu.dot_dimension_numbers<[1], [0], [0], [1], [0, 0, 1, 1], [], []>, transpose_lhs_hint = false} : vector<1024x256xf32>, vector<256x128xf32>, vector<1024x128xf32> -> vector<1024x128xf32>
    %get3A_22 = arith.constant 0 : index
    %get3A_23 = arith.constant 0 : index
    %get3A_24 = vector.load %arg4[%get3A_22, %get3A_23] : memref<1024x256xf32, #tpu.memory_space<vmem>>, vector<1024x256xf32>
    %get3A_25 = arith.constant 0 : index
    %get3A_26 = arith.constant 0 : index
    %get3A_27 = vector.load %arg6[%get3A_25, %get3A_26] : memref<256x128xf32, #tpu.memory_space<vmem>>, vector<256x128xf32>
    %dot_general3A_28 = arith.constant dense<0.000000e+00> : vector<1024x128xf32>
    %dot_general3A_29 = tpu.matmul %get3A_24, %get3A_27, %dot_general3A_28 {dimension_numbers = #tpu.dot_dimension_numbers<[1], [0], [0], [1], [0, 0, 1, 1], [], []>, transpose_lhs_hint = false} : vector<1024x256xf32>, vector<256x128xf32>, vector<1024x128xf32> -> vector<1024x128xf32>
    %mul3A = arith.mulf %dot_general3A_5, %dot_general3A_5 : vector<1024x128xf32>
    %reduce_sum3A = arith.constant dense<0.000000e+00> : vector<1024xf32>
    %reduce_sum3A_30 = vector.multi_reduction <add>, %mul3A, %reduce_sum3A [1] : vector<1024x128xf32> to vector<1024xf32>
    %mul3A_31 = arith.mulf %dot_general3A_13, %dot_general3A_13 : vector<1024x128xf32>
    %reduce_sum3A_32 = arith.constant dense<0.000000e+00> : vector<1024xf32>
    %reduce_sum3A_33 = vector.multi_reduction <add>, %mul3A_31, %reduce_sum3A_32 [1] : vector<1024x128xf32> to vector<1024xf32>
    %mul3A_34 = arith.mulf %dot_general3A_21, %dot_general3A_21 : vector<1024x128xf32>
    %reduce_sum3A_35 = arith.constant dense<0.000000e+00> : vector<1024xf32>
    %reduce_sum3A_36 = vector.multi_reduction <add>, %mul3A_34, %reduce_sum3A_35 [1] : vector<1024x128xf32> to vector<1024xf32>
    %mul3A_37 = arith.mulf %dot_general3A_29, %dot_general3A_29 : vector<1024x128xf32>
    %reduce_sum3A_38 = arith.constant dense<0.000000e+00> : vector<1024xf32>
    %reduce_sum3A_39 = vector.multi_reduction <add>, %mul3A_37, %reduce_sum3A_38 [1] : vector<1024x128xf32> to vector<1024xf32>
    %mul3A_40 = arith.mulf %dot_general3A_5, %dot_general3A_13 : vector<1024x128xf32>
    %reduce_sum3A_41 = arith.constant dense<0.000000e+00> : vector<1024xf32>
    %reduce_sum3A_42 = vector.multi_reduction <add>, %mul3A_40, %reduce_sum3A_41 [1] : vector<1024x128xf32> to vector<1024xf32>
    %mul3A_43 = arith.mulf %dot_general3A_21, %dot_general3A_29 : vector<1024x128xf32>
    %reduce_sum3A_44 = arith.constant dense<0.000000e+00> : vector<1024xf32>
    %reduce_sum3A_45 = vector.multi_reduction <add>, %mul3A_43, %reduce_sum3A_44 [1] : vector<1024x128xf32> to vector<1024xf32>
    %max3A = arith.constant 9.99999996E-13 : f32
    %max3A_46 = vector.broadcast %max3A : f32 to vector<1024xf32>
    %max3A_47 = arith.maximumf %reduce_sum3A_30, %max3A_46 : vector<1024xf32>
    %max3A_48 = arith.constant 9.99999996E-13 : f32
    %max3A_49 = vector.broadcast %max3A_48 : f32 to vector<1024xf32>
    %max3A_50 = arith.maximumf %reduce_sum3A_33, %max3A_49 : vector<1024xf32>
    %mul3A_51 = arith.mulf %max3A_47, %max3A_50 : vector<1024xf32>
    %rsqrt3A = math.rsqrt %mul3A_51 : vector<1024xf32>
    %mul3A_52 = arith.mulf %reduce_sum3A_42, %rsqrt3A : vector<1024xf32>
    %max3A_53 = arith.constant 9.99999996E-13 : f32
    %max3A_54 = vector.broadcast %max3A_53 : f32 to vector<1024xf32>
    %max3A_55 = arith.maximumf %reduce_sum3A_36, %max3A_54 : vector<1024xf32>
    %max3A_56 = arith.constant 9.99999996E-13 : f32
    %max3A_57 = vector.broadcast %max3A_56 : f32 to vector<1024xf32>
    %max3A_58 = arith.maximumf %reduce_sum3A_39, %max3A_57 : vector<1024xf32>
    %mul3A_59 = arith.mulf %max3A_55, %max3A_58 : vector<1024xf32>
    %rsqrt3A_60 = math.rsqrt %mul3A_59 : vector<1024xf32>
    %mul3A_61 = arith.mulf %reduce_sum3A_45, %rsqrt3A_60 : vector<1024xf32>
    %mul3A_62 = arith.mulf %reduce_sum3A_30, %reduce_sum3A_33 : vector<1024xf32>
    %sqrt3A = math.sqrt %mul3A_62 : vector<1024xf32>
    %mul3A_63 = arith.mulf %reduce_sum3A_36, %reduce_sum3A_39 : vector<1024xf32>
    %sqrt3A_64 = math.sqrt %mul3A_63 : vector<1024xf32>
    %mul3A_65 = arith.constant 0.949999988 : f32
    %mul3A_66 = vector.broadcast %mul3A_65 : f32 to vector<1024xf32>
    %mul3A_67 = arith.mulf %mul3A_66, %mul3A_52 : vector<1024xf32>
    %abs3A = math.absf %mul3A_67 : vector<1024xf32>
    %mul3A_68 = arith.constant -0.0012624911 : f32
    %mul3A_69 = vector.broadcast %mul3A_68 : f32 to vector<1024xf32>
    %mul3A_70 = arith.mulf %mul3A_69, %abs3A : vector<1024xf32>
    %add3A = arith.constant 6.670090e-03 : f32
    %add3A_71 = vector.broadcast %add3A : f32 to vector<1024xf32>
    %add3A_72 = arith.addf %mul3A_70, %add3A_71 : vector<1024xf32>
    %mul3A_73 = arith.mulf %add3A_72, %abs3A : vector<1024xf32>
    %add3A_74 = arith.constant -0.0170881264 : f32
    %add3A_75 = vector.broadcast %add3A_74 : f32 to vector<1024xf32>
    %add3A_76 = arith.addf %mul3A_73, %add3A_75 : vector<1024xf32>
    %mul3A_77 = arith.mulf %add3A_76, %abs3A : vector<1024xf32>
    %add3A_78 = arith.constant 0.0308918804 : f32
    %add3A_79 = vector.broadcast %add3A_78 : f32 to vector<1024xf32>
    %add3A_80 = arith.addf %mul3A_77, %add3A_79 : vector<1024xf32>
    %mul3A_81 = arith.mulf %add3A_80, %abs3A : vector<1024xf32>
    %add3A_82 = arith.constant -0.0501743034 : f32
    %add3A_83 = vector.broadcast %add3A_82 : f32 to vector<1024xf32>
    %add3A_84 = arith.addf %mul3A_81, %add3A_83 : vector<1024xf32>
    %mul3A_85 = arith.mulf %add3A_84, %abs3A : vector<1024xf32>
    %add3A_86 = arith.constant 0.0889789909 : f32
    %add3A_87 = vector.broadcast %add3A_86 : f32 to vector<1024xf32>
    %add3A_88 = arith.addf %mul3A_85, %add3A_87 : vector<1024xf32>
    %mul3A_89 = arith.mulf %add3A_88, %abs3A : vector<1024xf32>
    %add3A_90 = arith.constant -0.214598805 : f32
    %add3A_91 = vector.broadcast %add3A_90 : f32 to vector<1024xf32>
    %add3A_92 = arith.addf %mul3A_89, %add3A_91 : vector<1024xf32>
    %mul3A_93 = arith.mulf %add3A_92, %abs3A : vector<1024xf32>
    %add3A_94 = arith.constant 1.57079625 : f32
    %add3A_95 = vector.broadcast %add3A_94 : f32 to vector<1024xf32>
    %add3A_96 = arith.addf %mul3A_93, %add3A_95 : vector<1024xf32>
    %sub3A = arith.constant 1.000000e+00 : f32
    %sub3A_97 = vector.broadcast %sub3A : f32 to vector<1024xf32>
    %sub3A_98 = arith.subf %sub3A_97, %abs3A : vector<1024xf32>
    %sqrt3A_99 = math.sqrt %sub3A_98 : vector<1024xf32>
    %mul3A_100 = arith.mulf %sqrt3A_99, %add3A_96 : vector<1024xf32>
    %ge3A = arith.constant 0.000000e+00 : f32
    %ge3A_101 = vector.broadcast %ge3A : f32 to vector<1024xf32>
    %ge3A_102 = arith.cmpf oge, %mul3A_67, %ge3A_101 : vector<1024xf32>
    %sub3A_103 = arith.constant 3.14159274 : f32
    %sub3A_104 = vector.broadcast %sub3A_103 : f32 to vector<1024xf32>
    %sub3A_105 = arith.subf %sub3A_104, %mul3A_100 : vector<1024xf32>
    %select_n3A = arith.select %ge3A_102, %mul3A_100, %sub3A_105 : vector<1024xi1>, vector<1024xf32>
    %mul3A_106 = arith.constant 0.949999988 : f32
    %mul3A_107 = vector.broadcast %mul3A_106 : f32 to vector<1024xf32>
    %mul3A_108 = arith.mulf %mul3A_107, %mul3A_61 : vector<1024xf32>
    %abs3A_109 = math.absf %mul3A_108 : vector<1024xf32>
    %mul3A_110 = arith.constant -0.0012624911 : f32
    %mul3A_111 = vector.broadcast %mul3A_110 : f32 to vector<1024xf32>
    %mul3A_112 = arith.mulf %mul3A_111, %abs3A_109 : vector<1024xf32>
    %add3A_113 = arith.constant 6.670090e-03 : f32
    %add3A_114 = vector.broadcast %add3A_113 : f32 to vector<1024xf32>
    %add3A_115 = arith.addf %mul3A_112, %add3A_114 : vector<1024xf32>
    %mul3A_116 = arith.mulf %add3A_115, %abs3A_109 : vector<1024xf32>
    %add3A_117 = arith.constant -0.0170881264 : f32
    %add3A_118 = vector.broadcast %add3A_117 : f32 to vector<1024xf32>
    %add3A_119 = arith.addf %mul3A_116, %add3A_118 : vector<1024xf32>
    %mul3A_120 = arith.mulf %add3A_119, %abs3A_109 : vector<1024xf32>
    %add3A_121 = arith.constant 0.0308918804 : f32
    %add3A_122 = vector.broadcast %add3A_121 : f32 to vector<1024xf32>
    %add3A_123 = arith.addf %mul3A_120, %add3A_122 : vector<1024xf32>
    %mul3A_124 = arith.mulf %add3A_123, %abs3A_109 : vector<1024xf32>
    %add3A_125 = arith.constant -0.0501743034 : f32
    %add3A_126 = vector.broadcast %add3A_125 : f32 to vector<1024xf32>
    %add3A_127 = arith.addf %mul3A_124, %add3A_126 : vector<1024xf32>
    %mul3A_128 = arith.mulf %add3A_127, %abs3A_109 : vector<1024xf32>
    %add3A_129 = arith.constant 0.0889789909 : f32
    %add3A_130 = vector.broadcast %add3A_129 : f32 to vector<1024xf32>
    %add3A_131 = arith.addf %mul3A_128, %add3A_130 : vector<1024xf32>
    %mul3A_132 = arith.mulf %add3A_131, %abs3A_109 : vector<1024xf32>
    %add3A_133 = arith.constant -0.214598805 : f32
    %add3A_134 = vector.broadcast %add3A_133 : f32 to vector<1024xf32>
    %add3A_135 = arith.addf %mul3A_132, %add3A_134 : vector<1024xf32>
    %mul3A_136 = arith.mulf %add3A_135, %abs3A_109 : vector<1024xf32>
    %add3A_137 = arith.constant 1.57079625 : f32
    %add3A_138 = vector.broadcast %add3A_137 : f32 to vector<1024xf32>
    %add3A_139 = arith.addf %mul3A_136, %add3A_138 : vector<1024xf32>
    %sub3A_140 = arith.constant 1.000000e+00 : f32
    %sub3A_141 = vector.broadcast %sub3A_140 : f32 to vector<1024xf32>
    %sub3A_142 = arith.subf %sub3A_141, %abs3A_109 : vector<1024xf32>
    %sqrt3A_143 = math.sqrt %sub3A_142 : vector<1024xf32>
    %mul3A_144 = arith.mulf %sqrt3A_143, %add3A_139 : vector<1024xf32>
    %ge3A_145 = arith.constant 0.000000e+00 : f32
    %ge3A_146 = vector.broadcast %ge3A_145 : f32 to vector<1024xf32>
    %ge3A_147 = arith.cmpf oge, %mul3A_108, %ge3A_146 : vector<1024xf32>
    %sub3A_148 = arith.constant 3.14159274 : f32
    %sub3A_149 = vector.broadcast %sub3A_148 : f32 to vector<1024xf32>
    %sub3A_150 = arith.subf %sub3A_149, %mul3A_144 : vector<1024xf32>
    %select_n3A_151 = arith.select %ge3A_147, %mul3A_144, %sub3A_150 : vector<1024xi1>, vector<1024xf32>
    %mul3A_152 = arith.mulf %select_n3A, %sqrt3A : vector<1024xf32>
    %mul3A_153 = arith.constant 0.318309873 : f32
    %mul3A_154 = vector.broadcast %mul3A_153 : f32 to vector<1024xf32>
    %mul3A_155 = arith.mulf %mul3A_152, %mul3A_154 : vector<1024xf32>
    %mul3A_156 = arith.mulf %select_n3A_151, %sqrt3A_64 : vector<1024xf32>
    %mul3A_157 = arith.constant 0.318309873 : f32
    %mul3A_158 = vector.broadcast %mul3A_157 : f32 to vector<1024xf32>
    %mul3A_159 = arith.mulf %mul3A_156, %mul3A_158 : vector<1024xf32>
    %neg3A = arith.constant 0.000000e+00 : f32
    %neg3A_160 = vector.broadcast %neg3A : f32 to vector<1024xf32>
    %neg3A_161 = arith.subf %neg3A_160, %mul3A_155 : vector<1024xf32>
    %exp3A = math.exp %neg3A_161 : vector<1024xf32>
    %neg3A_162 = arith.constant 0.000000e+00 : f32
    %neg3A_163 = vector.broadcast %neg3A_162 : f32 to vector<1024xf32>
    %neg3A_164 = arith.subf %neg3A_163, %mul3A_159 : vector<1024xf32>
    %exp3A_165 = math.exp %neg3A_164 : vector<1024xf32>
    %add3A_166 = arith.constant 1.000000e+00 : f32
    %add3A_167 = vector.broadcast %add3A_166 : f32 to vector<1024xf32>
    %add3A_168 = arith.addf %add3A_167, %exp3A : vector<1024xf32>
    %add3A_169 = arith.constant 1.000000e+00 : f32
    %add3A_170 = vector.broadcast %add3A_169 : f32 to vector<1024xf32>
    %add3A_171 = arith.addf %add3A_170, %exp3A_165 : vector<1024xf32>
    %mul3A_172 = arith.mulf %add3A_168, %add3A_171 : vector<1024xf32>
    %log3A = math.log %mul3A_172 : vector<1024xf32>
    %add3A_173 = arith.addf %mul3A_155, %log3A : vector<1024xf32>
    %reduce_sum3A_174 = vector.shape_cast %add3A_173 : vector<1024xf32> to vector<1x1024xf32>
    %reduce_sum3A_175 = arith.constant dense<0.000000e+00> : vector<1xf32>
    %reduce_sum3A_176 = vector.multi_reduction <add>, %reduce_sum3A_174, %reduce_sum3A_175 [1] : vector<1x1024xf32> to vector<1xf32>
    %reduce_sum3A_177 = vector.shape_cast %reduce_sum3A_176 : vector<1xf32> to vector<1x1xf32>
    %reduce_sum3A_178 = vector.extract %reduce_sum3A_177[0, 0] : f32 from vector<1x1xf32>
    %eq3A = arith.constant 0 : i32
    %eq3A_179 = arith.cmpi eq, %arg0, %eq3A : i32
    %convert_element_type3A = arith.extui %eq3A_179 : i1 to i32
    %cond3A = arith.constant 0 : i32
    %cond3A_180 = arith.cmpi ne, %convert_element_type3A, %cond3A : i32
    scf.if %cond3A_180 {
      %swap3A_187 = arith.constant 0.000000e+00 : f32
      %swap3A_188 = arith.constant 0 : index
      %swap3A_189 = arith.constant 0 : index
      %swap3A_190 = memref.load %arg7[%swap3A_188, %swap3A_189] : memref<1x1xf32, #tpu.memory_space<smem>>
      memref.store %swap3A_187, %arg7[%swap3A_188, %swap3A_189] : memref<1x1xf32, #tpu.memory_space<smem>>
    } else {
    }
    %get3A_181 = arith.constant 0 : index
    %get3A_182 = arith.constant 0 : index
    %get3A_183 = memref.load %arg7[%get3A_181, %get3A_182] : memref<1x1xf32, #tpu.memory_space<smem>>
    %add3A_184 = arith.addf %get3A_183, %reduce_sum3A_178 : f32
    %swap3A = arith.constant 0 : index
    %swap3A_185 = arith.constant 0 : index
    %swap3A_186 = memref.load %arg7[%swap3A, %swap3A_185] : memref<1x1xf32, #tpu.memory_space<smem>>
    memref.store %add3A_184, %arg7[%swap3A, %swap3A_185] : memref<1x1xf32, #tpu.memory_space<smem>>
    return
  }
  func.func @transform_0(%arg0: i32) -> (i32, i32) {
    %add3A = arith.constant 0 : i32
    %add3A_0 = arith.addi %arg0, %add3A : i32
    %c0_i32 = arith.constant 0 : i32
    %c0_i32_1 = arith.constant 0 : i32
    return %add3A_0, %c0_i32 : i32, i32
  }
  func.func @transform_1(%arg0: i32) -> (i32, i32) {
    %add3A = arith.constant 8 : i32
    %add3A_0 = arith.addi %arg0, %add3A : i32
    %c0_i32 = arith.constant 0 : i32
    %c0_i32_1 = arith.constant 0 : i32
    return %add3A_0, %c0_i32 : i32, i32
  }
  func.func @transform_2(%arg0: i32) -> (i32, i32) {
    %add3A = arith.constant 16 : i32
    %add3A_0 = arith.addi %arg0, %add3A : i32
    %c0_i32 = arith.constant 0 : i32
    %c0_i32_1 = arith.constant 0 : i32
    return %add3A_0, %c0_i32 : i32, i32
  }
  func.func @transform_3(%arg0: i32) -> (i32, i32) {
    %add3A = arith.constant 24 : i32
    %add3A_0 = arith.addi %arg0, %add3A : i32
    %c0_i32 = arith.constant 0 : i32
    %c0_i32_1 = arith.constant 0 : i32
    return %add3A_0, %c0_i32 : i32, i32
  }
  func.func @transform_4(%arg0: i32) -> (i32, i32) {
    %c0_i32 = arith.constant 0 : i32
    %c0_i32_0 = arith.constant 0 : i32
    %c0_i32_1 = arith.constant 0 : i32
    return %c0_i32, %c0_i32_0 : i32, i32
  }
  func.func @transform_5(%arg0: i32) -> (i32, i32) {
    %c0_i32 = arith.constant 0 : i32
    %c0_i32_0 = arith.constant 0 : i32
    %c0_i32_1 = arith.constant 0 : i32
    return %c0_i32, %c0_i32_0 : i32, i32
  }
  func.func @transform_6(%arg0: i32) -> (i32, i32) {
    %c0_i32 = arith.constant 0 : i32
    %c0_i32_0 = arith.constant 0 : i32
    %c0_i32_1 = arith.constant 0 : i32
    return %c0_i32, %c0_i32_0 : i32, i32
  }
}

module attributes {stable_mosaic.version = 14 : i64} {
  func.func @_loss_kernel(%arg0: i32, %arg1: memref<1024x256xf32, #tpu.memory_space<vmem>>, %arg2: memref<1024x256xf32, #tpu.memory_space<vmem>>, %arg3: memref<1024x256xf32, #tpu.memory_space<vmem>>, %arg4: memref<1024x256xf32, #tpu.memory_space<vmem>>, %arg5: memref<256x128xf32, #tpu.memory_space<vmem>>, %arg6: memref<256x128xf32, #tpu.memory_space<vmem>>, %arg7: memref<1x1xf32, #tpu.memory_space<smem>>, %arg8: memref<1x1xf32, #tpu.memory_space<smem>>) attributes {dimension_semantics = [#tpu.dimension_semantics<arbitrary>], iteration_bounds = array<i64: 8>, scalar_prefetch = 0 : i64, scratch_operands = 0 : i64, tpu.core_type = #tpu.core_type<tc>, window_params = [{transform_indices = @transform_0, window_bounds = array<i64: 1024, 256>}, {transform_indices = @transform_1, window_bounds = array<i64: 1024, 256>}, {transform_indices = @transform_2, window_bounds = array<i64: 1024, 256>}, {transform_indices = @transform_3, window_bounds = array<i64: 1024, 256>}, {pipeline_mode = #tpu.pipeline_mode<synchronous>, transform_indices = @transform_4, window_bounds = array<i64: 256, 128>}, {pipeline_mode = #tpu.pipeline_mode<synchronous>, transform_indices = @transform_5, window_bounds = array<i64: 256, 128>}, {transform_indices = @transform_6, window_bounds = array<i64: 1, 1>}, {transform_indices = @transform_7, window_bounds = array<i64: 1, 1>}]} {
    %get3A = arith.constant 0 : index
    %get3A_0 = arith.constant 0 : index
    %get3A_1 = vector.load %arg1[%get3A, %get3A_0] : memref<1024x256xf32, #tpu.memory_space<vmem>>, vector<1024x256xf32>
    %get3A_2 = arith.constant 0 : index
    %get3A_3 = arith.constant 0 : index
    %get3A_4 = vector.load %arg5[%get3A_2, %get3A_3] : memref<256x128xf32, #tpu.memory_space<vmem>>, vector<256x128xf32>
    %dot_general3A = arith.constant dense<0.000000e+00> : vector<1024x128xf32>
    %dot_general3A_5 = tpu.matmul %get3A_1, %get3A_4, %dot_general3A {dimension_numbers = #tpu.dot_dimension_numbers<[1], [0], [0], [1], [0, 0, 1, 1], [], []>, transpose_lhs_hint = false} : vector<1024x256xf32>, vector<256x128xf32>, vector<1024x128xf32> -> vector<1024x128xf32>
    %get3A_6 = arith.constant 0 : index
    %get3A_7 = arith.constant 0 : index
    %get3A_8 = vector.load %arg2[%get3A_6, %get3A_7] : memref<1024x256xf32, #tpu.memory_space<vmem>>, vector<1024x256xf32>
    %get3A_9 = arith.constant 0 : index
    %get3A_10 = arith.constant 0 : index
    %get3A_11 = vector.load %arg6[%get3A_9, %get3A_10] : memref<256x128xf32, #tpu.memory_space<vmem>>, vector<256x128xf32>
    %dot_general3A_12 = arith.constant dense<0.000000e+00> : vector<1024x128xf32>
    %dot_general3A_13 = tpu.matmul %get3A_8, %get3A_11, %dot_general3A_12 {dimension_numbers = #tpu.dot_dimension_numbers<[1], [0], [0], [1], [0, 0, 1, 1], [], []>, transpose_lhs_hint = false} : vector<1024x256xf32>, vector<256x128xf32>, vector<1024x128xf32> -> vector<1024x128xf32>
    %get3A_14 = arith.constant 0 : index
    %get3A_15 = arith.constant 0 : index
    %get3A_16 = vector.load %arg3[%get3A_14, %get3A_15] : memref<1024x256xf32, #tpu.memory_space<vmem>>, vector<1024x256xf32>
    %get3A_17 = arith.constant 0 : index
    %get3A_18 = arith.constant 0 : index
    %get3A_19 = vector.load %arg5[%get3A_17, %get3A_18] : memref<256x128xf32, #tpu.memory_space<vmem>>, vector<256x128xf32>
    %dot_general3A_20 = arith.constant dense<0.000000e+00> : vector<1024x128xf32>
    %dot_general3A_21 = tpu.matmul %get3A_16, %get3A_19, %dot_general3A_20 {dimension_numbers = #tpu.dot_dimension_numbers<[1], [0], [0], [1], [0, 0, 1, 1], [], []>, transpose_lhs_hint = false} : vector<1024x256xf32>, vector<256x128xf32>, vector<1024x128xf32> -> vector<1024x128xf32>
    %get3A_22 = arith.constant 0 : index
    %get3A_23 = arith.constant 0 : index
    %get3A_24 = vector.load %arg4[%get3A_22, %get3A_23] : memref<1024x256xf32, #tpu.memory_space<vmem>>, vector<1024x256xf32>
    %get3A_25 = arith.constant 0 : index
    %get3A_26 = arith.constant 0 : index
    %get3A_27 = vector.load %arg6[%get3A_25, %get3A_26] : memref<256x128xf32, #tpu.memory_space<vmem>>, vector<256x128xf32>
    %dot_general3A_28 = arith.constant dense<0.000000e+00> : vector<1024x128xf32>
    %dot_general3A_29 = tpu.matmul %get3A_24, %get3A_27, %dot_general3A_28 {dimension_numbers = #tpu.dot_dimension_numbers<[1], [0], [0], [1], [0, 0, 1, 1], [], []>, transpose_lhs_hint = false} : vector<1024x256xf32>, vector<256x128xf32>, vector<1024x128xf32> -> vector<1024x128xf32>
    %mul3A = arith.mulf %dot_general3A_5, %dot_general3A_5 : vector<1024x128xf32>
    %reduce_sum3A = arith.constant dense<0.000000e+00> : vector<1024xf32>
    %reduce_sum3A_30 = vector.multi_reduction <add>, %mul3A, %reduce_sum3A [1] : vector<1024x128xf32> to vector<1024xf32>
    %mul3A_31 = arith.mulf %dot_general3A_13, %dot_general3A_13 : vector<1024x128xf32>
    %reduce_sum3A_32 = arith.constant dense<0.000000e+00> : vector<1024xf32>
    %reduce_sum3A_33 = vector.multi_reduction <add>, %mul3A_31, %reduce_sum3A_32 [1] : vector<1024x128xf32> to vector<1024xf32>
    %mul3A_34 = arith.mulf %dot_general3A_21, %dot_general3A_21 : vector<1024x128xf32>
    %reduce_sum3A_35 = arith.constant dense<0.000000e+00> : vector<1024xf32>
    %reduce_sum3A_36 = vector.multi_reduction <add>, %mul3A_34, %reduce_sum3A_35 [1] : vector<1024x128xf32> to vector<1024xf32>
    %mul3A_37 = arith.mulf %dot_general3A_29, %dot_general3A_29 : vector<1024x128xf32>
    %reduce_sum3A_38 = arith.constant dense<0.000000e+00> : vector<1024xf32>
    %reduce_sum3A_39 = vector.multi_reduction <add>, %mul3A_37, %reduce_sum3A_38 [1] : vector<1024x128xf32> to vector<1024xf32>
    %mul3A_40 = arith.mulf %dot_general3A_5, %dot_general3A_13 : vector<1024x128xf32>
    %reduce_sum3A_41 = arith.constant dense<0.000000e+00> : vector<1024xf32>
    %reduce_sum3A_42 = vector.multi_reduction <add>, %mul3A_40, %reduce_sum3A_41 [1] : vector<1024x128xf32> to vector<1024xf32>
    %mul3A_43 = arith.mulf %dot_general3A_21, %dot_general3A_29 : vector<1024x128xf32>
    %reduce_sum3A_44 = arith.constant dense<0.000000e+00> : vector<1024xf32>
    %reduce_sum3A_45 = vector.multi_reduction <add>, %mul3A_43, %reduce_sum3A_44 [1] : vector<1024x128xf32> to vector<1024xf32>
    %max3A = arith.constant 9.99999996E-13 : f32
    %max3A_46 = vector.broadcast %max3A : f32 to vector<1024xf32>
    %max3A_47 = arith.maximumf %reduce_sum3A_30, %max3A_46 : vector<1024xf32>
    %max3A_48 = arith.constant 9.99999996E-13 : f32
    %max3A_49 = vector.broadcast %max3A_48 : f32 to vector<1024xf32>
    %max3A_50 = arith.maximumf %reduce_sum3A_33, %max3A_49 : vector<1024xf32>
    %mul3A_51 = arith.mulf %max3A_47, %max3A_50 : vector<1024xf32>
    %rsqrt3A = math.rsqrt %mul3A_51 : vector<1024xf32>
    %mul3A_52 = arith.mulf %reduce_sum3A_42, %rsqrt3A : vector<1024xf32>
    %max3A_53 = arith.constant 9.99999996E-13 : f32
    %max3A_54 = vector.broadcast %max3A_53 : f32 to vector<1024xf32>
    %max3A_55 = arith.maximumf %reduce_sum3A_36, %max3A_54 : vector<1024xf32>
    %max3A_56 = arith.constant 9.99999996E-13 : f32
    %max3A_57 = vector.broadcast %max3A_56 : f32 to vector<1024xf32>
    %max3A_58 = arith.maximumf %reduce_sum3A_39, %max3A_57 : vector<1024xf32>
    %mul3A_59 = arith.mulf %max3A_55, %max3A_58 : vector<1024xf32>
    %rsqrt3A_60 = math.rsqrt %mul3A_59 : vector<1024xf32>
    %mul3A_61 = arith.mulf %reduce_sum3A_45, %rsqrt3A_60 : vector<1024xf32>
    %mul3A_62 = arith.mulf %reduce_sum3A_30, %reduce_sum3A_33 : vector<1024xf32>
    %sqrt3A = math.sqrt %mul3A_62 : vector<1024xf32>
    %mul3A_63 = arith.mulf %reduce_sum3A_36, %reduce_sum3A_39 : vector<1024xf32>
    %sqrt3A_64 = math.sqrt %mul3A_63 : vector<1024xf32>
    %mul3A_65 = arith.constant 0.949999988 : f32
    %mul3A_66 = vector.broadcast %mul3A_65 : f32 to vector<1024xf32>
    %mul3A_67 = arith.mulf %mul3A_66, %mul3A_52 : vector<1024xf32>
    %abs3A = math.absf %mul3A_67 : vector<1024xf32>
    %mul3A_68 = arith.constant -0.0012624911 : f32
    %mul3A_69 = vector.broadcast %mul3A_68 : f32 to vector<1024xf32>
    %mul3A_70 = arith.mulf %mul3A_69, %abs3A : vector<1024xf32>
    %add3A = arith.constant 6.670090e-03 : f32
    %add3A_71 = vector.broadcast %add3A : f32 to vector<1024xf32>
    %add3A_72 = arith.addf %mul3A_70, %add3A_71 : vector<1024xf32>
    %mul3A_73 = arith.mulf %add3A_72, %abs3A : vector<1024xf32>
    %add3A_74 = arith.constant -0.0170881264 : f32
    %add3A_75 = vector.broadcast %add3A_74 : f32 to vector<1024xf32>
    %add3A_76 = arith.addf %mul3A_73, %add3A_75 : vector<1024xf32>
    %mul3A_77 = arith.mulf %add3A_76, %abs3A : vector<1024xf32>
    %add3A_78 = arith.constant 0.0308918804 : f32
    %add3A_79 = vector.broadcast %add3A_78 : f32 to vector<1024xf32>
    %add3A_80 = arith.addf %mul3A_77, %add3A_79 : vector<1024xf32>
    %mul3A_81 = arith.mulf %add3A_80, %abs3A : vector<1024xf32>
    %add3A_82 = arith.constant -0.0501743034 : f32
    %add3A_83 = vector.broadcast %add3A_82 : f32 to vector<1024xf32>
    %add3A_84 = arith.addf %mul3A_81, %add3A_83 : vector<1024xf32>
    %mul3A_85 = arith.mulf %add3A_84, %abs3A : vector<1024xf32>
    %add3A_86 = arith.constant 0.0889789909 : f32
    %add3A_87 = vector.broadcast %add3A_86 : f32 to vector<1024xf32>
    %add3A_88 = arith.addf %mul3A_85, %add3A_87 : vector<1024xf32>
    %mul3A_89 = arith.mulf %add3A_88, %abs3A : vector<1024xf32>
    %add3A_90 = arith.constant -0.214598805 : f32
    %add3A_91 = vector.broadcast %add3A_90 : f32 to vector<1024xf32>
    %add3A_92 = arith.addf %mul3A_89, %add3A_91 : vector<1024xf32>
    %mul3A_93 = arith.mulf %add3A_92, %abs3A : vector<1024xf32>
    %add3A_94 = arith.constant 1.57079625 : f32
    %add3A_95 = vector.broadcast %add3A_94 : f32 to vector<1024xf32>
    %add3A_96 = arith.addf %mul3A_93, %add3A_95 : vector<1024xf32>
    %sub3A = arith.constant 1.000000e+00 : f32
    %sub3A_97 = vector.broadcast %sub3A : f32 to vector<1024xf32>
    %sub3A_98 = arith.subf %sub3A_97, %abs3A : vector<1024xf32>
    %sqrt3A_99 = math.sqrt %sub3A_98 : vector<1024xf32>
    %mul3A_100 = arith.mulf %sqrt3A_99, %add3A_96 : vector<1024xf32>
    %ge3A = arith.constant 0.000000e+00 : f32
    %ge3A_101 = vector.broadcast %ge3A : f32 to vector<1024xf32>
    %ge3A_102 = arith.cmpf oge, %mul3A_67, %ge3A_101 : vector<1024xf32>
    %sub3A_103 = arith.constant 3.14159274 : f32
    %sub3A_104 = vector.broadcast %sub3A_103 : f32 to vector<1024xf32>
    %sub3A_105 = arith.subf %sub3A_104, %mul3A_100 : vector<1024xf32>
    %select_n3A = arith.select %ge3A_102, %mul3A_100, %sub3A_105 : vector<1024xi1>, vector<1024xf32>
    %mul3A_106 = arith.constant 0.949999988 : f32
    %mul3A_107 = vector.broadcast %mul3A_106 : f32 to vector<1024xf32>
    %mul3A_108 = arith.mulf %mul3A_107, %mul3A_61 : vector<1024xf32>
    %abs3A_109 = math.absf %mul3A_108 : vector<1024xf32>
    %mul3A_110 = arith.constant -0.0012624911 : f32
    %mul3A_111 = vector.broadcast %mul3A_110 : f32 to vector<1024xf32>
    %mul3A_112 = arith.mulf %mul3A_111, %abs3A_109 : vector<1024xf32>
    %add3A_113 = arith.constant 6.670090e-03 : f32
    %add3A_114 = vector.broadcast %add3A_113 : f32 to vector<1024xf32>
    %add3A_115 = arith.addf %mul3A_112, %add3A_114 : vector<1024xf32>
    %mul3A_116 = arith.mulf %add3A_115, %abs3A_109 : vector<1024xf32>
    %add3A_117 = arith.constant -0.0170881264 : f32
    %add3A_118 = vector.broadcast %add3A_117 : f32 to vector<1024xf32>
    %add3A_119 = arith.addf %mul3A_116, %add3A_118 : vector<1024xf32>
    %mul3A_120 = arith.mulf %add3A_119, %abs3A_109 : vector<1024xf32>
    %add3A_121 = arith.constant 0.0308918804 : f32
    %add3A_122 = vector.broadcast %add3A_121 : f32 to vector<1024xf32>
    %add3A_123 = arith.addf %mul3A_120, %add3A_122 : vector<1024xf32>
    %mul3A_124 = arith.mulf %add3A_123, %abs3A_109 : vector<1024xf32>
    %add3A_125 = arith.constant -0.0501743034 : f32
    %add3A_126 = vector.broadcast %add3A_125 : f32 to vector<1024xf32>
    %add3A_127 = arith.addf %mul3A_124, %add3A_126 : vector<1024xf32>
    %mul3A_128 = arith.mulf %add3A_127, %abs3A_109 : vector<1024xf32>
    %add3A_129 = arith.constant 0.0889789909 : f32
    %add3A_130 = vector.broadcast %add3A_129 : f32 to vector<1024xf32>
    %add3A_131 = arith.addf %mul3A_128, %add3A_130 : vector<1024xf32>
    %mul3A_132 = arith.mulf %add3A_131, %abs3A_109 : vector<1024xf32>
    %add3A_133 = arith.constant -0.214598805 : f32
    %add3A_134 = vector.broadcast %add3A_133 : f32 to vector<1024xf32>
    %add3A_135 = arith.addf %mul3A_132, %add3A_134 : vector<1024xf32>
    %mul3A_136 = arith.mulf %add3A_135, %abs3A_109 : vector<1024xf32>
    %add3A_137 = arith.constant 1.57079625 : f32
    %add3A_138 = vector.broadcast %add3A_137 : f32 to vector<1024xf32>
    %add3A_139 = arith.addf %mul3A_136, %add3A_138 : vector<1024xf32>
    %sub3A_140 = arith.constant 1.000000e+00 : f32
    %sub3A_141 = vector.broadcast %sub3A_140 : f32 to vector<1024xf32>
    %sub3A_142 = arith.subf %sub3A_141, %abs3A_109 : vector<1024xf32>
    %sqrt3A_143 = math.sqrt %sub3A_142 : vector<1024xf32>
    %mul3A_144 = arith.mulf %sqrt3A_143, %add3A_139 : vector<1024xf32>
    %ge3A_145 = arith.constant 0.000000e+00 : f32
    %ge3A_146 = vector.broadcast %ge3A_145 : f32 to vector<1024xf32>
    %ge3A_147 = arith.cmpf oge, %mul3A_108, %ge3A_146 : vector<1024xf32>
    %sub3A_148 = arith.constant 3.14159274 : f32
    %sub3A_149 = vector.broadcast %sub3A_148 : f32 to vector<1024xf32>
    %sub3A_150 = arith.subf %sub3A_149, %mul3A_144 : vector<1024xf32>
    %select_n3A_151 = arith.select %ge3A_147, %mul3A_144, %sub3A_150 : vector<1024xi1>, vector<1024xf32>
    %mul3A_152 = arith.mulf %select_n3A, %sqrt3A : vector<1024xf32>
    %mul3A_153 = arith.constant 0.318309873 : f32
    %mul3A_154 = vector.broadcast %mul3A_153 : f32 to vector<1024xf32>
    %mul3A_155 = arith.mulf %mul3A_152, %mul3A_154 : vector<1024xf32>
    %mul3A_156 = arith.mulf %select_n3A_151, %sqrt3A_64 : vector<1024xf32>
    %mul3A_157 = arith.constant 0.318309873 : f32
    %mul3A_158 = vector.broadcast %mul3A_157 : f32 to vector<1024xf32>
    %mul3A_159 = arith.mulf %mul3A_156, %mul3A_158 : vector<1024xf32>
    %neg3A = arith.constant 0.000000e+00 : f32
    %neg3A_160 = vector.broadcast %neg3A : f32 to vector<1024xf32>
    %neg3A_161 = arith.subf %neg3A_160, %mul3A_155 : vector<1024xf32>
    %exp3A = math.exp %neg3A_161 : vector<1024xf32>
    %neg3A_162 = arith.constant 0.000000e+00 : f32
    %neg3A_163 = vector.broadcast %neg3A_162 : f32 to vector<1024xf32>
    %neg3A_164 = arith.subf %neg3A_163, %mul3A_159 : vector<1024xf32>
    %exp3A_165 = math.exp %neg3A_164 : vector<1024xf32>
    %add3A_166 = arith.constant 1.000000e+00 : f32
    %add3A_167 = vector.broadcast %add3A_166 : f32 to vector<1024xf32>
    %add3A_168 = arith.addf %add3A_167, %exp3A : vector<1024xf32>
    %add3A_169 = arith.constant 1.000000e+00 : f32
    %add3A_170 = vector.broadcast %add3A_169 : f32 to vector<1024xf32>
    %add3A_171 = arith.addf %add3A_170, %exp3A_165 : vector<1024xf32>
    %mul3A_172 = arith.mulf %add3A_168, %add3A_171 : vector<1024xf32>
    %log3A = math.log %mul3A_172 : vector<1024xf32>
    %add3A_173 = arith.addf %mul3A_155, %log3A : vector<1024xf32>
    %reduce_sum3A_174 = vector.shape_cast %add3A_173 : vector<1024xf32> to vector<1x1024xf32>
    %reduce_sum3A_175 = arith.constant dense<0.000000e+00> : vector<1xf32>
    %reduce_sum3A_176 = vector.multi_reduction <add>, %reduce_sum3A_174, %reduce_sum3A_175 [1] : vector<1x1024xf32> to vector<1xf32>
    %reduce_sum3A_177 = vector.shape_cast %reduce_sum3A_176 : vector<1xf32> to vector<1x1xf32>
    %reduce_sum3A_178 = vector.extract %reduce_sum3A_177[0, 0] : f32 from vector<1x1xf32>
    %eq3A = arith.constant 0 : i32
    %eq3A_179 = arith.cmpi eq, %arg0, %eq3A : i32
    %convert_element_type3A = arith.extui %eq3A_179 : i1 to i32
    %cond3A = arith.constant 0 : i32
    %cond3A_180 = arith.cmpi ne, %convert_element_type3A, %cond3A : i32
    scf.if %cond3A_180 {
      %get3A_192 = arith.constant 0 : index
      %get3A_193 = arith.constant 0 : index
      %get3A_194 = memref.load %arg7[%get3A_192, %get3A_193] : memref<1x1xf32, #tpu.memory_space<smem>>
      %swap3A_195 = arith.constant 0 : index
      %swap3A_196 = arith.constant 0 : index
      %swap3A_197 = memref.load %arg8[%swap3A_195, %swap3A_196] : memref<1x1xf32, #tpu.memory_space<smem>>
      memref.store %get3A_194, %arg8[%swap3A_195, %swap3A_196] : memref<1x1xf32, #tpu.memory_space<smem>>
    } else {
    }
    %get3A_181 = arith.constant 0 : index
    %get3A_182 = arith.constant 0 : index
    %get3A_183 = memref.load %arg8[%get3A_181, %get3A_182] : memref<1x1xf32, #tpu.memory_space<smem>>
    %add3A_184 = arith.addf %get3A_183, %reduce_sum3A_178 : f32
    %swap3A = arith.constant 0 : index
    %swap3A_185 = arith.constant 0 : index
    %swap3A_186 = memref.load %arg8[%swap3A, %swap3A_185] : memref<1x1xf32, #tpu.memory_space<smem>>
    memref.store %add3A_184, %arg8[%swap3A, %swap3A_185] : memref<1x1xf32, #tpu.memory_space<smem>>
    %eq3A_187 = arith.constant 7 : i32
    %eq3A_188 = arith.cmpi eq, %arg0, %eq3A_187 : i32
    %convert_element_type3A_189 = arith.extui %eq3A_188 : i1 to i32
    %cond3A_190 = arith.constant 0 : i32
    %cond3A_191 = arith.cmpi ne, %convert_element_type3A_189, %cond3A_190 : i32
    scf.if %cond3A_191 {
      %get3A_192 = arith.constant 0 : index
      %get3A_193 = arith.constant 0 : index
      %get3A_194 = memref.load %arg8[%get3A_192, %get3A_193] : memref<1x1xf32, #tpu.memory_space<smem>>
      %mul3A_195 = arith.constant 6.10351563E-5 : f32
      %mul3A_196 = arith.mulf %get3A_194, %mul3A_195 : f32
      %swap3A_197 = arith.constant 0 : index
      %swap3A_198 = arith.constant 0 : index
      %swap3A_199 = memref.load %arg8[%swap3A_197, %swap3A_198] : memref<1x1xf32, #tpu.memory_space<smem>>
      memref.store %mul3A_196, %arg8[%swap3A_197, %swap3A_198] : memref<1x1xf32, #tpu.memory_space<smem>>
    } else {
    }
    return
  }
  func.func @transform_0(%arg0: i32) -> (i32, i32) {
    %add3A = arith.constant 0 : i32
    %add3A_0 = arith.addi %arg0, %add3A : i32
    %c0_i32 = arith.constant 0 : i32
    %c0_i32_1 = arith.constant 0 : i32
    return %add3A_0, %c0_i32 : i32, i32
  }
  func.func @transform_1(%arg0: i32) -> (i32, i32) {
    %add3A = arith.constant 8 : i32
    %add3A_0 = arith.addi %arg0, %add3A : i32
    %c0_i32 = arith.constant 0 : i32
    %c0_i32_1 = arith.constant 0 : i32
    return %add3A_0, %c0_i32 : i32, i32
  }
  func.func @transform_2(%arg0: i32) -> (i32, i32) {
    %add3A = arith.constant 16 : i32
    %add3A_0 = arith.addi %arg0, %add3A : i32
    %c0_i32 = arith.constant 0 : i32
    %c0_i32_1 = arith.constant 0 : i32
    return %add3A_0, %c0_i32 : i32, i32
  }
  func.func @transform_3(%arg0: i32) -> (i32, i32) {
    %add3A = arith.constant 24 : i32
    %add3A_0 = arith.addi %arg0, %add3A : i32
    %c0_i32 = arith.constant 0 : i32
    %c0_i32_1 = arith.constant 0 : i32
    return %add3A_0, %c0_i32 : i32, i32
  }
  func.func @transform_4(%arg0: i32) -> (i32, i32) {
    %c0_i32 = arith.constant 0 : i32
    %c0_i32_0 = arith.constant 0 : i32
    %c0_i32_1 = arith.constant 0 : i32
    return %c0_i32, %c0_i32_0 : i32, i32
  }
  func.func @transform_5(%arg0: i32) -> (i32, i32) {
    %c0_i32 = arith.constant 0 : i32
    %c0_i32_0 = arith.constant 0 : i32
    %c0_i32_1 = arith.constant 0 : i32
    return %c0_i32, %c0_i32_0 : i32, i32
  }
  func.func @transform_6(%arg0: i32) -> (i32, i32) {
    %c0_i32 = arith.constant 0 : i32
    %c0_i32_0 = arith.constant 0 : i32
    %c0_i32_1 = arith.constant 0 : i32
    return %c0_i32, %c0_i32_0 : i32, i32
  }
  func.func @transform_7(%arg0: i32) -> (i32, i32) {
    %c0_i32 = arith.constant 0 : i32
    %c0_i32_0 = arith.constant 0 : i32
    %c0_i32_1 = arith.constant 0 : i32
    return %c0_i32, %c0_i32_0 : i32, i32
  }
}

</mosaic_0001>

<sc_bundles>
// kernel: kernel.6.cloned.1.call-start
scs
__scs_entry_jumppad:
0x0: {  	(pc) =	sbr.rel $0x88, $3  }
0x1: {  	(tag) =	ssettag $0x0;
	lr =	simm.s32 $0x1  }
0x2: {  	[smem:$0x3F9A] =	sst lr;
	_ =	strace $0xD0000000  }
0x3: {  	_ = 	snop  }
0x4: {  	_ = 	snop  }
0x5: {  	_ = 	snop  }
0x6: {  	_ = 	snop  }
0x7: {  	_ = 	snop  }
__scs_overlays_trampoline_lowered:
0x8: {  	[smem:$0x3FA9] =	sst s0  }
0x9: {  	[smem:$0x3FAA] =	sst s1  }
0xa: {  	[smem:$0x3FAB] =	sst s2  }
0xb: {  	[smem:$0x3FAC] =	sst s3  }
0xc: {  	[smem:$0x3FAD] =	sst s4  }
0xd: {  	[smem:$0x3FAE] =	sst s5  }
0xe: {  	[smem:$0x3FAF] =	sst s6  }
0xf: {  	[smem:$0x3FB0] =	sst s7  }
0x10: {  	[smem:$0x3FB1] =	sst s8  }
0x11: {  	[smem:$0x3FB2] =	sst s9;
	s0 =	simm.s32 @!p0 $0x0  }
0x12: {  	s1 =	sld [smem:$0x3F98];
	s0 =	simm.s32 @p0 $0x1  }
0x13: {  	[smem:$0x3FB3] =	sst s0;
	s0 =	simm.s32 @!p1 $0x0  }
0x14: {  	s2 =	sld [smem:$0x3F97];
	s0 =	simm.s32 @p1 $0x1  }
0x15: {  	[smem:$0x3FB4] =	sst s0;
	s0 =	simm.s32 @!p2 $0x0  }
0x16: {  	s3 =	sld [smem:$0x3FDB];
	s0 =	simm.s32 @p2 $0x1  }
0x17: {  	s4 =	simm.s32 $0x1BF5;
	[smem:$0x3FB6] =	sst s0  }
0x18: {  	s0 =	sld [smem:$0x3F99];
	_ =	swait.ge [sflag:s4], $0x0  }
0x19: {  	s7 =	sld [smem:$0x3F9A]  }
0x1a: {  	s8 =	sadd.s32 $0xFFFFE003, lr  }
0x1b: {  	s9 =	sadd.s32 $0xFFFFFEF7, lr;
	s5 =	simm.s32 $0xFFFFFFFF;
	p2 =	slt.u32 s8, $0xFFFFF086  }
0x1c: {  	p1 =	slt.u32 s9, $0xF7A;
	s5 =	simm.s32 @!p2 $0x0  }
0x1d: {  	s5 =	simm.s32 @p1 $0x1;
	p0 =	seq.s32 s7, s2  }
0x1e: {  	s7 =	smul.u32 @!p0 $0xF7A, s2;
	p2 =	seq.s32 @!p0 s5, $0x0  }
0x1f: {  	s9 =	smul.u32 $0xF7A, s1;
	s8 =	simm.s32 @!p0 $0x1BF5;
	p2 =	por !p2, p0  }
0x20: {  	[sflag:s8] =	ssyncset.s32 @!p0 $0xFFFFF086;
	s6 =	sadd.s32 @!p0 s3, s7;
	s7 =	simm.s32 @!p0 $0x108  }
0x21: {  	s3 =	sadd.s32 s3, s9;
	s6 =	sadd.s32 @!p0 $0x88, s6;
	s7 =	simm.s32 @p2 $0x1082  }
0x22: {  	[simem:s7], [sflag:s8] =	dma.local @!p0 [hbm:s6], $0xF7A  }
0x23: {  	s9 =	sor.u32 $0xD0000000, s2;
	s6 =	simm.s32 $0x108;
	_ =	swait.ge @!p0 [sflag:s8], $0x0  }
0x24: {  	s3 =	sadd.s32 $0x88, s3;
	s6 =	simm.s32 @!p1 $0x1082;
	[sflag:s4] =	ssyncset.s32 $0xFFFFF086  }
0x25: {  	[simem:s6], [sflag:s4] =	dma.local [hbm:s3], $0xF7A  }
0x26: {  	[smem:$0x3F9A] =	sst s1;
	(tag) =	ssettag s2;
	_ =	strace s9  }
0x27: {  	s1 =	sld [smem:$0x3FAA]  }
0x28: {  	s2 =	sld [smem:$0x3FAB]  }
0x29: {  	s4 =	sld [smem:$0x3FAD]  }
0x2a: {  	p0 =	seq.s32 s5, $0x0;
	s5 =	sld [smem:$0x3FAE]  }
0x2b: {  	s6 =	sld [smem:$0x3FAF]  }
0x2c: {  	s7 =	sld [smem:$0x3FB0]  }
0x2d: {  	s3 =	simm.s32 $0x108;
	s8 =	sld [smem:$0x3FB1]  }
0x2e: {  	s3 =	simm.s32 @!p0 $0x1082;
	s9 =	sld [smem:$0x3FB2]  }
0x2f: {  	lr =	sadd.s32 s0, s3;
	s0 =	sld [smem:$0x3FA9]  }
0x30: {  	s3 =	sld [smem:$0x3FAC]  }
0x31: {  	[smem:$0x3FB5] =	sst s10  }
0x32: {  	s10 =	sld [smem:$0x3FB3];
	_ =	sdelay $0x3  }
0x33: {  	p0 =	seq.s32 s10, $0x1;
	s10 =	sld [smem:$0x3FB5];
	_ =	sdelay $0x3  }
0x34: {  	[smem:$0x3FB5] =	sst s10  }
0x35: {  	s10 =	sld [smem:$0x3FB4];
	_ =	sdelay $0x3  }
0x36: {  	p1 =	seq.s32 s10, $0x1;
	s10 =	sld [smem:$0x3FB5];
	_ =	sdelay $0x3  }
0x37: {  	[smem:$0x3FB5] =	sst s10  }
0x38: {  	s10 =	sld [smem:$0x3FB6]  }
0x39: {  	_ = 	snop;
	(pc) =	sbr.ind lr, $3  }
0x3a: {  	_ = 	snop  }
0x3b: {  	_ = 	snop  }
0x3c: {  	p2 =	seq.s32 s10, $0x1;
	s10 =	sld [smem:$0x3FB5]  }
0x3d: {  	_ =	shalt  }
0x3e: {  	_ =	shalt  }
0x3f: {  	_ =	shalt  }
0x40: {  	_ =	shalt  }
0x41: {  	_ =	shalt  }
0x42: {  	_ =	shalt  }
0x43: {  	_ =	shalt  }
0x44: {  	_ =	shalt  }
0x45: {  	_ =	shalt  }
0x46: {  	_ =	shalt  }
0x47: {  	_ =	shalt  }
0x48: {  	_ =	shalt  }
0x49: {  	_ =	shalt  }
0x4a: {  	_ =	shalt  }
0x4b: {  	_ =	shalt  }
0x4c: {  	_ =	shalt  }
0x4d: {  	_ =	shalt  }
0x4e: {  	_ =	shalt  }
0x4f: {  	_ =	shalt  }
0x50: {  	_ =	shalt  }
0x51: {  	_ =	shalt  }
0x52: {  	_ =	shalt  }
0x53: {  	_ =	shalt  }
0x54: {  	_ =	shalt  }
0x55: {  	_ =	shalt  }
0x56: {  	_ =	shalt  }
0x57: {  	_ =	shalt  }
0x58: {  	_ =	shalt  }
0x59: {  	_ =	shalt  }
0x5a: {  	_ =	shalt  }
0x5b: {  	_ =	shalt  }
0x5c: {  	_ =	shalt  }
0x5d: {  	_ =	shalt  }
0x5e: {  	_ =	shalt  }
0x5f: {  	_ =	shalt  }
0x60: {  	_ =	shalt  }
0x61: {  	_ =	shalt  }
0x62: {  	_ =	shalt  }
0x63: {  	_ =	shalt  }
0x64: {  	_ =	shalt  }
0x65: {  	_ =	shalt  }
0x66: {  	_ =	shalt  }
0x67: {  	_ =	shalt  }
0x68: {  	_ =	shalt  }
0x69: {  	_ =	shalt  }
0x6a: {  	_ =	shalt  }
0x6b: {  	_ =	shalt  }
0x6c: {  	_ =	shalt  }
0x6d: {  	_ =	shalt  }
0x6e: {  	_ =	shalt  }
0x6f: {  	_ =	shalt  }
0x70: {  	_ =	shalt  }
0x71: {  	_ =	shalt  }
0x72: {  	_ =	shalt  }
0x73: {  	_ =	shalt  }
0x74: {  	_ =	shalt  }
0x75: {  	_ =	shalt  }
0x76: {  	_ =	shalt  }
0x77: {  	_ =	shalt  }
0x78: {  	_ =	shalt  }
0x79: {  	_ =	shalt  }
0x7a: {  	_ =	shalt  }
0x7b: {  	_ =	shalt  }
0x7c: {  	_ =	shalt  }
0x7d: {  	_ =	shalt  }
0x7e: {  	_ =	shalt  }
0x7f: {  	_ =	shalt  }
0x80: {  	_ =	shalt  }
0x81: {  	_ =	shalt  }
0x82: {  	_ =	shalt  }
0x83: {  	_ =	shalt  }
0x84: {  	_ =	shalt  }
0x85: {  	_ =	shalt  }
0x86: {  	_ =	shalt  }
0x87: {  	_ =	shalt  }
.Lfunc_end0:
.L_simem_size_0:
called_computation_lowered:
.L_overlay_start_0:
0x88: {  	s2 =	sld [smem:$0x3FD9]  }
0x89: {  	s3 =	sld [smem:$0x3FFE];
	_ =	sdelay $0x1  }
0x8a: {  	s1 =	srdreg.scid  }
0x8b: {  	s0 =	sand.u32 $0x1, s1  }
0x8c: {  	s17 =	sshll.u32 s0, $0xA;
	s2 =	sadd.s32 s3, s2  }
0x8d: {  	s2 =	sadd.s32 s2, s17  }
0x8e: {  	[smem:$0x3FC1] =	sst s2  }
0x8f: {  	_ = 	snop  }
0x90: {  	s2 =	sld [smem:$0x3FC5];
	(tm) =	ssettm $0x1  }
0x91: {  	s18 =	sld [smem:$0x3FFB];
	_ =	sdelay $0x3  }
0x92: {  	_ =	strace s18  }
0x93: {  	s3 =	sld [smem:$0x3FFC];
	_ =	sdelay $0x3  }
0x94: {  	_ =	strace s3  }
0x95: {  	s3 =	sld [smem:$0x3FFD];
	_ =	sdelay $0x3  }
0x96: {  	_ =	strace s3  }
0x97: {  	_ =	strace $0x8FFFFFFF  }
0x98: {  	s19 =	sld [smem:$0x3FDB];
	_ =	sdelay $0x1  }
0x99: {  	s4 =	simm.s32 $_scs_section_size  }
0x9a: {  	s5 =	simm.s32 $_size__tile_overlayer_lowered;
	s6 =	simm.s32 $_tile_overlayer_lowered  }
0x9b: {  	s22 =	simm.s32 $0x1BFF;
	s21 =	sshll.u32 s6, $0x1;
	s3 =	sadd.s32 s4, s19  }
0x9c: {  	s7 =	simm.s32 $0x0;
	s20 =	sshll.u32 s5, $0x1;
	s5 =	sadd.s32 s21, s3  }
0x9d: {  	[timem:s7], [sflag:s22] =	dma.local [hbm:s5], s20  }
0x9e: {  	_ =	swait.ge [sflag:s22], s20  }
0x9f: {  	s4 =	ssub.s32 $0x0, s20;
	[sflag:s22] =	ssyncset.done $0x0  }
0xa0: {  	[sflag:s22] =	ssyncadd.s32 s4;
	_ =	sdelay $0x1  }
0xa1: {  	s23 =	simm.s32 $0x1B8B  }
0xa2: {  	_ =	swait.ge [sflag:s23], $0x1  }
0xa3: {  	[sflag:s23] =	ssyncset.done $0x0  }
0xa4: {  	s25 =	simm.s32 $0x1B8E;
	s24 =	sld [smem:$0x3FFE];
	[sflag:s23] =	ssyncadd.s32 $0xFFFFFFFF  }
0xa5: {  	s26 =	simm.s32 $execute0_lowered;
	[smem:$0x3FD2] =	sst s25  }
0xa6: {  	s5 =	sshll.u32 s26, $0x1;
	_ =	strace $0x80000046;
	[dreg:$0x1] =	wrdreg $0xFFFFFFFF  }
0xa7: {  	s28 =	simm.s32 $_size_execute0_lowered;
	s3 =	sadd.s32 s3, s5;
	[dreg:$0x0] =	wrdreg $0x0  }
0xa8: {  	s5 =	sshll.u32 s28, $0x1;
	[dreg:$0x2] =	wrdreg s3  }
0xa9: {  	[dreg:$0x3] =	wrdreg s5  }
0xaa: {  	[dreg:$0x4] =	wrdreg $0xC0  }
0xab: {  	_ =	task [dreg:s7], $0x5FFFF  }
0xac: {  	[dreg:$0x1] =	wrdreg $0xFFFFFFFF  }
0xad: {  	[dreg:$0x0] =	wrdreg $0x60  }
0xae: {  	[dreg:$0x2] =	wrdreg s2  }
0xaf: {  	[dreg:$0x3] =	wrdreg s24  }
0xb0: {  	[dreg:$0x4] =	wrdreg $0x9  }
0xb1: {  	_ =	task.clear_ibuf [dreg:s7], $0x5FFFF;
	_ =	strace $0x90000046  }
0xb2: {  	s29 =	simm.s32 $0x9;
	_ =	strace $0x8000004F  }
0xb3: {  	_ =	swait.ge [sflag:s29], $0x1  }
0xb4: {  	[sflag:s29] =	ssyncadd.s32 $0xFFFFFFFF  }
0xb5: {  	_ =	strace $0x9000004F  }
0xb6: {  	_ =	sfence  }
0xb7: {  	s30 =	sld [smem:$0x0];
	_ =	sdelay $0x2  }
0xb8: {  	s31 =	sshll.u32 s1, $0xD;
	s1 =	sshrl.u32 s1, $0x2  }
0xb9: {  	s3 =	sand.u32 $0x4000, s31;
	s1 =	sadd.s32 s1, s30  }
0xba: {  	s0 =	sor.u32 s3, s0;
	s1 =	sshll.u32 s1, $0x11  }
0xbb: {  	s0 =	sor.u32 s1, s0  }
0xbc: {  	s0 =	sadd.s32 $0x8F2B, s0  }
0xbd: {  	[sflag:s0] =	ssyncadd.remote.s32 $0x1  }
0xbe: {  	_ =	sfence.sel $0xFFFF  }
0xbf: {  	[dreg:$0x0] =	wrdreg $0xFFFFFFFF;
	(pc) =	sbr.abs _section_cstart, $3  }
0xc0: {  	[dreg:$0x1] =	wrdreg $0xFFFFFFFF  }
0xc1: {  	_ =	task.clear_ibuf [dreg:s7], $0x2FFFF;
	_ =	strace $0x9FFFFFFF  }
0xc2: {  	(tm) =	ssettm $0x7FFFFFFF  }
0xc3: {  	_ =	shalt  }
tec
execute0_lowered:
.L_overlay_start_1:
0x0: {  	(tag) =	ssettag $0x1  }
0x1: {  	s1 =	srdreg.scid  }
0x2: {  	s0 =	stileid.u32;
	s5 =	sand.u32 $0x1, s1  }
0x3: {  	s2 =	sshll.u32 s0, $0x3;
	s1 =	sshll.u32 s5, $0x7  }
0x4: {  	s6 =	sand.u32 $0x38, s2;
	s1 =	sor.u32 s2, s1  }
0x5: {  	p1 =	sne.s32 s6, $0x0;
	p0 =	seq.s32 s1, $0x0  }
0x6: {  	s3 =	rddreg [dreg:$0x0];
	s7 =	simm.s32 $0x1;
	p0 =	por !p0, !p1  }
0x7: {  	s8 =	rddreg [dreg:$0x1];
	s4 =	simm.s32 $0x0;
	p0 =	por !p0, !p0  }
0x8: {  	s11 =	simm.s32 $0x0;
	s9 =	sshrl.u32 s1, $0x6;
	s7 =	simm.s32 @!p0 $0x0  }
0x9: {  	[smem:$0x7FF] =	sst s4;
	s10 =	ssub.s32 $0x2, s5;
	s7 =	ssub.s32 s9, s7  }
0xa: {  	s5 =	sadd.s32 $0xC00, s8;
	s2 =	rddreg [dreg:$0x2];
	s9 =	sshll.u32 s7, $0xE  }
0xb: {  	s6 =	sshll.u32 s6, $0x9;
	s7 =	sshll.u32 s7, $0x7;
	s9 =	sand.u32 $0xFFFF0000, s9  }
0xc: {  	s29 =	sshrl.u32 s10, $0x1;
	s28 =	sand.u32 $0x180, s7;
	s26 =	sor.u32 s6, s9  }
0xd: {  	v2 =	vlaneseq.u32;
	_ =	strace $0x80000047;
	s30 =	ssub.s32 s10, s29;
	s6 =	sor.u32 s28, s26  }
0xe: {  	vm0 =	vmmov $0xffff;
	v1 =	vshrl.u32 v2, $0x3;
	s10 =	simm.s32 $0x4;
	s9 =	simm.s32 $0x5;
	s31 =	sshrl.u32 s6, $0x3  }
0xf: {  	v0 =	vand.u32 $0x7, v2;
	v2 =	vor.u32 $0x8, v2;
	v1 =	vmul.u32 $0x8, v1;
	s6 =	sadd.s32 $0x2C00, s8;
	s8 =	smax.u32 s30, $0x1;
	s7 =	sadd.s32 s5, s31  }
.LBB2_1:
0x10: {  	_ =	strace $0x80000048;
	s12 =	simm.s32 $0x8  }
0x11: {  	s18 =	simm.s32 $0x0;
	s13 =	simm.s32 $0x0;
	s14 =	simm.s32 $0x0  }
0x12: {  	[tilespmem:s4], [sflag:$0x1] =	stream.linear.gather [hbm4b:s7+s4], $0x80, $0x200038;
	[tilespmem:$0x10100] =	vst v63  }
0x13: {  	s15 =	simm.s32 $0x0;
	s16 =	simm.s32 $0x1;
	_ =	strace $0x90000048  }
.LBB2_2:
0x14: {  	s17 =	sadd.s32 $0x1, s18  }
0x15: {  	p0 =	seq.s32 s17, $0x8  }
0x16: {  	s19 =	sadd.s32 s1, s18;
	s17 =	simm.s32 @p0 $0x0  }
0x17: {  	s21 =	sshra.s32 s19, $0x1F;
	s20 =	sadd.s32 s1, s17  }
0x18: {  	s21 =	sshrl.u32 s21, $0x1A;
	s22 =	sshra.s32 s20, $0x1F  }
0x19: {  	s21 =	sadd.s32 s21, s19;
	s22 =	sshrl.u32 s22, $0x1A  }
0x1a: {  	s23 =	sshra.s32 s21, $0x6;
	s21 =	sand.u32 $0xFFFFFFC0, s21;
	s22 =	sadd.s32 s22, s20  }
0x1b: {  	p5 =	slt.s32 s19, $0x1;
	p1 =	sne.s32 s19, s21;
	s25 =	sand.u32 $0xFFFFFFC0, s22  }
0x1c: {  	p6 =	slt.s32 s20, $0x1;
	p0 =	por !p5, !p1;
	p2 =	sne.s32 s20, s25  }
0x1d: {  	s21 =	simm.s32 $0x1;
	p0 =	por !p0, !p0;
	p1 =	por !p6, !p2  }
0x1e: {  	s24 =	simm.s32 $0x1;
	s21 =	simm.s32 @!p0 $0x0;
	p0 =	por !p1, !p1  }
0x1f: {  	s22 =	sshra.s32 s22, $0x6;
	s20 =	sand.u32 $0x3F, s20;
	s24 =	simm.s32 @!p0 $0x0  }
0x20: {  	s21 =	ssub.s32 s23, s21;
	s23 =	sand.u32 $0x3F, s19;
	s22 =	ssub.s32 s22, s24  }
0x21: {  	p3 =	sne.s32 s23, s20;
	p2 =	sne.s32 s21, s22  }
0x22: {  	p4 =	sne.s32 s12, $0x1;
	p0 =	por p3, p2  }
0x23: {  	p1 =	por !p4, !p0  }
0x24: {  	p1 =	por !p1, !p1  }
0x25: {  	s24 =	sadd.s32 $0xFFFFFFFF, s18;
	p2 =	seq.s32 s18, $0x0;
	s25 =	sshll.u32 @p1 s22, $0xE  }
0x26: {  	s20 =	sshll.u32 @p1 s20, $0x9;
	s22 =	sshll.u32 @p1 s22, $0x7;
	s25 =	sand.u32 @p1 $0xFFFF0000, s25  }
0x27: {  	s24 =	simm.s32 @p2 $0x7;
	s22 =	sand.u32 @p1 $0x180, s22;
	s20 =	sor.u32 @p1 s20, s25  }
0x28: {  	s24 =	sadd.s32 s1, s24;
	_ =	strace @p1 $0x80000049;
	s20 =	sor.u32 @p1 s22, s20  }
0x29: {  	s26 =	simm.s32 @p1 $0x0;
	s22 =	sand.u32 @p1 $0x1, s16;
	s20 =	sshrl.u32 @p1 s20, $0x3  }
0x2a: {  	s25 =	sshll.u32 @p1 s22, $0x7;
	s22 =	sadd.s32 @p1 $0x1, s22;
	s20 =	sadd.s32 @p1 s5, s20  }
0x2b: {  	[tilespmem:s25], [sflag:s22] =	stream.linear.gather @p1 [hbm4b:s20+s26], $0x80, $0x200038;
	[tilespmem:$0x10100] =	vst v63  }
0x2c: {  	s26 =	sshra.s32 s24, $0x1F  }
0x2d: {  	s20 =	sshrl.u32 s26, $0x1A  }
0x2e: {  	s20 =	sadd.s32 s20, s24  }
0x2f: {  	s28 =	sand.u32 $0xFFFFFFC0, s20  }
0x30: {  	p3 =	slt.s32 s24, $0x1;
	p4 =	sne.s32 s24, s28  }
0x31: {  	p2 =	seq.s32 s12, $0x8;
	p3 =	por !p3, !p4  }
0x32: {  	s22 =	simm.s32 $0x1;
	s24 =	sand.u32 $0x3F, s24;
	p3 =	por !p3, !p3  }
0x33: {  	s20 =	sshra.s32 s20, $0x6;
	s22 =	simm.s32 @!p3 $0x0;
	p3 =	sne.s32 @!p2 s23, s24  }
0x34: {  	s20 =	ssub.s32 s20, s22;
	p3 =	por p2, p3  }
0x35: {  	p4 =	seq.s32 @!p3 s21, s20  }
0x36: {  	p3 =	por p3, !p4  }
0x37: {  	_ =	strace @p1 $0x90000049;
	s20 =	sand.u32 @p3 $0x1, s15  }
0x38: {  	_ =	strace @p3 $0x8000004A;
	s20 =	sadd.s32 @p3 $0x1, s20  }
0x39: {  	_ =	swait.ge @p3 [sflag:s20], $0x80  }
0x3a: {  	[sflag:s20] =	ssyncset.done @p3 $0x0  }
0x3b: {  	[sflag:s20] =	ssyncadd.s32 @p3 $0xFFFFFF80  }
0x3c: {  	s29 =	sshll.u32 s15, $0x7;
	_ =	strace @p3 $0x9000004A  }
0x3d: {  	s23 =	sand.u32 $0x80, s29;
	_ =	strace $0x8000004B  }
0x3e: {  	v3 =	vld [tilespmem:s23+$0x0];
	_ =	sdelay $0x4  }
0x3f: {  	v4 =	vshll.u32 v3, $0x1  }
0x40: {  	v3 =	vand.u32 $0x7, v3;
	v4 =	vand.u32 $0xFFFFFFF0, v4  }
0x41: {  	v3 =	vor.u32 v3, v4  }
0x42: {  	v4 =	vperm.xlane v3, v0;
	_ =	sdelay $0x1  }
0x43: {  	v3 =	vperm.xlane v3, v2;
	v4 =	vadd.s32 v1, v4;
	_ =	sdelay $0x1  }
0x44: {  	s20 =	sand.u32 $0x1, s14;
	v3 =	vadd.s32 v1, v3  }
0x45: {  	s22 =	sshll.u32 s20, $0xF  }
0x46: {  	s21 =	sor.u32 $0x100, s22  }
0x47: {  	[tilespmem:s21], [sflag:$0x5] =	stream.indirect_vreg.gather [hbm4b:s3+s4], $0x80, v4, vm0, $0x2000b8;
	[tilespmem:$0x10100] =	vst v63  }
0x48: {  	s30 =	sor.u32 $0x900, s22  }
0x49: {  	[tilespmem:s30], [sflag:$0x5] =	stream.indirect_vreg.gather [hbm4b:s3+s4], $0x80, v3, vm0, $0x2000b8;
	[tilespmem:$0x10100] =	vst v63  }
0x4a: {  	v3 =	vld [tilespmem:s23+$0x10];
	_ =	sdelay $0x4  }
0x4b: {  	v57 =	vshll.u32 v3, $0x1  }
0x4c: {  	v3 =	vand.u32 $0x7, v3;
	v4 =	vand.u32 $0xFFFFFFF0, v57  }
0x4d: {  	v3 =	vor.u32 v3, v4  }
0x4e: {  	v4 =	vperm.xlane v3, v0;
	_ =	sdelay $0x1  }
0x4f: {  	v3 =	vperm.xlane v3, v2;
	v4 =	vadd.s32 v1, v4;
	_ =	sdelay $0x1  }
0x50: {  	v3 =	vadd.s32 v1, v3;
	_ =	sdelay $0x1  }
0x51: {  	s31 =	sor.u32 $0x1100, s22  }
0x52: {  	[tilespmem:s31], [sflag:$0x5] =	stream.indirect_vreg.gather [hbm4b:s3+s4], $0x80, v4, vm0, $0x2000b8;
	[tilespmem:$0x10100] =	vst v63  }
0x53: {  	s25 =	sor.u32 $0x1900, s22  }
0x54: {  	[tilespmem:s25], [sflag:$0x5] =	stream.indirect_vreg.gather [hbm4b:s3+s4], $0x80, v3, vm0, $0x2000b8;
	[tilespmem:$0x10100] =	vst v63  }
0x55: {  	v3 =	vld [tilespmem:s23+$0x20];
	_ =	sdelay $0x4  }
0x56: {  	v58 =	vshll.u32 v3, $0x1  }
0x57: {  	v3 =	vand.u32 $0x7, v3;
	v4 =	vand.u32 $0xFFFFFFF0, v58  }
0x58: {  	v3 =	vor.u32 v3, v4  }
0x59: {  	v4 =	vperm.xlane v3, v0;
	_ =	sdelay $0x1  }
0x5a: {  	v3 =	vperm.xlane v3, v2;
	v4 =	vadd.s32 v1, v4;
	_ =	sdelay $0x1  }
0x5b: {  	v3 =	vadd.s32 v1, v3;
	_ =	sdelay $0x1  }
0x5c: {  	s26 =	sor.u32 $0x2100, s22  }
0x5d: {  	[tilespmem:s26], [sflag:$0x5] =	stream.indirect_vreg.gather [hbm4b:s3+s4], $0x80, v4, vm0, $0x2000b8;
	[tilespmem:$0x10100] =	vst v63  }
0x5e: {  	s28 =	sor.u32 $0x2900, s22  }
0x5f: {  	[tilespmem:s28], [sflag:$0x5] =	stream.indirect_vreg.gather [hbm4b:s3+s4], $0x80, v3, vm0, $0x2000b8;
	[tilespmem:$0x10100] =	vst v63  }
0x60: {  	v3 =	vld [tilespmem:s23+$0x30];
	_ =	sdelay $0x4  }
0x61: {  	v59 =	vshll.u32 v3, $0x1  }
0x62: {  	v3 =	vand.u32 $0x7, v3;
	v4 =	vand.u32 $0xFFFFFFF0, v59  }
0x63: {  	v3 =	vor.u32 v3, v4  }
0x64: {  	v4 =	vperm.xlane v3, v0;
	_ =	sdelay $0x1  }
0x65: {  	v3 =	vperm.xlane v3, v2;
	v4 =	vadd.s32 v1, v4;
	_ =	sdelay $0x1  }
0x66: {  	v3 =	vadd.s32 v1, v3;
	_ =	sdelay $0x1  }
0x67: {  	s29 =	sor.u32 $0x3100, s22  }
0x68: {  	[tilespmem:s29], [sflag:$0x5] =	stream.indirect_vreg.gather [hbm4b:s3+s4], $0x80, v4, vm0, $0x2000b8;
	[tilespmem:$0x10100] =	vst v63  }
0x69: {  	s30 =	sor.u32 $0x3900, s22  }
0x6a: {  	[tilespmem:s30], [sflag:$0x5] =	stream.indirect_vreg.gather [hbm4b:s3+s4], $0x80, v3, vm0, $0x2000b8;
	[tilespmem:$0x10100] =	vst v63  }
0x6b: {  	v3 =	vld [tilespmem:s23+$0x40];
	_ =	sdelay $0x4  }
0x6c: {  	v60 =	vshll.u32 v3, $0x1  }
0x6d: {  	v3 =	vand.u32 $0x7, v3;
	v4 =	vand.u32 $0xFFFFFFF0, v60  }
0x6e: {  	v3 =	vor.u32 v3, v4  }
0x6f: {  	v4 =	vperm.xlane v3, v0;
	_ =	sdelay $0x1  }
0x70: {  	v3 =	vperm.xlane v3, v2;
	v4 =	vadd.s32 v1, v4;
	_ =	sdelay $0x1  }
0x71: {  	v3 =	vadd.s32 v1, v3;
	_ =	sdelay $0x1  }
0x72: {  	s31 =	sor.u32 $0x4100, s22  }
0x73: {  	[tilespmem:s31], [sflag:$0x5] =	stream.indirect_vreg.gather [hbm4b:s3+s4], $0x80, v4, vm0, $0x2000b8;
	[tilespmem:$0x10100] =	vst v63  }
0x74: {  	s25 =	sor.u32 $0x4900, s22  }
0x75: {  	[tilespmem:s25], [sflag:$0x5] =	stream.indirect_vreg.gather [hbm4b:s3+s4], $0x80, v3, vm0, $0x2000b8;
	[tilespmem:$0x10100] =	vst v63  }
0x76: {  	v3 =	vld [tilespmem:s23+$0x50];
	_ =	sdelay $0x4  }
0x77: {  	v61 =	vshll.u32 v3, $0x1  }
0x78: {  	v3 =	vand.u32 $0x7, v3;
	v4 =	vand.u32 $0xFFFFFFF0, v61  }
0x79: {  	v3 =	vor.u32 v3, v4  }
0x7a: {  	v4 =	vperm.xlane v3, v0;
	_ =	sdelay $0x1  }
0x7b: {  	v3 =	vperm.xlane v3, v2;
	v4 =	vadd.s32 v1, v4;
	_ =	sdelay $0x1  }
0x7c: {  	v3 =	vadd.s32 v1, v3;
	_ =	sdelay $0x1  }
0x7d: {  	s26 =	sor.u32 $0x5100, s22  }
0x7e: {  	[tilespmem:s26], [sflag:$0x5] =	stream.indirect_vreg.gather [hbm4b:s3+s4], $0x80, v4, vm0, $0x2000b8;
	[tilespmem:$0x10100] =	vst v63  }
0x7f: {  	s28 =	sor.u32 $0x5900, s22  }
0x80: {  	[tilespmem:s28], [sflag:$0x5] =	stream.indirect_vreg.gather [hbm4b:s3+s4], $0x80, v3, vm0, $0x2000b8;
	[tilespmem:$0x10100] =	vst v63  }
0x81: {  	v3 =	vld [tilespmem:s23+$0x60];
	_ =	sdelay $0x4  }
0x82: {  	v62 =	vshll.u32 v3, $0x1  }
0x83: {  	v3 =	vand.u32 $0x7, v3;
	v4 =	vand.u32 $0xFFFFFFF0, v62  }
0x84: {  	v3 =	vor.u32 v3, v4  }
0x85: {  	v4 =	vperm.xlane v3, v0;
	_ =	sdelay $0x1  }
0x86: {  	v3 =	vperm.xlane v3, v2;
	v4 =	vadd.s32 v1, v4;
	_ =	sdelay $0x1  }
0x87: {  	v3 =	vadd.s32 v1, v3;
	_ =	sdelay $0x1  }
0x88: {  	s29 =	sor.u32 $0x6100, s22  }
0x89: {  	[tilespmem:s29], [sflag:$0x5] =	stream.indirect_vreg.gather [hbm4b:s3+s4], $0x80, v4, vm0, $0x2000b8;
	[tilespmem:$0x10100] =	vst v63  }
0x8a: {  	s30 =	sor.u32 $0x6900, s22  }
0x8b: {  	[tilespmem:s30], [sflag:$0x5] =	stream.indirect_vreg.gather [hbm4b:s3+s4], $0x80, v3, vm0, $0x2000b8;
	[tilespmem:$0x10100] =	vst v63  }
0x8c: {  	v3 =	vld [tilespmem:s23+$0x70];
	_ =	sdelay $0x4  }
0x8d: {  	v63 =	vshll.u32 v3, $0x1  }
0x8e: {  	v3 =	vand.u32 $0x7, v3;
	v4 =	vand.u32 $0xFFFFFFF0, v63  }
0x8f: {  	v3 =	vor.u32 v3, v4  }
0x90: {  	v4 =	vperm.xlane v3, v0;
	_ =	sdelay $0x1  }
0x91: {  	v3 =	vperm.xlane v3, v2;
	v4 =	vadd.s32 v1, v4;
	_ =	sdelay $0x1  }
0x92: {  	v3 =	vadd.s32 v1, v3;
	_ =	sdelay $0x1  }
0x93: {  	s31 =	sor.u32 $0x7100, s22  }
0x94: {  	[tilespmem:s31], [sflag:$0x5] =	stream.indirect_vreg.gather [hbm4b:s3+s4], $0x80, v4, vm0, $0x2000b8;
	[tilespmem:$0x10100] =	vst v63  }
0x95: {  	p5 =	seq.s32 s12, $0x1;
	p6 =	sne.s32 s18, s17;
	s22 =	sor.u32 $0x7900, s22  }
0x96: {  	[tilespmem:s22], [sflag:$0x5] =	stream.indirect_vreg.gather [hbm4b:s3+s4], $0x80, v3, vm0, $0x2000b8;
	[tilespmem:$0x10100] =	vst v63  }
0x97: {  	p4 =	por p5, p6;
	_ =	swait.ge [sflag:s9], $0x8000  }
0x98: {  	s18 =	sshll.u32 @p4 s19, $0xC;
	[sflag:s9] =	ssyncset.done $0x0  }
0x99: {  	s18 =	sand.u32 @p4 $0x1FFFF000, s18;
	[sflag:s9] =	ssyncadd.s32 $0xFFFF8000  }
0x9a: {  	s18 =	sadd.s32 @p4 s6, s18;
	_ =	strace $0x9000004B  }
0x9b: {  	s19 =	sadd.s32 @p4 $0x3, s20;
	s20 =	simm.s32 @p4 $0x0;
	_ =	strace @p4 $0x8000004C  }
0x9c: {  	[hbm4b:s18+s20] =	stream.linear.scatter @p4 [tilespmem:s21], [sflag:s19], $0x8000, $0x200038;
	[tilespmem:$0x10100] =	vst v63  }
0x9d: {  	s19 =	sand.u32 @!p2 $0x1, s13;
	_ =	strace @p4 $0x9000004C  }
0x9e: {  	s19 =	sadd.s32 @!p2 $0x3, s19;
	_ =	strace @!p2 $0x8000004D  }
0x9f: {  	p0 =	por p5, p0;
	s18 =	simm.s32 $0x1;
	_ =	swait.ge @!p2 [sflag:s19], $0x8000  }
0xa0: {  	s18 =	simm.s32 @!p1 $0x0;
	p1 =	sne.s32 s12, $0x8;
	[sflag:s19] =	ssyncset.done @!p2 $0x0  }
0xa1: {  	s12 =	sadd.s32 $0xFFFFFFFF, s12;
	[sflag:s19] =	ssyncadd.s32 @!p2 $0xFFFF8000;
	s19 =	simm.s32 $0x1  }
0xa2: {  	s19 =	simm.s32 @!p0 $0x0;
	p0 =	sne.s32 s12, $0x0  }
.Ltmp0:
0xa3: {  	_ = 	snop;
	(pc) =	sbr.rel @p0 .LBB2_2-.Ltmp0, $4  }
0xa4: {  	s20 =	simm.s32 $0x1;
	s16 =	sadd.s32 s18, s16;
	s18 =	simm.s32 $0x1  }
0xa5: {  	s20 =	simm.s32 @!p4 $0x0;
	s18 =	simm.s32 @!p1 $0x0  }
0xa6: {  	s14 =	sadd.s32 s20, s14;
	s13 =	sadd.s32 s18, s13  }
0xa7: {  	s18 =	smov.u32 s17;
	_ =	strace @!p2 $0x9000004D;
	s15 =	sadd.s32 s19, s15  }
0xa8: {  	s11 =	sadd.s32 $0x1, s11  }
0xa9: {  	p0 =	sne.s32 s11, s8  }
.Ltmp1:
0xaa: {  	_ =	strace $0x8000004E;
	(pc) =	sbr.rel @p0 .LBB2_1-.Ltmp1, $4  }
0xab: {  	_ =	swait.ge [sflag:s10], $0x8000  }
0xac: {  	[sflag:s10] =	ssyncset.done $0x0  }
0xad: {  	[sflag:s10] =	ssyncadd.s32 $0xFFFF8000  }
0xae: {  	_ =	strace $0x9000004E  }
0xaf: {  	_ =	sfence.sel $0x180000  }
0xb0: {  	[bflag:$0x0] =	sbarrier.arrive $0xFFFF  }
0xb1: {  	p0 =	sne.s32 s0, $0x0;
	_ =	strace $0x90000047  }
0xb2: {  	s0 =	sadd.s32 @!p0 $0x100000, s2;
	[bflag:$0x2] =	sbarrier.arrive $0xFFFF  }
0xb3: {  	[sflag:s0] =	ssyncadd.tile.s32 @!p0 $0x1;
	_ =	shalt  }
.Lfunc_end2:
_tile_overlayer_lowered:
.L_overlay_start_2:
0xb4: {  	(tag) =	ssettag $0x2  }
0xb5: {  	s0 =	rddreg [dreg:$0x0];
	s2 =	stileid.u32  }
0xb6: {  	s1 =	rddreg [dreg:$0x1];
	p0 =	sne.s32 s2, $0x0  }
0xb7: {  	s3 =	rddreg [dreg:$0x2];
	[bflag:$0x3] =	sbarrier.arrive $0xFFFF;
	s2 =	simm.s32 @!p0 $0x1C01  }
0xb8: {  	[timem:s3], [sflag:s2] =	dma.local @!p0 [hbm:s0], s1  }
0xb9: {  	s0 =	simm.s32 @!p0 $0x1  }
0xba: {  	_ =	swait.ge @!p0 [sflag:s0], s1  }
0xbb: {  	s1 =	ssub.s32 @!p0 $0x0, s1;
	[sflag:s0] =	ssyncset.done @!p0 $0x0  }
0xbc: {  	[sflag:s0] =	ssyncadd.s32 @!p0 s1  }
0xbd: {  	[bflag:$0x3] =	sbarrier.arrive $0xFFFF  }
0xbe: {  	_ =	shalt  }

// kernel: kernel.9.cloned.1.call-start
scs
__scs_entry_jumppad:
0x0: {  	(pc) =	sbr.rel $0x88, $3  }
0x1: {  	(tag) =	ssettag $0x0;
	lr =	simm.s32 $0x1  }
0x2: {  	[smem:$0x3F9A] =	sst lr;
	_ =	strace $0xD0000000  }
0x3: {  	_ = 	snop  }
0x4: {  	_ = 	snop  }
0x5: {  	_ = 	snop  }
0x6: {  	_ = 	snop  }
0x7: {  	_ = 	snop  }
__scs_overlays_trampoline_lowered:
0x8: {  	[smem:$0x3FA9] =	sst s0  }
0x9: {  	[smem:$0x3FAA] =	sst s1  }
0xa: {  	[smem:$0x3FAB] =	sst s2  }
0xb: {  	[smem:$0x3FAC] =	sst s3  }
0xc: {  	[smem:$0x3FAD] =	sst s4  }
0xd: {  	[smem:$0x3FAE] =	sst s5  }
0xe: {  	[smem:$0x3FAF] =	sst s6  }
0xf: {  	[smem:$0x3FB0] =	sst s7  }
0x10: {  	[smem:$0x3FB1] =	sst s8  }
0x11: {  	[smem:$0x3FB2] =	sst s9;
	s0 =	simm.s32 @!p0 $0x0  }
0x12: {  	s1 =	sld [smem:$0x3F98];
	s0 =	simm.s32 @p0 $0x1  }
0x13: {  	[smem:$0x3FB3] =	sst s0;
	s0 =	simm.s32 @!p1 $0x0  }
0x14: {  	s2 =	sld [smem:$0x3F97];
	s0 =	simm.s32 @p1 $0x1  }
0x15: {  	[smem:$0x3FB4] =	sst s0;
	s0 =	simm.s32 @!p2 $0x0  }
0x16: {  	s3 =	sld [smem:$0x3FDB];
	s0 =	simm.s32 @p2 $0x1  }
0x17: {  	s4 =	simm.s32 $0x1BF5;
	[smem:$0x3FB6] =	sst s0  }
0x18: {  	s0 =	sld [smem:$0x3F99];
	_ =	swait.ge [sflag:s4], $0x0  }
0x19: {  	s7 =	sld [smem:$0x3F9A]  }
0x1a: {  	s8 =	sadd.s32 $0xFFFFE003, lr  }
0x1b: {  	s9 =	sadd.s32 $0xFFFFFEF7, lr;
	s5 =	simm.s32 $0xFFFFFFFF;
	p2 =	slt.u32 s8, $0xFFFFF086  }
0x1c: {  	p1 =	slt.u32 s9, $0xF7A;
	s5 =	simm.s32 @!p2 $0x0  }
0x1d: {  	s5 =	simm.s32 @p1 $0x1;
	p0 =	seq.s32 s7, s2  }
0x1e: {  	s7 =	smul.u32 @!p0 $0xF7A, s2;
	p2 =	seq.s32 @!p0 s5, $0x0  }
0x1f: {  	s9 =	smul.u32 $0xF7A, s1;
	s8 =	simm.s32 @!p0 $0x1BF5;
	p2 =	por !p2, p0  }
0x20: {  	[sflag:s8] =	ssyncset.s32 @!p0 $0xFFFFF086;
	s6 =	sadd.s32 @!p0 s3, s7;
	s7 =	simm.s32 @!p0 $0x108  }
0x21: {  	s3 =	sadd.s32 s3, s9;
	s6 =	sadd.s32 @!p0 $0x88, s6;
	s7 =	simm.s32 @p2 $0x1082  }
0x22: {  	[simem:s7], [sflag:s8] =	dma.local @!p0 [hbm:s6], $0xF7A  }
0x23: {  	s9 =	sor.u32 $0xD0000000, s2;
	s6 =	simm.s32 $0x108;
	_ =	swait.ge @!p0 [sflag:s8], $0x0  }
0x24: {  	s3 =	sadd.s32 $0x88, s3;
	s6 =	simm.s32 @!p1 $0x1082;
	[sflag:s4] =	ssyncset.s32 $0xFFFFF086  }
0x25: {  	[simem:s6], [sflag:s4] =	dma.local [hbm:s3], $0xF7A  }
0x26: {  	[smem:$0x3F9A] =	sst s1;
	(tag) =	ssettag s2;
	_ =	strace s9  }
0x27: {  	s1 =	sld [smem:$0x3FAA]  }
0x28: {  	s2 =	sld [smem:$0x3FAB]  }
0x29: {  	s4 =	sld [smem:$0x3FAD]  }
0x2a: {  	p0 =	seq.s32 s5, $0x0;
	s5 =	sld [smem:$0x3FAE]  }
0x2b: {  	s6 =	sld [smem:$0x3FAF]  }
0x2c: {  	s7 =	sld [smem:$0x3FB0]  }
0x2d: {  	s3 =	simm.s32 $0x108;
	s8 =	sld [smem:$0x3FB1]  }
0x2e: {  	s3 =	simm.s32 @!p0 $0x1082;
	s9 =	sld [smem:$0x3FB2]  }
0x2f: {  	lr =	sadd.s32 s0, s3;
	s0 =	sld [smem:$0x3FA9]  }
0x30: {  	s3 =	sld [smem:$0x3FAC]  }
0x31: {  	[smem:$0x3FB5] =	sst s10  }
0x32: {  	s10 =	sld [smem:$0x3FB3];
	_ =	sdelay $0x3  }
0x33: {  	p0 =	seq.s32 s10, $0x1;
	s10 =	sld [smem:$0x3FB5];
	_ =	sdelay $0x3  }
0x34: {  	[smem:$0x3FB5] =	sst s10  }
0x35: {  	s10 =	sld [smem:$0x3FB4];
	_ =	sdelay $0x3  }
0x36: {  	p1 =	seq.s32 s10, $0x1;
	s10 =	sld [smem:$0x3FB5];
	_ =	sdelay $0x3  }
0x37: {  	[smem:$0x3FB5] =	sst s10  }
0x38: {  	s10 =	sld [smem:$0x3FB6]  }
0x39: {  	_ = 	snop;
	(pc) =	sbr.ind lr, $3  }
0x3a: {  	_ = 	snop  }
0x3b: {  	_ = 	snop  }
0x3c: {  	p2 =	seq.s32 s10, $0x1;
	s10 =	sld [smem:$0x3FB5]  }
0x3d: {  	_ =	shalt  }
0x3e: {  	_ =	shalt  }
0x3f: {  	_ =	shalt  }
0x40: {  	_ =	shalt  }
0x41: {  	_ =	shalt  }
0x42: {  	_ =	shalt  }
0x43: {  	_ =	shalt  }
0x44: {  	_ =	shalt  }
0x45: {  	_ =	shalt  }
0x46: {  	_ =	shalt  }
0x47: {  	_ =	shalt  }
0x48: {  	_ =	shalt  }
0x49: {  	_ =	shalt  }
0x4a: {  	_ =	shalt  }
0x4b: {  	_ =	shalt  }
0x4c: {  	_ =	shalt  }
0x4d: {  	_ =	shalt  }
0x4e: {  	_ =	shalt  }
0x4f: {  	_ =	shalt  }
0x50: {  	_ =	shalt  }
0x51: {  	_ =	shalt  }
0x52: {  	_ =	shalt  }
0x53: {  	_ =	shalt  }
0x54: {  	_ =	shalt  }
0x55: {  	_ =	shalt  }
0x56: {  	_ =	shalt  }
0x57: {  	_ =	shalt  }
0x58: {  	_ =	shalt  }
0x59: {  	_ =	shalt  }
0x5a: {  	_ =	shalt  }
0x5b: {  	_ =	shalt  }
0x5c: {  	_ =	shalt  }
0x5d: {  	_ =	shalt  }
0x5e: {  	_ =	shalt  }
0x5f: {  	_ =	shalt  }
0x60: {  	_ =	shalt  }
0x61: {  	_ =	shalt  }
0x62: {  	_ =	shalt  }
0x63: {  	_ =	shalt  }
0x64: {  	_ =	shalt  }
0x65: {  	_ =	shalt  }
0x66: {  	_ =	shalt  }
0x67: {  	_ =	shalt  }
0x68: {  	_ =	shalt  }
0x69: {  	_ =	shalt  }
0x6a: {  	_ =	shalt  }
0x6b: {  	_ =	shalt  }
0x6c: {  	_ =	shalt  }
0x6d: {  	_ =	shalt  }
0x6e: {  	_ =	shalt  }
0x6f: {  	_ =	shalt  }
0x70: {  	_ =	shalt  }
0x71: {  	_ =	shalt  }
0x72: {  	_ =	shalt  }
0x73: {  	_ =	shalt  }
0x74: {  	_ =	shalt  }
0x75: {  	_ =	shalt  }
0x76: {  	_ =	shalt  }
0x77: {  	_ =	shalt  }
0x78: {  	_ =	shalt  }
0x79: {  	_ =	shalt  }
0x7a: {  	_ =	shalt  }
0x7b: {  	_ =	shalt  }
0x7c: {  	_ =	shalt  }
0x7d: {  	_ =	shalt  }
0x7e: {  	_ =	shalt  }
0x7f: {  	_ =	shalt  }
0x80: {  	_ =	shalt  }
0x81: {  	_ =	shalt  }
0x82: {  	_ =	shalt  }
0x83: {  	_ =	shalt  }
0x84: {  	_ =	shalt  }
0x85: {  	_ =	shalt  }
0x86: {  	_ =	shalt  }
0x87: {  	_ =	shalt  }
.Lfunc_end0:
.L_simem_size_0:
called_computation.1_lowered:
.L_overlay_start_0:
0x88: {  	s2 =	sld [smem:$0x3FD9]  }
0x89: {  	s3 =	sld [smem:$0x3FFE];
	_ =	sdelay $0x1  }
0x8a: {  	s1 =	srdreg.scid  }
0x8b: {  	s0 =	sand.u32 $0x1, s1  }
0x8c: {  	s17 =	sshll.u32 s0, $0xA;
	s2 =	sadd.s32 s3, s2  }
0x8d: {  	s2 =	sadd.s32 s2, s17  }
0x8e: {  	[smem:$0x3FC1] =	sst s2  }
0x8f: {  	_ = 	snop  }
0x90: {  	s18 =	sld [smem:$0x3FC5];
	(tm) =	ssettm $0x1  }
0x91: {  	s19 =	sld [smem:$0x3FFB];
	_ =	sdelay $0x3  }
0x92: {  	_ =	strace s19  }
0x93: {  	s2 =	sld [smem:$0x3FFC];
	_ =	sdelay $0x3  }
0x94: {  	_ =	strace s2  }
0x95: {  	s2 =	sld [smem:$0x3FFD];
	_ =	sdelay $0x3  }
0x96: {  	_ =	strace s2  }
0x97: {  	_ =	strace $0x8FFFFFFF  }
0x98: {  	s20 =	sld [smem:$0x3FDB];
	_ =	sdelay $0x1  }
0x99: {  	s4 =	simm.s32 $_scs_section_size  }
0x9a: {  	s5 =	simm.s32 $_size__tile_overlayer_lowered;
	s6 =	simm.s32 $_tile_overlayer_lowered  }
0x9b: {  	s7 =	simm.s32 $0x1BFF;
	s21 =	sshll.u32 s6, $0x1;
	s4 =	sadd.s32 s4, s20  }
0x9c: {  	s22 =	simm.s32 $0x0;
	s5 =	sshll.u32 s5, $0x1;
	s6 =	sadd.s32 s21, s4  }
0x9d: {  	[timem:s22], [sflag:s7] =	dma.local [hbm:s6], s5  }
0x9e: {  	_ =	swait.ge [sflag:s7], s5  }
0x9f: {  	s5 =	ssub.s32 $0x0, s5;
	[sflag:s7] =	ssyncset.done $0x0  }
0xa0: {  	[sflag:s7] =	ssyncadd.s32 s5;
	_ =	sdelay $0x1  }
0xa1: {  	s23 =	simm.s32 $0x1B8B  }
0xa2: {  	_ =	swait.ge [sflag:s23], $0x1  }
0xa3: {  	[sflag:s23] =	ssyncset.done $0x0  }
0xa4: {  	[sflag:s23] =	ssyncadd.s32 $0xFFFFFFFF  }
0xa5: {  	s5 =	sld [smem:$0x0]  }
0xa6: {  	s6 =	sand.u32 $0xFFFFFFFE, s1  }
0xa7: {  	p0 =	sne.s32 s1, s6  }
0xa8: {  	s6 =	sshll.u32 @p0 s6, $0xE  }
0xa9: {  	s6 =	sadd.s32 @p0 $0x11B8D, s6;
	s7 =	sshll.u32 @p0 s5, $0x11  }
0xaa: {  	s6 =	sor.u32 @p0 s7, s6  }
0xab: {  	[sflag:s6] =	ssyncadd.remote.s32 @p0 $0x1;
	_ =	sdelay $0x1  }
0xac: {  	s6 =	simm.s32 @p0 $0x1B8D  }
0xad: {  	_ =	swait.eq @p0 [sflag:s6], $0x1  }
0xae: {  	[sflag:s6] =	ssyncadd.s32 @p0 $0xFFFFFFFF  }
0xaf: {  	s7 =	sshll.u32 @!p0 s1, $0xE  }
0xb0: {  	s7 =	sor.u32 @!p0 $0x4000, s7;
	s6 =	simm.s32 @!p0 $0x1B8D  }
0xb1: {  	s5 =	sshll.u32 @!p0 s5, $0x11;
	s7 =	sadd.s32 @!p0 $0x11B8D, s7;
	_ =	swait.eq @!p0 [sflag:s6], $0x1  }
0xb2: {  	s5 =	sor.u32 @!p0 s5, s7;
	[sflag:s6] =	ssyncadd.s32 @!p0 $0xFFFFFFFF  }
0xb3: {  	s25 =	simm.s32 $0x1B8E;
	s24 =	sld [smem:$0x3FFE];
	[sflag:s5] =	ssyncadd.remote.s32 @!p0 $0x1  }
0xb4: {  	s26 =	simm.s32 $execute0_lowered;
	[smem:$0x3FD2] =	sst s25  }
0xb5: {  	s6 =	sshll.u32 s26, $0x1;
	_ =	strace $0x80000050;
	[dreg:$0x1] =	wrdreg $0xFFFFFFFF  }
0xb6: {  	s28 =	simm.s32 $_size_execute0_lowered;
	s4 =	sadd.s32 s4, s6;
	[dreg:$0x0] =	wrdreg $0x0  }
0xb7: {  	s6 =	sshll.u32 s28, $0x1;
	[dreg:$0x2] =	wrdreg s4  }
0xb8: {  	[dreg:$0x3] =	wrdreg s6  }
0xb9: {  	[dreg:$0x4] =	wrdreg $0xC0  }
0xba: {  	_ =	task [dreg:s22], $0x5FFFF  }
0xbb: {  	[dreg:$0x1] =	wrdreg $0xFFFFFFFF  }
0xbc: {  	[dreg:$0x0] =	wrdreg $0x60  }
0xbd: {  	[dreg:$0x2] =	wrdreg s18  }
0xbe: {  	[dreg:$0x3] =	wrdreg s24  }
0xbf: {  	[dreg:$0x4] =	wrdreg $0xA  }
0xc0: {  	_ =	task.clear_ibuf [dreg:s22], $0x5FFFF;
	_ =	strace $0x90000050  }
0xc1: {  	s29 =	simm.s32 $0xA;
	_ =	strace $0x80000059  }
0xc2: {  	_ =	swait.ge [sflag:s29], $0x1  }
0xc3: {  	[sflag:s29] =	ssyncadd.s32 $0xFFFFFFFF  }
0xc4: {  	_ =	strace $0x90000059  }
0xc5: {  	_ =	sfence  }
0xc6: {  	s30 =	sld [smem:$0x0];
	_ =	sdelay $0x2  }
0xc7: {  	s31 =	sshll.u32 s1, $0xD;
	s1 =	sshrl.u32 s1, $0x2  }
0xc8: {  	s4 =	sand.u32 $0x4000, s31;
	s1 =	sadd.s32 s1, s30  }
0xc9: {  	s0 =	sor.u32 s4, s0;
	s1 =	sshll.u32 s1, $0x11  }
0xca: {  	s0 =	sor.u32 s1, s0  }
0xcb: {  	s0 =	sadd.s32 $0x8F2B, s0  }
0xcc: {  	[sflag:s0] =	ssyncadd.remote.s32 $0x1  }
0xcd: {  	_ =	sfence.sel $0xFFFF  }
0xce: {  	[dreg:$0x0] =	wrdreg $0xFFFFFFFF;
	(pc) =	sbr.abs _section_cstart, $3  }
0xcf: {  	[dreg:$0x1] =	wrdreg $0xFFFFFFFF  }
0xd0: {  	_ =	task.clear_ibuf [dreg:s22], $0x2FFFF;
	_ =	strace $0x9FFFFFFF  }
0xd1: {  	(tm) =	ssettm $0x7FFFFFFF  }
tec
execute0_lowered:
.L_overlay_start_1:
0x0: {  	(tag) =	ssettag $0x1  }
0x1: {  	s1 =	srdreg.scid  }
0x2: {  	s0 =	stileid.u32;
	s5 =	sand.u32 $0x1, s1  }
0x3: {  	s2 =	sshll.u32 s0, $0x3;
	s1 =	sshll.u32 s5, $0x7  }
0x4: {  	s25 =	sand.u32 $0x7, s0;
	s1 =	sor.u32 s2, s1  }
0x5: {  	p1 =	sne.s32 s25, $0x0;
	p0 =	seq.s32 s1, $0x0  }
0x6: {  	p0 =	por !p1, !p0  }
0x7: {  	s3 =	rddreg [dreg:$0x0];
	s2 =	simm.s32 $0x1;
	p0 =	por !p0, !p0  }
0x8: {  	s6 =	rddreg [dreg:$0x1];
	s4 =	sshrl.u32 s1, $0x6;
	s2 =	simm.s32 @!p0 $0x0  }
0x9: {  	s10 =	simm.s32 $0x4;
	s11 =	simm.s32 $0x0;
	s4 =	ssub.s32 s4, s2  }
0xa: {  	s8 =	sshll.u32 s0, $0xC;
	s28 =	ssub.s32 $0x2, s5;
	s7 =	sshll.u32 s4, $0xE  }
0xb: {  	s5 =	sadd.s32 $0xC00, s6;
	s9 =	sshll.u32 s4, $0x7;
	s7 =	sand.u32 $0xFFFF0000, s7  }
0xc: {  	s6 =	sadd.s32 $0x102C00, s6;
	s26 =	sand.u32 $0x180, s9;
	s7 =	sor.u32 s7, s8  }
0xd: {  	s2 =	rddreg [dreg:$0x2];
	s4 =	simm.s32 $0x0;
	s29 =	sor.u32 s26, s7  }
0xe: {  	v2 =	vlaneseq.u32;
	s30 =	sshrl.u32 s28, $0x1;
	[smem:$0x7FF] =	sst s4;
	s8 =	sshrl.u32 s29, $0x3  }
0xf: {  	vm0 =	vmmov $0xffff;
	v1 =	vshrl.u32 v2, $0x3;
	s9 =	ssub.s32 s28, s30;
	_ =	strace $0x80000051;
	s31 =	sor.u32 $0x1000, s8  }
0x10: {  	v0 =	vand.u32 $0x7, v2;
	v2 =	vor.u32 $0x8, v2;
	v1 =	vmul.u32 $0x8, v1;
	s8 =	smax.u32 s9, $0x1;
	s9 =	simm.s32 $0x5;
	s7 =	sadd.s32 s5, s31  }
.LBB2_1:
0x11: {  	_ =	strace $0x80000052;
	s12 =	simm.s32 $0x8  }
0x12: {  	s18 =	simm.s32 $0x0;
	s13 =	simm.s32 $0x0;
	s14 =	simm.s32 $0x0  }
0x13: {  	[tilespmem:s4], [sflag:$0x1] =	stream.linear.gather [hbm4b:s7+s4], $0x80, $0x200038;
	[tilespmem:$0x10100] =	vst v63  }
0x14: {  	s15 =	simm.s32 $0x0;
	s16 =	simm.s32 $0x1;
	_ =	strace $0x90000052  }
.LBB2_2:
0x15: {  	s17 =	sadd.s32 $0x1, s18  }
0x16: {  	p0 =	seq.s32 s17, $0x8  }
0x17: {  	s19 =	sadd.s32 s1, s18;
	s17 =	simm.s32 @p0 $0x0  }
0x18: {  	s21 =	sshra.s32 s19, $0x1F;
	s20 =	sadd.s32 s1, s17  }
0x19: {  	s21 =	sshrl.u32 s21, $0x1A;
	s22 =	sshra.s32 s20, $0x1F  }
0x1a: {  	s21 =	sadd.s32 s21, s19;
	s22 =	sshrl.u32 s22, $0x1A  }
0x1b: {  	s23 =	sshra.s32 s21, $0x6;
	s21 =	sand.u32 $0xFFFFFFC0, s21;
	s22 =	sadd.s32 s22, s20  }
0x1c: {  	p5 =	slt.s32 s19, $0x1;
	p1 =	sne.s32 s19, s21;
	s30 =	sand.u32 $0xFFFFFFC0, s22  }
0x1d: {  	p6 =	slt.s32 s20, $0x1;
	p0 =	por !p5, !p1;
	p2 =	sne.s32 s20, s30  }
0x1e: {  	s21 =	simm.s32 $0x1;
	p0 =	por !p0, !p0;
	p1 =	por !p6, !p2  }
0x1f: {  	s24 =	simm.s32 $0x1;
	s21 =	simm.s32 @!p0 $0x0;
	p0 =	por !p1, !p1  }
0x20: {  	s22 =	sshra.s32 s22, $0x6;
	s20 =	sand.u32 $0x3F, s20;
	s24 =	simm.s32 @!p0 $0x0  }
0x21: {  	s21 =	ssub.s32 s23, s21;
	s23 =	sand.u32 $0x3F, s19;
	s22 =	ssub.s32 s22, s24  }
0x22: {  	p3 =	sne.s32 s23, s20;
	p2 =	sne.s32 s21, s22  }
0x23: {  	p4 =	sne.s32 s12, $0x1;
	p0 =	por p3, p2  }
0x24: {  	p1 =	por !p4, !p0  }
0x25: {  	p1 =	por !p1, !p1  }
0x26: {  	s24 =	sadd.s32 $0xFFFFFFFF, s18;
	s25 =	sshll.u32 @p1 s22, $0xE  }
0x27: {  	s20 =	sshll.u32 @p1 s20, $0x9;
	s22 =	sshll.u32 @p1 s22, $0x7;
	s25 =	sand.u32 @p1 $0xFFFF0000, s25  }
0x28: {  	p2 =	seq.s32 s18, $0x0;
	s22 =	sand.u32 @p1 $0x180, s22;
	s20 =	sor.u32 @p1 s25, s20  }
0x29: {  	s24 =	simm.s32 @p2 $0x7;
	s20 =	sor.u32 @p1 s22, s20  }
0x2a: {  	s31 =	sadd.s32 s1, s24;
	s24 =	sand.u32 @p1 $0x1, s16;
	s20 =	sor.u32 @p1 $0x8000, s20  }
0x2b: {  	_ =	strace @p1 $0x80000053;
	s26 =	simm.s32 @p1 $0x0;
	s20 =	sshrl.u32 @p1 s20, $0x3  }
0x2c: {  	s25 =	sshll.u32 @p1 s24, $0x7;
	s24 =	sadd.s32 @p1 $0x1, s24;
	s20 =	sadd.s32 @p1 s5, s20  }
0x2d: {  	[tilespmem:s25], [sflag:s24] =	stream.linear.gather @p1 [hbm4b:s20+s26], $0x80, $0x200038;
	[tilespmem:$0x10100] =	vst v63  }
0x2e: {  	s26 =	sshra.s32 s31, $0x1F  }
0x2f: {  	s20 =	sshrl.u32 s26, $0x1A  }
0x30: {  	s20 =	sadd.s32 s20, s31  }
0x31: {  	s28 =	sand.u32 $0xFFFFFFC0, s20  }
0x32: {  	p3 =	slt.s32 s31, $0x1;
	p4 =	sne.s32 s31, s28  }
0x33: {  	p2 =	seq.s32 s12, $0x8;
	p3 =	por !p3, !p4  }
0x34: {  	s22 =	sand.u32 $0x3F, s31;
	s24 =	simm.s32 $0x1;
	p3 =	por !p3, !p3  }
0x35: {  	s20 =	sshra.s32 s20, $0x6;
	s24 =	simm.s32 @!p3 $0x0;
	p3 =	sne.s32 @!p2 s23, s22  }
0x36: {  	s20 =	ssub.s32 s20, s24;
	p3 =	por p2, p3  }
0x37: {  	p4 =	seq.s32 @!p3 s21, s20  }
0x38: {  	p3 =	por p3, !p4  }
0x39: {  	_ =	strace @p1 $0x90000053;
	s20 =	sand.u32 @p3 $0x1, s15  }
0x3a: {  	_ =	strace @p3 $0x80000054;
	s20 =	sadd.s32 @p3 $0x1, s20  }
0x3b: {  	_ =	swait.ge @p3 [sflag:s20], $0x80  }
0x3c: {  	[sflag:s20] =	ssyncset.done @p3 $0x0  }
0x3d: {  	[sflag:s20] =	ssyncadd.s32 @p3 $0xFFFFFF80  }
0x3e: {  	s29 =	sshll.u32 s15, $0x7;
	_ =	strace @p3 $0x90000054  }
0x3f: {  	s23 =	sand.u32 $0x80, s29;
	_ =	strace $0x80000055  }
0x40: {  	v3 =	vld [tilespmem:s23+$0x0];
	_ =	sdelay $0x4  }
0x41: {  	v4 =	vshll.u32 v3, $0x1  }
0x42: {  	v3 =	vand.u32 $0x7, v3;
	v4 =	vand.u32 $0xFFFFFFF0, v4  }
0x43: {  	v3 =	vor.u32 v3, v4  }
0x44: {  	v4 =	vperm.xlane v3, v0;
	_ =	sdelay $0x1  }
0x45: {  	v3 =	vperm.xlane v3, v2;
	v4 =	vadd.s32 v1, v4;
	_ =	sdelay $0x1  }
0x46: {  	s20 =	sand.u32 $0x1, s14;
	v3 =	vadd.s32 v1, v3  }
0x47: {  	s22 =	sshll.u32 s20, $0xF  }
0x48: {  	s21 =	sor.u32 $0x100, s22  }
0x49: {  	[tilespmem:s21], [sflag:$0x5] =	stream.indirect_vreg.gather [hbm4b:s3+s4], $0x80, v4, vm0, $0x2000b8;
	[tilespmem:$0x10100] =	vst v63  }
0x4a: {  	s30 =	sor.u32 $0x900, s22  }
0x4b: {  	[tilespmem:s30], [sflag:$0x5] =	stream.indirect_vreg.gather [hbm4b:s3+s4], $0x80, v3, vm0, $0x2000b8;
	[tilespmem:$0x10100] =	vst v63  }
0x4c: {  	v3 =	vld [tilespmem:s23+$0x10];
	_ =	sdelay $0x4  }
0x4d: {  	v57 =	vshll.u32 v3, $0x1  }
0x4e: {  	v3 =	vand.u32 $0x7, v3;
	v4 =	vand.u32 $0xFFFFFFF0, v57  }
0x4f: {  	v3 =	vor.u32 v3, v4  }
0x50: {  	v4 =	vperm.xlane v3, v0;
	_ =	sdelay $0x1  }
0x51: {  	v3 =	vperm.xlane v3, v2;
	v4 =	vadd.s32 v1, v4;
	_ =	sdelay $0x1  }
0x52: {  	v3 =	vadd.s32 v1, v3;
	_ =	sdelay $0x1  }
0x53: {  	s31 =	sor.u32 $0x1100, s22  }
0x54: {  	[tilespmem:s31], [sflag:$0x5] =	stream.indirect_vreg.gather [hbm4b:s3+s4], $0x80, v4, vm0, $0x2000b8;
	[tilespmem:$0x10100] =	vst v63  }
0x55: {  	s25 =	sor.u32 $0x1900, s22  }
0x56: {  	[tilespmem:s25], [sflag:$0x5] =	stream.indirect_vreg.gather [hbm4b:s3+s4], $0x80, v3, vm0, $0x2000b8;
	[tilespmem:$0x10100] =	vst v63  }
0x57: {  	v3 =	vld [tilespmem:s23+$0x20];
	_ =	sdelay $0x4  }
0x58: {  	v58 =	vshll.u32 v3, $0x1  }
0x59: {  	v3 =	vand.u32 $0x7, v3;
	v4 =	vand.u32 $0xFFFFFFF0, v58  }
0x5a: {  	v3 =	vor.u32 v3, v4  }
0x5b: {  	v4 =	vperm.xlane v3, v0;
	_ =	sdelay $0x1  }
0x5c: {  	v3 =	vperm.xlane v3, v2;
	v4 =	vadd.s32 v1, v4;
	_ =	sdelay $0x1  }
0x5d: {  	v3 =	vadd.s32 v1, v3;
	_ =	sdelay $0x1  }
0x5e: {  	s26 =	sor.u32 $0x2100, s22  }
0x5f: {  	[tilespmem:s26], [sflag:$0x5] =	stream.indirect_vreg.gather [hbm4b:s3+s4], $0x80, v4, vm0, $0x2000b8;
	[tilespmem:$0x10100] =	vst v63  }
0x60: {  	s28 =	sor.u32 $0x2900, s22  }
0x61: {  	[tilespmem:s28], [sflag:$0x5] =	stream.indirect_vreg.gather [hbm4b:s3+s4], $0x80, v3, vm0, $0x2000b8;
	[tilespmem:$0x10100] =	vst v63  }
0x62: {  	v3 =	vld [tilespmem:s23+$0x30];
	_ =	sdelay $0x4  }
0x63: {  	v59 =	vshll.u32 v3, $0x1  }
0x64: {  	v3 =	vand.u32 $0x7, v3;
	v4 =	vand.u32 $0xFFFFFFF0, v59  }
0x65: {  	v3 =	vor.u32 v3, v4  }
0x66: {  	v4 =	vperm.xlane v3, v0;
	_ =	sdelay $0x1  }
0x67: {  	v3 =	vperm.xlane v3, v2;
	v4 =	vadd.s32 v1, v4;
	_ =	sdelay $0x1  }
0x68: {  	v3 =	vadd.s32 v1, v3;
	_ =	sdelay $0x1  }
0x69: {  	s29 =	sor.u32 $0x3100, s22  }
0x6a: {  	[tilespmem:s29], [sflag:$0x5] =	stream.indirect_vreg.gather [hbm4b:s3+s4], $0x80, v4, vm0, $0x2000b8;
	[tilespmem:$0x10100] =	vst v63  }
0x6b: {  	s30 =	sor.u32 $0x3900, s22  }
0x6c: {  	[tilespmem:s30], [sflag:$0x5] =	stream.indirect_vreg.gather [hbm4b:s3+s4], $0x80, v3, vm0, $0x2000b8;
	[tilespmem:$0x10100] =	vst v63  }
0x6d: {  	v3 =	vld [tilespmem:s23+$0x40];
	_ =	sdelay $0x4  }
0x6e: {  	v60 =	vshll.u32 v3, $0x1  }
0x6f: {  	v3 =	vand.u32 $0x7, v3;
	v4 =	vand.u32 $0xFFFFFFF0, v60  }
0x70: {  	v3 =	vor.u32 v3, v4  }
0x71: {  	v4 =	vperm.xlane v3, v0;
	_ =	sdelay $0x1  }
0x72: {  	v3 =	vperm.xlane v3, v2;
	v4 =	vadd.s32 v1, v4;
	_ =	sdelay $0x1  }
0x73: {  	v3 =	vadd.s32 v1, v3;
	_ =	sdelay $0x1  }
0x74: {  	s31 =	sor.u32 $0x4100, s22  }
0x75: {  	[tilespmem:s31], [sflag:$0x5] =	stream.indirect_vreg.gather [hbm4b:s3+s4], $0x80, v4, vm0, $0x2000b8;
	[tilespmem:$0x10100] =	vst v63  }
0x76: {  	s25 =	sor.u32 $0x4900, s22  }
0x77: {  	[tilespmem:s25], [sflag:$0x5] =	stream.indirect_vreg.gather [hbm4b:s3+s4], $0x80, v3, vm0, $0x2000b8;
	[tilespmem:$0x10100] =	vst v63  }
0x78: {  	v3 =	vld [tilespmem:s23+$0x50];
	_ =	sdelay $0x4  }
0x79: {  	v61 =	vshll.u32 v3, $0x1  }
0x7a: {  	v3 =	vand.u32 $0x7, v3;
	v4 =	vand.u32 $0xFFFFFFF0, v61  }
0x7b: {  	v3 =	vor.u32 v3, v4  }
0x7c: {  	v4 =	vperm.xlane v3, v0;
	_ =	sdelay $0x1  }
0x7d: {  	v3 =	vperm.xlane v3, v2;
	v4 =	vadd.s32 v1, v4;
	_ =	sdelay $0x1  }
0x7e: {  	v3 =	vadd.s32 v1, v3;
	_ =	sdelay $0x1  }
0x7f: {  	s26 =	sor.u32 $0x5100, s22  }
0x80: {  	[tilespmem:s26], [sflag:$0x5] =	stream.indirect_vreg.gather [hbm4b:s3+s4], $0x80, v4, vm0, $0x2000b8;
	[tilespmem:$0x10100] =	vst v63  }
0x81: {  	s28 =	sor.u32 $0x5900, s22  }
0x82: {  	[tilespmem:s28], [sflag:$0x5] =	stream.indirect_vreg.gather [hbm4b:s3+s4], $0x80, v3, vm0, $0x2000b8;
	[tilespmem:$0x10100] =	vst v63  }
0x83: {  	v3 =	vld [tilespmem:s23+$0x60];
	_ =	sdelay $0x4  }
0x84: {  	v62 =	vshll.u32 v3, $0x1  }
0x85: {  	v3 =	vand.u32 $0x7, v3;
	v4 =	vand.u32 $0xFFFFFFF0, v62  }
0x86: {  	v3 =	vor.u32 v3, v4  }
0x87: {  	v4 =	vperm.xlane v3, v0;
	_ =	sdelay $0x1  }
0x88: {  	v3 =	vperm.xlane v3, v2;
	v4 =	vadd.s32 v1, v4;
	_ =	sdelay $0x1  }
0x89: {  	v3 =	vadd.s32 v1, v3;
	_ =	sdelay $0x1  }
0x8a: {  	s29 =	sor.u32 $0x6100, s22  }
0x8b: {  	[tilespmem:s29], [sflag:$0x5] =	stream.indirect_vreg.gather [hbm4b:s3+s4], $0x80, v4, vm0, $0x2000b8;
	[tilespmem:$0x10100] =	vst v63  }
0x8c: {  	s30 =	sor.u32 $0x6900, s22  }
0x8d: {  	[tilespmem:s30], [sflag:$0x5] =	stream.indirect_vreg.gather [hbm4b:s3+s4], $0x80, v3, vm0, $0x2000b8;
	[tilespmem:$0x10100] =	vst v63  }
0x8e: {  	v3 =	vld [tilespmem:s23+$0x70];
	_ =	sdelay $0x4  }
0x8f: {  	v63 =	vshll.u32 v3, $0x1  }
0x90: {  	v3 =	vand.u32 $0x7, v3;
	v4 =	vand.u32 $0xFFFFFFF0, v63  }
0x91: {  	v3 =	vor.u32 v3, v4  }
0x92: {  	v4 =	vperm.xlane v3, v0;
	_ =	sdelay $0x1  }
0x93: {  	v3 =	vperm.xlane v3, v2;
	v4 =	vadd.s32 v1, v4;
	_ =	sdelay $0x1  }
0x94: {  	v3 =	vadd.s32 v1, v3;
	_ =	sdelay $0x1  }
0x95: {  	s31 =	sor.u32 $0x7100, s22  }
0x96: {  	[tilespmem:s31], [sflag:$0x5] =	stream.indirect_vreg.gather [hbm4b:s3+s4], $0x80, v4, vm0, $0x2000b8;
	[tilespmem:$0x10100] =	vst v63  }
0x97: {  	p5 =	seq.s32 s12, $0x1;
	p6 =	sne.s32 s18, s17;
	s22 =	sor.u32 $0x7900, s22  }
0x98: {  	[tilespmem:s22], [sflag:$0x5] =	stream.indirect_vreg.gather [hbm4b:s3+s4], $0x80, v3, vm0, $0x2000b8;
	[tilespmem:$0x10100] =	vst v63  }
0x99: {  	p4 =	por p5, p6;
	_ =	swait.ge [sflag:s9], $0x8000  }
0x9a: {  	s18 =	sshll.u32 @p4 s19, $0xC;
	[sflag:s9] =	ssyncset.done $0x0  }
0x9b: {  	s18 =	sand.u32 @p4 $0x1FFFF000, s18;
	[sflag:s9] =	ssyncadd.s32 $0xFFFF8000  }
0x9c: {  	s18 =	sadd.s32 @p4 s6, s18;
	_ =	strace $0x90000055  }
0x9d: {  	s19 =	sadd.s32 @p4 $0x3, s20;
	s20 =	simm.s32 @p4 $0x0;
	_ =	strace @p4 $0x80000056  }
0x9e: {  	[hbm4b:s18+s20] =	stream.linear.scatter @p4 [tilespmem:s21], [sflag:s19], $0x8000, $0x200038;
	[tilespmem:$0x10100] =	vst v63  }
0x9f: {  	s19 =	sand.u32 @!p2 $0x1, s13;
	_ =	strace @p4 $0x90000056  }
0xa0: {  	s19 =	sadd.s32 @!p2 $0x3, s19;
	_ =	strace @!p2 $0x80000057  }
0xa1: {  	p0 =	por p5, p0;
	s18 =	simm.s32 $0x1;
	_ =	swait.ge @!p2 [sflag:s19], $0x8000  }
0xa2: {  	s18 =	simm.s32 @!p1 $0x0;
	p1 =	sne.s32 s12, $0x8;
	[sflag:s19] =	ssyncset.done @!p2 $0x0  }
0xa3: {  	s12 =	sadd.s32 $0xFFFFFFFF, s12;
	[sflag:s19] =	ssyncadd.s32 @!p2 $0xFFFF8000;
	s19 =	simm.s32 $0x1  }
0xa4: {  	s19 =	simm.s32 @!p0 $0x0;
	p0 =	sne.s32 s12, $0x0  }
.Ltmp0:
0xa5: {  	_ = 	snop;
	(pc) =	sbr.rel @p0 .LBB2_2-.Ltmp0, $4  }
0xa6: {  	s20 =	simm.s32 $0x1;
	s16 =	sadd.s32 s18, s16;
	s18 =	simm.s32 $0x1  }
0xa7: {  	s20 =	simm.s32 @!p4 $0x0;
	s18 =	simm.s32 @!p1 $0x0  }
0xa8: {  	s14 =	sadd.s32 s20, s14;
	s13 =	sadd.s32 s18, s13  }
0xa9: {  	s18 =	smov.u32 s17;
	_ =	strace @!p2 $0x90000057;
	s15 =	sadd.s32 s19, s15  }
0xaa: {  	s11 =	sadd.s32 $0x1, s11  }
0xab: {  	p0 =	sne.s32 s11, s8  }
.Ltmp1:
0xac: {  	_ =	strace $0x80000058;
	(pc) =	sbr.rel @p0 .LBB2_1-.Ltmp1, $4  }
0xad: {  	_ =	swait.ge [sflag:s10], $0x8000  }
0xae: {  	[sflag:s10] =	ssyncset.done $0x0  }
0xaf: {  	[sflag:s10] =	ssyncadd.s32 $0xFFFF8000  }
0xb0: {  	_ =	strace $0x90000058  }
0xb1: {  	_ =	sfence.sel $0x180000  }
0xb2: {  	[bflag:$0x0] =	sbarrier.arrive $0xFFFF  }
0xb3: {  	p0 =	sne.s32 s0, $0x0;
	_ =	strace $0x90000051  }
0xb4: {  	s0 =	sadd.s32 @!p0 $0x100000, s2;
	[bflag:$0x2] =	sbarrier.arrive $0xFFFF  }
0xb5: {  	[sflag:s0] =	ssyncadd.tile.s32 @!p0 $0x1;
	_ =	shalt  }
.Lfunc_end2:
_tile_overlayer_lowered:
.L_overlay_start_2:
0xb6: {  	(tag) =	ssettag $0x2  }
0xb7: {  	s0 =	rddreg [dreg:$0x0];
	s2 =	stileid.u32  }
0xb8: {  	s1 =	rddreg [dreg:$0x1];
	p0 =	sne.s32 s2, $0x0  }
0xb9: {  	s3 =	rddreg [dreg:$0x2];
	[bflag:$0x3] =	sbarrier.arrive $0xFFFF;
	s2 =	simm.s32 @!p0 $0x1C01  }
0xba: {  	[timem:s3], [sflag:s2] =	dma.local @!p0 [hbm:s0], s1  }
0xbb: {  	s0 =	simm.s32 @!p0 $0x1  }
0xbc: {  	_ =	swait.ge @!p0 [sflag:s0], s1  }
0xbd: {  	s1 =	ssub.s32 @!p0 $0x0, s1;
	[sflag:s0] =	ssyncset.done @!p0 $0x0  }
0xbe: {  	[sflag:s0] =	ssyncadd.s32 @!p0 s1  }
0xbf: {  	[bflag:$0x3] =	sbarrier.arrive $0xFFFF  }
0xc0: {  	_ =	shalt  }

</sc_bundles>
